<compile_context>
chip_gen: v7x
topology: tpu7x:2x2x1
jax: 0.10.2.dev20260603
libtpu: 0.0.44.dev20260713+nightly
codegen_flags: <defaults>
</compile_context>

<pallas_src>
import functools

import jax
import jax.numpy as jnp
from jax import lax
from jax.experimental import pallas as pl
from jax.experimental.pallas import tpu as pltpu
from jax.experimental.pallas import tpu_sc as plsc

NUM_AGENTS = 10000
NUM_ACTIONS = 320000
DIM = 128
L = 16
NC, NS = 2, 16
A_PAD = 10240
CHUNK1 = NUM_ACTIONS // NS
CHUNK3 = NUM_ACTIONS // (NC * NS)
ASL = A_PAD // NS

G = 80
BE = NUM_ACTIONS // G
BA = A_PAD // G


def _mv_body(x_ref, g_ref, wa_ref, wv_ref, a_ref, v_ref):
    a_ref[...] = lax.dot_general(
        x_ref[...], wa_ref[...], (((1,), (0,)), ((), ())),
        preferred_element_type=jnp.float32)
    v_ref[...] = lax.dot_general(
        g_ref[...], wv_ref[...], (((1,), (0,)), ((), ())),
        preferred_element_type=jnp.float32)


def _matvecs(action_embedding, agent_pad, Wa, Wv):
    return pl.pallas_call(
        _mv_body,
        grid=(G,),
        in_specs=[
            pl.BlockSpec((BE, DIM), lambda i: (i, 0)),
            pl.BlockSpec((BA, DIM), lambda i: (i, 0)),
            pl.BlockSpec((DIM, 1), lambda i: (0, 0)),
            pl.BlockSpec((DIM, 1), lambda i: (0, 0)),
        ],
        out_specs=[
            pl.BlockSpec((BE, 1), lambda i: (i, 0)),
            pl.BlockSpec((BA, 1), lambda i: (i, 0)),
        ],
        out_shape=[
            jax.ShapeDtypeStruct((NUM_ACTIONS, 1), jnp.float32),
            jax.ShapeDtypeStruct((A_PAD, 1), jnp.float32),
        ],
    )(action_embedding, agent_pad, Wa, Wv)


def _sc_body(v_hbm, a_hbm, idx_hbm, bv_hbm, out_hbm,
             idx1_v, a1_v, lseg_v, lcnt_v, stage_v, segacc_v, cntacc_v,
             vsl_v, csl_v, bv_v, c_v, out_v, seg_sh, cnt_sh, c_sh):
    ci = lax.axis_index("c")
    s = lax.axis_index("s")

    pltpu.sync_copy(idx_hbm.at[pl.ds(s * CHUNK1, CHUNK1)], idx1_v)
    pltpu.sync_copy(a_hbm.at[pl.ds(s * CHUNK1, CHUNK1)], a1_v)

    zeros = jnp.zeros((L,), jnp.float32)

    def zbody(i, _):
        lseg_v[pl.ds(i * L, L)] = zeros
        lcnt_v[pl.ds(i * L, L)] = zeros
        return 0

    lax.fori_loop(0, A_PAD // L, zbody, 0)

    ones = jnp.ones((L,), jnp.float32)

    def sbody(j, _):
        iv = idx1_v[pl.ds(j * L, L)]
        av = a1_v[pl.ds(j * L, L)]
        plsc.addupdate_scatter(lseg_v, [iv], av)
        plsc.addupdate_scatter(lcnt_v, [iv], ones)
        return 0

    lax.fori_loop(0, CHUNK1 // L, sbody, 0)

    pltpu.sync_copy(lseg_v, seg_sh.at[s])
    pltpu.sync_copy(lcnt_v, cnt_sh.at[s])
    plsc.subcore_barrier()

    pltpu.sync_copy(v_hbm.at[pl.ds(s * ASL, ASL)], vsl_v)
    pltpu.sync_copy(bv_hbm, bv_v)

    def _reduce_into(arr_sh, acc_v):
        for t in range(NS):
            pltpu.sync_copy(arr_sh.at[t, pl.ds(s * ASL, ASL)], stage_v.at[t])

        def rbody(k, _):
            acc = stage_v[0, pl.ds(k * L, L)]
            for t in range(1, NS):
                acc = acc + stage_v[t, pl.ds(k * L, L)]
            acc_v[pl.ds(k * L, L)] = acc
            return 0

        lax.fori_loop(0, ASL // L, rbody, 0)

    _reduce_into(seg_sh, segacc_v)
    _reduce_into(cnt_sh, cntacc_v)

    def cbody(k, _):
        seg = segacc_v[pl.ds(k * L, L)]
        cnt = cntacc_v[pl.ds(k * L, L)]
        vv = vsl_v[pl.ds(k * L, L)]
        csl_v[pl.ds(k * L, L)] = vv + bv_v[...] - seg / jnp.maximum(cnt, 1.0)
        return 0

    lax.fori_loop(0, ASL // L, cbody, 0)

    pltpu.sync_copy(csl_v, c_sh.at[pl.ds(s * ASL, ASL)])
    plsc.subcore_barrier()

    pltpu.sync_copy(c_sh, c_v)
    off = ci * CHUNK3

    def obody(j, _):
        iv = idx1_v[pl.ds(off + j * L, L)]
        av = a1_v[pl.ds(off + j * L, L)]
        out_v[pl.ds(j * L, L)] = av + plsc.load_gather(c_v, [iv])
        return 0

    lax.fori_loop(0, CHUNK3 // L, obody, 0)

    wid = 2 * s + ci
    pltpu.sync_copy(out_v, out_hbm.at[pl.ds(wid * CHUNK3, CHUNK3)])


_sc_combine = functools.partial(
    pl.kernel,
    mesh=plsc.VectorSubcoreMesh(core_axis_name="c", subcore_axis_name="s"),
    out_type=jax.ShapeDtypeStruct((NUM_ACTIONS,), jnp.float32),
    compiler_params=pltpu.CompilerParams(needs_layout_passes=False),
    scratch_types=[
        pltpu.VMEM((CHUNK1,), jnp.int32),
        pltpu.VMEM((CHUNK1,), jnp.float32),
        pltpu.VMEM((A_PAD,), jnp.float32),
        pltpu.VMEM((A_PAD,), jnp.float32),
        pltpu.VMEM((NS, ASL), jnp.float32),
        pltpu.VMEM((ASL,), jnp.float32),
        pltpu.VMEM((ASL,), jnp.float32),
        pltpu.VMEM((ASL,), jnp.float32),
        pltpu.VMEM((ASL,), jnp.float32),
        pltpu.VMEM((L,), jnp.float32),
        pltpu.VMEM((A_PAD,), jnp.float32),
        pltpu.VMEM((CHUNK3,), jnp.float32),
        pltpu.VMEM_SHARED((NS, A_PAD), jnp.float32),
        pltpu.VMEM_SHARED((NS, A_PAD), jnp.float32),
        pltpu.VMEM_SHARED((A_PAD,), jnp.float32),
    ],
)(_sc_body)


def kernel(agent_embedding, action_embedding, action_index, Wv, bv, Wa, ba):
    del ba
    agent_pad = jnp.concatenate(
        [agent_embedding,
         jnp.zeros((A_PAD - NUM_AGENTS, DIM), jnp.float32)], axis=0)
    a_raw, v_raw = _matvecs(action_embedding, agent_pad, Wa, Wv)
    idx = action_index.astype(jnp.int32)
    bv16 = jnp.broadcast_to(bv.astype(jnp.float32), (L,))
    out = _sc_combine(v_raw[:, 0], a_raw[:, 0], idx, bv16)
    return out, action_index

# --- scband reference (transcript-rebuilt; emitter-appended) ---
"""Pipeline reference for scband-dueling-head-48747878809760 (READ-ONLY COPY).

The authoritative reference and input builder live on the scoring server;
editing this copy changes nothing except your own understanding.
"""

import jax, jax.numpy as jnp
import numpy as np

N_AGENTS = 10000
N_ACTIONS = 320000
AGENT_DIM = 128
ACTION_DIM = 128


def setup_inputs(seed: int = 0) -> dict:
    key = jax.random.key(seed)
    k1, k2, k3, k4, k5, k6, k7 = jax.random.split(key, 7)
    agent_embedding = jax.random.normal(k1, (N_AGENTS, AGENT_DIM), dtype=jnp.float32)
    action_embedding = jax.random.normal(k2, (N_ACTIONS, ACTION_DIM), dtype=jnp.float32)
    action_index = jnp.sort(jax.random.randint(k3, (N_ACTIONS,), 0, N_AGENTS))
    # Learned parameters (nn.Linear weights, stored transposed for x @ W + b)
    Wv = jax.random.normal(k4, (AGENT_DIM, 1), dtype=jnp.float32) * (1.0 / np.sqrt(AGENT_DIM))
    bv = jax.random.normal(k5, (1,), dtype=jnp.float32) * 0.01
    Wa = jax.random.normal(k6, (ACTION_DIM, 1), dtype=jnp.float32) * (1.0 / np.sqrt(ACTION_DIM))
    ba = jax.random.normal(k7, (1,), dtype=jnp.float32) * 0.01
    return {
        "agent_embedding": agent_embedding,
        "action_embedding": action_embedding,
        "action_index": action_index,
        "Wv": Wv,
        "bv": bv,
        "Wa": Wa,
        "ba": ba,
    }


def reference(agent_embedding, action_embedding, action_index, Wv, bv, Wa, ba):
    # state value per agent, gathered to actions
    state_values = (agent_embedding @ Wv + bv)[action_index]  # [E, 1]
    # advantage per action
    action_advantages = action_embedding @ Wa + ba  # [E, 1]
    # segment mean of advantages per agent (MeanAggregation)
    seg_sum = jax.ops.segment_sum(action_advantages, action_index, num_segments=N_AGENTS)
    counts = jax.ops.segment_sum(
        jnp.ones((action_advantages.shape[0], 1), dtype=action_advantages.dtype),
        action_index,
        num_segments=N_AGENTS,
    )
    seg_mean = seg_sum / jnp.maximum(counts, 1.0)
    action_advantages = action_advantages - seg_mean[action_index]
    action_values = state_values + action_advantages
    return (jnp.squeeze(action_values, axis=-1), action_index)

if __name__ == "__main__":
    import jax
    _d = setup_inputs()
    print(jax.jit(kernel)(*tuple(_d.values())))

</pallas_src>

<mosaic_0001>
#map = affine_map<(d0, d1) -> (0)>
module attributes {stable_mosaic.version = 14 : i64} {
  func.func @_sc_body(%arg0: i32, %arg1: i32, %arg2: memref<10240xf32, #tpu.memory_space<hbm>>, %arg3: memref<320000xf32, #tpu.memory_space<hbm>>, %arg4: memref<320000xi32, #tpu.memory_space<hbm>>, %arg5: memref<16xf32, #tpu.memory_space<hbm>>, %arg6: memref<320000xf32, #tpu.memory_space<hbm>>, %arg7: memref<20000xi32, #tpu.memory_space<vmem>>, %arg8: memref<20000xf32, #tpu.memory_space<vmem>>, %arg9: memref<10240xf32, #tpu.memory_space<vmem>>, %arg10: memref<10240xf32, #tpu.memory_space<vmem>>, %arg11: memref<16x640xf32, #tpu.memory_space<vmem>>, %arg12: memref<640xf32, #tpu.memory_space<vmem>>, %arg13: memref<640xf32, #tpu.memory_space<vmem>>, %arg14: memref<640xf32, #tpu.memory_space<vmem>>, %arg15: memref<640xf32, #tpu.memory_space<vmem>>, %arg16: memref<16xf32, #tpu.memory_space<vmem>>, %arg17: memref<10240xf32, #tpu.memory_space<vmem>>, %arg18: memref<10000xf32, #tpu.memory_space<vmem>>, %arg19: memref<16x10240xf32, #tpu.memory_space<vmem_shared>>, %arg20: memref<16x10240xf32, #tpu.memory_space<vmem_shared>>, %arg21: memref<10240xf32, #tpu.memory_space<vmem_shared>>) attributes {dimension_semantics = [#tpu.dimension_semantics<core_parallel>, #tpu.dimension_semantics<subcore_parallel>], iteration_bounds = array<i64: 2, 16>, scalar_prefetch = 0 : i64, scratch_operands = 15 : i64, tpu.core_type = #tpu.core_type<sc_vector_subcore>, window_params = [{transform_indices = #map}, {transform_indices = #map}, {transform_indices = #map}, {transform_indices = #map}, {transform_indices = #map}]} {
    %mul3A = arith.constant 20000 : i32
    %mul3A_0 = arith.muli %arg1, %mul3A : i32
    "tpu.region"() ({
      %run_scoped3A_185 = tpu.sem_alloc : memref<!tpu.dma_semaphore, #tpu.memory_space<semaphore_mem>>
      %dma_start3A = tpu.memref_slice %arg4[%mul3A_0] : memref<320000xi32, #tpu.memory_space<hbm>> -> memref<20000xi32, #tpu.memory_space<hbm>>
      %dma_start3A_186 = tpu.memref_slice %arg4[%mul3A_0] : memref<320000xi32, #tpu.memory_space<hbm>> -> memref<20000xi32, #tpu.memory_space<hbm>>
      tpu.enqueue_dma source(%dma_start3A_186 : memref<20000xi32, #tpu.memory_space<hbm>>) target(%arg7 : memref<20000xi32, #tpu.memory_space<vmem>>) target_semaphore(%run_scoped3A_185 : memref<!tpu.dma_semaphore, #tpu.memory_space<semaphore_mem>>)
      %dma_wait3A = tpu.memref_slice %arg4[%mul3A_0] : memref<320000xi32, #tpu.memory_space<hbm>> -> memref<20000xi32, #tpu.memory_space<hbm>>
      %dma_wait3A_187 = tpu.memref_slice %arg4[%mul3A_0] : memref<320000xi32, #tpu.memory_space<hbm>> -> memref<20000xi32, #tpu.memory_space<hbm>>
      tpu.wait_dma2 semaphore(%run_scoped3A_185 : memref<!tpu.dma_semaphore, #tpu.memory_space<semaphore_mem>>) src(%dma_wait3A_187 : memref<20000xi32, #tpu.memory_space<hbm>>) dst(%arg7 : memref<20000xi32, #tpu.memory_space<vmem>>)
      tpu.yield
    }) : () -> ()
    %mul3A_1 = arith.constant 20000 : i32
    %mul3A_2 = arith.muli %arg1, %mul3A_1 : i32
    "tpu.region"() ({
      %run_scoped3A_185 = tpu.sem_alloc : memref<!tpu.dma_semaphore, #tpu.memory_space<semaphore_mem>>
      %dma_start3A = tpu.memref_slice %arg3[%mul3A_2] : memref<320000xf32, #tpu.memory_space<hbm>> -> memref<20000xf32, #tpu.memory_space<hbm>>
      %dma_start3A_186 = tpu.memref_slice %arg3[%mul3A_2] : memref<320000xf32, #tpu.memory_space<hbm>> -> memref<20000xf32, #tpu.memory_space<hbm>>
      tpu.enqueue_dma source(%dma_start3A_186 : memref<20000xf32, #tpu.memory_space<hbm>>) target(%arg8 : memref<20000xf32, #tpu.memory_space<vmem>>) target_semaphore(%run_scoped3A_185 : memref<!tpu.dma_semaphore, #tpu.memory_space<semaphore_mem>>)
      %dma_wait3A = tpu.memref_slice %arg3[%mul3A_2] : memref<320000xf32, #tpu.memory_space<hbm>> -> memref<20000xf32, #tpu.memory_space<hbm>>
      %dma_wait3A_187 = tpu.memref_slice %arg3[%mul3A_2] : memref<320000xf32, #tpu.memory_space<hbm>> -> memref<20000xf32, #tpu.memory_space<hbm>>
      tpu.wait_dma2 semaphore(%run_scoped3A_185 : memref<!tpu.dma_semaphore, #tpu.memory_space<semaphore_mem>>) src(%dma_wait3A_187 : memref<20000xf32, #tpu.memory_space<hbm>>) dst(%arg8 : memref<20000xf32, #tpu.memory_space<vmem>>)
      tpu.yield
    }) : () -> ()
    %broadcast_in_dim3A = arith.constant 0.000000e+00 : f32
    %broadcast_in_dim3A_3 = vector.broadcast %broadcast_in_dim3A : f32 to vector<16xf32>
    %scan3A = arith.constant 0 : i32
    %scan3A_4 = arith.constant 0 : i32
    %scan3A_5 = arith.constant 640 : i32
    %scan3A_6 = arith.addi %scan3A_4, %scan3A_5 : i32
    %scan3A_7 = arith.constant 1 : i32
    %scan3A_8 = scf.for %scan3A_185 = %scan3A_4 to %scan3A_6 step %scan3A_7 iter_args(%scan3A_186 = %scan3A) -> (i32)  : i32 {
      %mul3A_187 = arith.constant 16 : i32
      %mul3A_188 = arith.muli %scan3A_185, %mul3A_187 : i32
      %swap3A = arith.index_cast %mul3A_188 : i32 to index
      %swap3A_189 = tpu.vector_load %arg9[%swap3A] {strides = array<i32>} : memref<10240xf32, #tpu.memory_space<vmem>>, vector<16xf32>,
      tpu.vector_store %arg9[%swap3A], %broadcast_in_dim3A_3 {strides = array<i32>} : memref<10240xf32, #tpu.memory_space<vmem>>, vector<16xf32>,
      %mul3A_190 = arith.constant 16 : i32
      %mul3A_191 = arith.muli %scan3A_185, %mul3A_190 : i32
      %swap3A_192 = arith.index_cast %mul3A_191 : i32 to index
      %swap3A_193 = tpu.vector_load %arg10[%swap3A_192] {strides = array<i32>} : memref<10240xf32, #tpu.memory_space<vmem>>, vector<16xf32>,
      tpu.vector_store %arg10[%swap3A_192], %broadcast_in_dim3A_3 {strides = array<i32>} : memref<10240xf32, #tpu.memory_space<vmem>>, vector<16xf32>,
      %scan3A_194 = arith.constant 0 : i32
      scf.yield %scan3A_194 : i32
    }
    %scan3A_9 = arith.constant 640 : i32
    %broadcast_in_dim3A_10 = arith.constant 1.000000e+00 : f32
    %broadcast_in_dim3A_11 = vector.broadcast %broadcast_in_dim3A_10 : f32 to vector<16xf32>
    %scan3A_12 = arith.constant 0 : i32
    %scan3A_13 = arith.constant 0 : i32
    %scan3A_14 = arith.constant 1250 : i32
    %scan3A_15 = arith.addi %scan3A_13, %scan3A_14 : i32
    %scan3A_16 = arith.constant 1 : i32
    %scan3A_17 = scf.for %scan3A_185 = %scan3A_13 to %scan3A_15 step %scan3A_16 iter_args(%scan3A_186 = %scan3A_12) -> (i32)  : i32 {
      %mul3A_187 = arith.constant 16 : i32
      %mul3A_188 = arith.muli %scan3A_185, %mul3A_187 : i32
      %get3A = arith.index_cast %mul3A_188 : i32 to index
      %get3A_189 = tpu.vector_load %arg7[%get3A] {strides = array<i32>} : memref<20000xi32, #tpu.memory_space<vmem>>, vector<16xi32>,
      %mul3A_190 = arith.constant 16 : i32
      %mul3A_191 = arith.muli %scan3A_185, %mul3A_190 : i32
      %get3A_192 = arith.index_cast %mul3A_191 : i32 to index
      %get3A_193 = tpu.vector_load %arg8[%get3A_192] {strides = array<i32>} : memref<20000xf32, #tpu.memory_space<vmem>>, vector<16xf32>,
      tpu.vector_store_idx %arg9[%get3A_189], %get3A_193 {add = true} : memref<10240xf32, #tpu.memory_space<vmem>>[vector<16xi32>], vector<16xf32>,
      tpu.vector_store_idx %arg10[%get3A_189], %broadcast_in_dim3A_11 {add = true} : memref<10240xf32, #tpu.memory_space<vmem>>[vector<16xi32>], vector<16xf32>,
      %scan3A_194 = arith.constant 0 : i32
      scf.yield %scan3A_194 : i32
    }
    %scan3A_18 = arith.constant 1250 : i32
    "tpu.region"() ({
      %run_scoped3A_185 = tpu.sem_alloc : memref<!tpu.dma_semaphore, #tpu.memory_space<semaphore_mem>>
      %dma_start3A = arith.constant 0 : i32
      %dma_start3A_186 = tpu.memref_slice %arg19[%arg1, %dma_start3A] : memref<16x10240xf32, #tpu.memory_space<vmem_shared>> -> memref<1x10240xf32, #tpu.memory_space<vmem_shared>>
      %dma_start3A_187 = tpu.memref_squeeze %dma_start3A_186 : memref<1x10240xf32, #tpu.memory_space<vmem_shared>> -> memref<10240xf32, #tpu.memory_space<vmem_shared>>
      %dma_start3A_188 = arith.constant 0 : i32
      %dma_start3A_189 = tpu.memref_slice %arg19[%arg1, %dma_start3A_188] : memref<16x10240xf32, #tpu.memory_space<vmem_shared>> -> memref<1x10240xf32, #tpu.memory_space<vmem_shared>>
      %dma_start3A_190 = tpu.memref_squeeze %dma_start3A_189 : memref<1x10240xf32, #tpu.memory_space<vmem_shared>> -> memref<10240xf32, #tpu.memory_space<vmem_shared>>
      tpu.enqueue_dma source(%arg9 : memref<10240xf32, #tpu.memory_space<vmem>>) target(%dma_start3A_190 : memref<10240xf32, #tpu.memory_space<vmem_shared>>) target_semaphore(%run_scoped3A_185 : memref<!tpu.dma_semaphore, #tpu.memory_space<semaphore_mem>>)
      %dma_wait3A = arith.constant 0 : i32
      %dma_wait3A_191 = tpu.memref_slice %arg19[%arg1, %dma_wait3A] : memref<16x10240xf32, #tpu.memory_space<vmem_shared>> -> memref<1x10240xf32, #tpu.memory_space<vmem_shared>>
      %dma_wait3A_192 = tpu.memref_squeeze %dma_wait3A_191 : memref<1x10240xf32, #tpu.memory_space<vmem_shared>> -> memref<10240xf32, #tpu.memory_space<vmem_shared>>
      %dma_wait3A_193 = arith.constant 0 : i32
      %dma_wait3A_194 = tpu.memref_slice %arg19[%arg1, %dma_wait3A_193] : memref<16x10240xf32, #tpu.memory_space<vmem_shared>> -> memref<1x10240xf32, #tpu.memory_space<vmem_shared>>
      %dma_wait3A_195 = tpu.memref_squeeze %dma_wait3A_194 : memref<1x10240xf32, #tpu.memory_space<vmem_shared>> -> memref<10240xf32, #tpu.memory_space<vmem_shared>>
      tpu.wait_dma2 semaphore(%run_scoped3A_185 : memref<!tpu.dma_semaphore, #tpu.memory_space<semaphore_mem>>) src(%arg9 : memref<10240xf32, #tpu.memory_space<vmem>>) dst(%dma_wait3A_195 : memref<10240xf32, #tpu.memory_space<vmem_shared>>)
      tpu.yield
    }) : () -> ()
    "tpu.region"() ({
      %run_scoped3A_185 = tpu.sem_alloc : memref<!tpu.dma_semaphore, #tpu.memory_space<semaphore_mem>>
      %dma_start3A = arith.constant 0 : i32
      %dma_start3A_186 = tpu.memref_slice %arg20[%arg1, %dma_start3A] : memref<16x10240xf32, #tpu.memory_space<vmem_shared>> -> memref<1x10240xf32, #tpu.memory_space<vmem_shared>>
      %dma_start3A_187 = tpu.memref_squeeze %dma_start3A_186 : memref<1x10240xf32, #tpu.memory_space<vmem_shared>> -> memref<10240xf32, #tpu.memory_space<vmem_shared>>
      %dma_start3A_188 = arith.constant 0 : i32
      %dma_start3A_189 = tpu.memref_slice %arg20[%arg1, %dma_start3A_188] : memref<16x10240xf32, #tpu.memory_space<vmem_shared>> -> memref<1x10240xf32, #tpu.memory_space<vmem_shared>>
      %dma_start3A_190 = tpu.memref_squeeze %dma_start3A_189 : memref<1x10240xf32, #tpu.memory_space<vmem_shared>> -> memref<10240xf32, #tpu.memory_space<vmem_shared>>
      tpu.enqueue_dma source(%arg10 : memref<10240xf32, #tpu.memory_space<vmem>>) target(%dma_start3A_190 : memref<10240xf32, #tpu.memory_space<vmem_shared>>) target_semaphore(%run_scoped3A_185 : memref<!tpu.dma_semaphore, #tpu.memory_space<semaphore_mem>>)
      %dma_wait3A = arith.constant 0 : i32
      %dma_wait3A_191 = tpu.memref_slice %arg20[%arg1, %dma_wait3A] : memref<16x10240xf32, #tpu.memory_space<vmem_shared>> -> memref<1x10240xf32, #tpu.memory_space<vmem_shared>>
      %dma_wait3A_192 = tpu.memref_squeeze %dma_wait3A_191 : memref<1x10240xf32, #tpu.memory_space<vmem_shared>> -> memref<10240xf32, #tpu.memory_space<vmem_shared>>
      %dma_wait3A_193 = arith.constant 0 : i32
      %dma_wait3A_194 = tpu.memref_slice %arg20[%arg1, %dma_wait3A_193] : memref<16x10240xf32, #tpu.memory_space<vmem_shared>> -> memref<1x10240xf32, #tpu.memory_space<vmem_shared>>
      %dma_wait3A_195 = tpu.memref_squeeze %dma_wait3A_194 : memref<1x10240xf32, #tpu.memory_space<vmem_shared>> -> memref<10240xf32, #tpu.memory_space<vmem_shared>>
      tpu.wait_dma2 semaphore(%run_scoped3A_185 : memref<!tpu.dma_semaphore, #tpu.memory_space<semaphore_mem>>) src(%arg10 : memref<10240xf32, #tpu.memory_space<vmem>>) dst(%dma_wait3A_195 : memref<10240xf32, #tpu.memory_space<vmem_shared>>)
      tpu.yield
    }) : () -> ()
    %barrier3A = arith.constant 0 : index
    tpu.barrier barrier_id(%barrier3A)
    %mul3A_19 = arith.constant 640 : i32
    %mul3A_20 = arith.muli %arg1, %mul3A_19 : i32
    "tpu.region"() ({
      %run_scoped3A_185 = tpu.sem_alloc : memref<!tpu.dma_semaphore, #tpu.memory_space<semaphore_mem>>
      %dma_start3A = tpu.memref_slice %arg2[%mul3A_20] : memref<10240xf32, #tpu.memory_space<hbm>> -> memref<640xf32, #tpu.memory_space<hbm>>
      %dma_start3A_186 = tpu.memref_slice %arg2[%mul3A_20] : memref<10240xf32, #tpu.memory_space<hbm>> -> memref<640xf32, #tpu.memory_space<hbm>>
      tpu.enqueue_dma source(%dma_start3A_186 : memref<640xf32, #tpu.memory_space<hbm>>) target(%arg14 : memref<640xf32, #tpu.memory_space<vmem>>) target_semaphore(%run_scoped3A_185 : memref<!tpu.dma_semaphore, #tpu.memory_space<semaphore_mem>>)
      %dma_wait3A = tpu.memref_slice %arg2[%mul3A_20] : memref<10240xf32, #tpu.memory_space<hbm>> -> memref<640xf32, #tpu.memory_space<hbm>>
      %dma_wait3A_187 = tpu.memref_slice %arg2[%mul3A_20] : memref<10240xf32, #tpu.memory_space<hbm>> -> memref<640xf32, #tpu.memory_space<hbm>>
      tpu.wait_dma2 semaphore(%run_scoped3A_185 : memref<!tpu.dma_semaphore, #tpu.memory_space<semaphore_mem>>) src(%dma_wait3A_187 : memref<640xf32, #tpu.memory_space<hbm>>) dst(%arg14 : memref<640xf32, #tpu.memory_space<vmem>>)
      tpu.yield
    }) : () -> ()
    "tpu.region"() ({
      %run_scoped3A_185 = tpu.sem_alloc : memref<!tpu.dma_semaphore, #tpu.memory_space<semaphore_mem>>
      tpu.enqueue_dma source(%arg5 : memref<16xf32, #tpu.memory_space<hbm>>) target(%arg16 : memref<16xf32, #tpu.memory_space<vmem>>) target_semaphore(%run_scoped3A_185 : memref<!tpu.dma_semaphore, #tpu.memory_space<semaphore_mem>>)
      tpu.wait_dma2 semaphore(%run_scoped3A_185 : memref<!tpu.dma_semaphore, #tpu.memory_space<semaphore_mem>>) src(%arg5 : memref<16xf32, #tpu.memory_space<hbm>>) dst(%arg16 : memref<16xf32, #tpu.memory_space<vmem>>)
      tpu.yield
    }) : () -> ()
    %mul3A_21 = arith.constant 640 : i32
    %mul3A_22 = arith.muli %arg1, %mul3A_21 : i32
    %run_scoped3A = arith.constant 0 : i32
    %run_scoped3A_23 = arith.constant 0 : i32
    "tpu.region"() ({
      %run_scoped3A_185 = tpu.sem_alloc : memref<!tpu.dma_semaphore, #tpu.memory_space<semaphore_mem>>
      %dma_start3A = arith.constant 0 : i32
      %dma_start3A_186 = tpu.memref_slice %arg11[%run_scoped3A_23, %dma_start3A] : memref<16x640xf32, #tpu.memory_space<vmem>> -> memref<1x640xf32, #tpu.memory_space<vmem>>
      %dma_start3A_187 = tpu.memref_squeeze %dma_start3A_186 : memref<1x640xf32, #tpu.memory_space<vmem>> -> memref<640xf32, #tpu.memory_space<vmem>>
      %dma_start3A_188 = tpu.memref_slice %arg19[%run_scoped3A, %mul3A_22] : memref<16x10240xf32, #tpu.memory_space<vmem_shared>> -> memref<1x640xf32, #tpu.memory_space<vmem_shared>>
      %dma_start3A_189 = tpu.memref_squeeze %dma_start3A_188 : memref<1x640xf32, #tpu.memory_space<vmem_shared>> -> memref<640xf32, #tpu.memory_space<vmem_shared>>
      %dma_start3A_190 = arith.constant 0 : i32
      %dma_start3A_191 = tpu.memref_slice %arg11[%run_scoped3A_23, %dma_start3A_190] : memref<16x640xf32, #tpu.memory_space<vmem>> -> memref<1x640xf32, #tpu.memory_space<vmem>>
      %dma_start3A_192 = tpu.memref_squeeze %dma_start3A_191 : memref<1x640xf32, #tpu.memory_space<vmem>> -> memref<640xf32, #tpu.memory_space<vmem>>
      %dma_start3A_193 = tpu.memref_slice %arg19[%run_scoped3A, %mul3A_22] : memref<16x10240xf32, #tpu.memory_space<vmem_shared>> -> memref<1x640xf32, #tpu.memory_space<vmem_shared>>
      %dma_start3A_194 = tpu.memref_squeeze %dma_start3A_193 : memref<1x640xf32, #tpu.memory_space<vmem_shared>> -> memref<640xf32, #tpu.memory_space<vmem_shared>>
      tpu.enqueue_dma source(%dma_start3A_194 : memref<640xf32, #tpu.memory_space<vmem_shared>>) target(%dma_start3A_192 : memref<640xf32, #tpu.memory_space<vmem>>) target_semaphore(%run_scoped3A_185 : memref<!tpu.dma_semaphore, #tpu.memory_space<semaphore_mem>>)
      %dma_wait3A = arith.constant 0 : i32
      %dma_wait3A_195 = tpu.memref_slice %arg11[%run_scoped3A_23, %dma_wait3A] : memref<16x640xf32, #tpu.memory_space<vmem>> -> memref<1x640xf32, #tpu.memory_space<vmem>>
      %dma_wait3A_196 = tpu.memref_squeeze %dma_wait3A_195 : memref<1x640xf32, #tpu.memory_space<vmem>> -> memref<640xf32, #tpu.memory_space<vmem>>
      %dma_wait3A_197 = tpu.memref_slice %arg19[%run_scoped3A, %mul3A_22] : memref<16x10240xf32, #tpu.memory_space<vmem_shared>> -> memref<1x640xf32, #tpu.memory_space<vmem_shared>>
      %dma_wait3A_198 = tpu.memref_squeeze %dma_wait3A_197 : memref<1x640xf32, #tpu.memory_space<vmem_shared>> -> memref<640xf32, #tpu.memory_space<vmem_shared>>
      %dma_wait3A_199 = arith.constant 0 : i32
      %dma_wait3A_200 = tpu.memref_slice %arg11[%run_scoped3A_23, %dma_wait3A_199] : memref<16x640xf32, #tpu.memory_space<vmem>> -> memref<1x640xf32, #tpu.memory_space<vmem>>
      %dma_wait3A_201 = tpu.memref_squeeze %dma_wait3A_200 : memref<1x640xf32, #tpu.memory_space<vmem>> -> memref<640xf32, #tpu.memory_space<vmem>>
      %dma_wait3A_202 = tpu.memref_slice %arg19[%run_scoped3A, %mul3A_22] : memref<16x10240xf32, #tpu.memory_space<vmem_shared>> -> memref<1x640xf32, #tpu.memory_space<vmem_shared>>
      %dma_wait3A_203 = tpu.memref_squeeze %dma_wait3A_202 : memref<1x640xf32, #tpu.memory_space<vmem_shared>> -> memref<640xf32, #tpu.memory_space<vmem_shared>>
      tpu.wait_dma2 semaphore(%run_scoped3A_185 : memref<!tpu.dma_semaphore, #tpu.memory_space<semaphore_mem>>) src(%dma_wait3A_203 : memref<640xf32, #tpu.memory_space<vmem_shared>>) dst(%dma_wait3A_201 : memref<640xf32, #tpu.memory_space<vmem>>)
      tpu.yield
    }) : () -> ()
    %mul3A_24 = arith.constant 640 : i32
    %mul3A_25 = arith.muli %arg1, %mul3A_24 : i32
    %run_scoped3A_26 = arith.constant 1 : i32
    %run_scoped3A_27 = arith.constant 1 : i32
    "tpu.region"() ({
      %run_scoped3A_185 = tpu.sem_alloc : memref<!tpu.dma_semaphore, #tpu.memory_space<semaphore_mem>>
      %dma_start3A = arith.constant 0 : i32
      %dma_start3A_186 = tpu.memref_slice %arg11[%run_scoped3A_27, %dma_start3A] : memref<16x640xf32, #tpu.memory_space<vmem>> -> memref<1x640xf32, #tpu.memory_space<vmem>>
      %dma_start3A_187 = tpu.memref_squeeze %dma_start3A_186 : memref<1x640xf32, #tpu.memory_space<vmem>> -> memref<640xf32, #tpu.memory_space<vmem>>
      %dma_start3A_188 = tpu.memref_slice %arg19[%run_scoped3A_26, %mul3A_25] : memref<16x10240xf32, #tpu.memory_space<vmem_shared>> -> memref<1x640xf32, #tpu.memory_space<vmem_shared>>
      %dma_start3A_189 = tpu.memref_squeeze %dma_start3A_188 : memref<1x640xf32, #tpu.memory_space<vmem_shared>> -> memref<640xf32, #tpu.memory_space<vmem_shared>>
      %dma_start3A_190 = arith.constant 0 : i32
      %dma_start3A_191 = tpu.memref_slice %arg11[%run_scoped3A_27, %dma_start3A_190] : memref<16x640xf32, #tpu.memory_space<vmem>> -> memref<1x640xf32, #tpu.memory_space<vmem>>
      %dma_start3A_192 = tpu.memref_squeeze %dma_start3A_191 : memref<1x640xf32, #tpu.memory_space<vmem>> -> memref<640xf32, #tpu.memory_space<vmem>>
      %dma_start3A_193 = tpu.memref_slice %arg19[%run_scoped3A_26, %mul3A_25] : memref<16x10240xf32, #tpu.memory_space<vmem_shared>> -> memref<1x640xf32, #tpu.memory_space<vmem_shared>>
      %dma_start3A_194 = tpu.memref_squeeze %dma_start3A_193 : memref<1x640xf32, #tpu.memory_space<vmem_shared>> -> memref<640xf32, #tpu.memory_space<vmem_shared>>
      tpu.enqueue_dma source(%dma_start3A_194 : memref<640xf32, #tpu.memory_space<vmem_shared>>) target(%dma_start3A_192 : memref<640xf32, #tpu.memory_space<vmem>>) target_semaphore(%run_scoped3A_185 : memref<!tpu.dma_semaphore, #tpu.memory_space<semaphore_mem>>)
      %dma_wait3A = arith.constant 0 : i32
      %dma_wait3A_195 = tpu.memref_slice %arg11[%run_scoped3A_27, %dma_wait3A] : memref<16x640xf32, #tpu.memory_space<vmem>> -> memref<1x640xf32, #tpu.memory_space<vmem>>
      %dma_wait3A_196 = tpu.memref_squeeze %dma_wait3A_195 : memref<1x640xf32, #tpu.memory_space<vmem>> -> memref<640xf32, #tpu.memory_space<vmem>>
      %dma_wait3A_197 = tpu.memref_slice %arg19[%run_scoped3A_26, %mul3A_25] : memref<16x10240xf32, #tpu.memory_space<vmem_shared>> -> memref<1x640xf32, #tpu.memory_space<vmem_shared>>
      %dma_wait3A_198 = tpu.memref_squeeze %dma_wait3A_197 : memref<1x640xf32, #tpu.memory_space<vmem_shared>> -> memref<640xf32, #tpu.memory_space<vmem_shared>>
      %dma_wait3A_199 = arith.constant 0 : i32
      %dma_wait3A_200 = tpu.memref_slice %arg11[%run_scoped3A_27, %dma_wait3A_199] : memref<16x640xf32, #tpu.memory_space<vmem>> -> memref<1x640xf32, #tpu.memory_space<vmem>>
      %dma_wait3A_201 = tpu.memref_squeeze %dma_wait3A_200 : memref<1x640xf32, #tpu.memory_space<vmem>> -> memref<640xf32, #tpu.memory_space<vmem>>
      %dma_wait3A_202 = tpu.memref_slice %arg19[%run_scoped3A_26, %mul3A_25] : memref<16x10240xf32, #tpu.memory_space<vmem_shared>> -> memref<1x640xf32, #tpu.memory_space<vmem_shared>>
      %dma_wait3A_203 = tpu.memref_squeeze %dma_wait3A_202 : memref<1x640xf32, #tpu.memory_space<vmem_shared>> -> memref<640xf32, #tpu.memory_space<vmem_shared>>
      tpu.wait_dma2 semaphore(%run_scoped3A_185 : memref<!tpu.dma_semaphore, #tpu.memory_space<semaphore_mem>>) src(%dma_wait3A_203 : memref<640xf32, #tpu.memory_space<vmem_shared>>) dst(%dma_wait3A_201 : memref<640xf32, #tpu.memory_space<vmem>>)
      tpu.yield
    }) : () -> ()
    %mul3A_28 = arith.constant 640 : i32
    %mul3A_29 = arith.muli %arg1, %mul3A_28 : i32
    %run_scoped3A_30 = arith.constant 2 : i32
    %run_scoped3A_31 = arith.constant 2 : i32
    "tpu.region"() ({
      %run_scoped3A_185 = tpu.sem_alloc : memref<!tpu.dma_semaphore, #tpu.memory_space<semaphore_mem>>
      %dma_start3A = arith.constant 0 : i32
      %dma_start3A_186 = tpu.memref_slice %arg11[%run_scoped3A_31, %dma_start3A] : memref<16x640xf32, #tpu.memory_space<vmem>> -> memref<1x640xf32, #tpu.memory_space<vmem>>
      %dma_start3A_187 = tpu.memref_squeeze %dma_start3A_186 : memref<1x640xf32, #tpu.memory_space<vmem>> -> memref<640xf32, #tpu.memory_space<vmem>>
      %dma_start3A_188 = tpu.memref_slice %arg19[%run_scoped3A_30, %mul3A_29] : memref<16x10240xf32, #tpu.memory_space<vmem_shared>> -> memref<1x640xf32, #tpu.memory_space<vmem_shared>>
      %dma_start3A_189 = tpu.memref_squeeze %dma_start3A_188 : memref<1x640xf32, #tpu.memory_space<vmem_shared>> -> memref<640xf32, #tpu.memory_space<vmem_shared>>
      %dma_start3A_190 = arith.constant 0 : i32
      %dma_start3A_191 = tpu.memref_slice %arg11[%run_scoped3A_31, %dma_start3A_190] : memref<16x640xf32, #tpu.memory_space<vmem>> -> memref<1x640xf32, #tpu.memory_space<vmem>>
      %dma_start3A_192 = tpu.memref_squeeze %dma_start3A_191 : memref<1x640xf32, #tpu.memory_space<vmem>> -> memref<640xf32, #tpu.memory_space<vmem>>
      %dma_start3A_193 = tpu.memref_slice %arg19[%run_scoped3A_30, %mul3A_29] : memref<16x10240xf32, #tpu.memory_space<vmem_shared>> -> memref<1x640xf32, #tpu.memory_space<vmem_shared>>
      %dma_start3A_194 = tpu.memref_squeeze %dma_start3A_193 : memref<1x640xf32, #tpu.memory_space<vmem_shared>> -> memref<640xf32, #tpu.memory_space<vmem_shared>>
      tpu.enqueue_dma source(%dma_start3A_194 : memref<640xf32, #tpu.memory_space<vmem_shared>>) target(%dma_start3A_192 : memref<640xf32, #tpu.memory_space<vmem>>) target_semaphore(%run_scoped3A_185 : memref<!tpu.dma_semaphore, #tpu.memory_space<semaphore_mem>>)
      %dma_wait3A = arith.constant 0 : i32
      %dma_wait3A_195 = tpu.memref_slice %arg11[%run_scoped3A_31, %dma_wait3A] : memref<16x640xf32, #tpu.memory_space<vmem>> -> memref<1x640xf32, #tpu.memory_space<vmem>>
      %dma_wait3A_196 = tpu.memref_squeeze %dma_wait3A_195 : memref<1x640xf32, #tpu.memory_space<vmem>> -> memref<640xf32, #tpu.memory_space<vmem>>
      %dma_wait3A_197 = tpu.memref_slice %arg19[%run_scoped3A_30, %mul3A_29] : memref<16x10240xf32, #tpu.memory_space<vmem_shared>> -> memref<1x640xf32, #tpu.memory_space<vmem_shared>>
      %dma_wait3A_198 = tpu.memref_squeeze %dma_wait3A_197 : memref<1x640xf32, #tpu.memory_space<vmem_shared>> -> memref<640xf32, #tpu.memory_space<vmem_shared>>
      %dma_wait3A_199 = arith.constant 0 : i32
      %dma_wait3A_200 = tpu.memref_slice %arg11[%run_scoped3A_31, %dma_wait3A_199] : memref<16x640xf32, #tpu.memory_space<vmem>> -> memref<1x640xf32, #tpu.memory_space<vmem>>
      %dma_wait3A_201 = tpu.memref_squeeze %dma_wait3A_200 : memref<1x640xf32, #tpu.memory_space<vmem>> -> memref<640xf32, #tpu.memory_space<vmem>>
      %dma_wait3A_202 = tpu.memref_slice %arg19[%run_scoped3A_30, %mul3A_29] : memref<16x10240xf32, #tpu.memory_space<vmem_shared>> -> memref<1x640xf32, #tpu.memory_space<vmem_shared>>
      %dma_wait3A_203 = tpu.memref_squeeze %dma_wait3A_202 : memref<1x640xf32, #tpu.memory_space<vmem_shared>> -> memref<640xf32, #tpu.memory_space<vmem_shared>>
      tpu.wait_dma2 semaphore(%run_scoped3A_185 : memref<!tpu.dma_semaphore, #tpu.memory_space<semaphore_mem>>) src(%dma_wait3A_203 : memref<640xf32, #tpu.memory_space<vmem_shared>>) dst(%dma_wait3A_201 : memref<640xf32, #tpu.memory_space<vmem>>)
      tpu.yield
    }) : () -> ()
    %mul3A_32 = arith.constant 640 : i32
    %mul3A_33 = arith.muli %arg1, %mul3A_32 : i32
    %run_scoped3A_34 = arith.constant 3 : i32
    %run_scoped3A_35 = arith.constant 3 : i32
    "tpu.region"() ({
      %run_scoped3A_185 = tpu.sem_alloc : memref<!tpu.dma_semaphore, #tpu.memory_space<semaphore_mem>>
      %dma_start3A = arith.constant 0 : i32
      %dma_start3A_186 = tpu.memref_slice %arg11[%run_scoped3A_35, %dma_start3A] : memref<16x640xf32, #tpu.memory_space<vmem>> -> memref<1x640xf32, #tpu.memory_space<vmem>>
      %dma_start3A_187 = tpu.memref_squeeze %dma_start3A_186 : memref<1x640xf32, #tpu.memory_space<vmem>> -> memref<640xf32, #tpu.memory_space<vmem>>
      %dma_start3A_188 = tpu.memref_slice %arg19[%run_scoped3A_34, %mul3A_33] : memref<16x10240xf32, #tpu.memory_space<vmem_shared>> -> memref<1x640xf32, #tpu.memory_space<vmem_shared>>
      %dma_start3A_189 = tpu.memref_squeeze %dma_start3A_188 : memref<1x640xf32, #tpu.memory_space<vmem_shared>> -> memref<640xf32, #tpu.memory_space<vmem_shared>>
      %dma_start3A_190 = arith.constant 0 : i32
      %dma_start3A_191 = tpu.memref_slice %arg11[%run_scoped3A_35, %dma_start3A_190] : memref<16x640xf32, #tpu.memory_space<vmem>> -> memref<1x640xf32, #tpu.memory_space<vmem>>
      %dma_start3A_192 = tpu.memref_squeeze %dma_start3A_191 : memref<1x640xf32, #tpu.memory_space<vmem>> -> memref<640xf32, #tpu.memory_space<vmem>>
      %dma_start3A_193 = tpu.memref_slice %arg19[%run_scoped3A_34, %mul3A_33] : memref<16x10240xf32, #tpu.memory_space<vmem_shared>> -> memref<1x640xf32, #tpu.memory_space<vmem_shared>>
      %dma_start3A_194 = tpu.memref_squeeze %dma_start3A_193 : memref<1x640xf32, #tpu.memory_space<vmem_shared>> -> memref<640xf32, #tpu.memory_space<vmem_shared>>
      tpu.enqueue_dma source(%dma_start3A_194 : memref<640xf32, #tpu.memory_space<vmem_shared>>) target(%dma_start3A_192 : memref<640xf32, #tpu.memory_space<vmem>>) target_semaphore(%run_scoped3A_185 : memref<!tpu.dma_semaphore, #tpu.memory_space<semaphore_mem>>)
      %dma_wait3A = arith.constant 0 : i32
      %dma_wait3A_195 = tpu.memref_slice %arg11[%run_scoped3A_35, %dma_wait3A] : memref<16x640xf32, #tpu.memory_space<vmem>> -> memref<1x640xf32, #tpu.memory_space<vmem>>
      %dma_wait3A_196 = tpu.memref_squeeze %dma_wait3A_195 : memref<1x640xf32, #tpu.memory_space<vmem>> -> memref<640xf32, #tpu.memory_space<vmem>>
      %dma_wait3A_197 = tpu.memref_slice %arg19[%run_scoped3A_34, %mul3A_33] : memref<16x10240xf32, #tpu.memory_space<vmem_shared>> -> memref<1x640xf32, #tpu.memory_space<vmem_shared>>
      %dma_wait3A_198 = tpu.memref_squeeze %dma_wait3A_197 : memref<1x640xf32, #tpu.memory_space<vmem_shared>> -> memref<640xf32, #tpu.memory_space<vmem_shared>>
      %dma_wait3A_199 = arith.constant 0 : i32
      %dma_wait3A_200 = tpu.memref_slice %arg11[%run_scoped3A_35, %dma_wait3A_199] : memref<16x640xf32, #tpu.memory_space<vmem>> -> memref<1x640xf32, #tpu.memory_space<vmem>>
      %dma_wait3A_201 = tpu.memref_squeeze %dma_wait3A_200 : memref<1x640xf32, #tpu.memory_space<vmem>> -> memref<640xf32, #tpu.memory_space<vmem>>
      %dma_wait3A_202 = tpu.memref_slice %arg19[%run_scoped3A_34, %mul3A_33] : memref<16x10240xf32, #tpu.memory_space<vmem_shared>> -> memref<1x640xf32, #tpu.memory_space<vmem_shared>>
      %dma_wait3A_203 = tpu.memref_squeeze %dma_wait3A_202 : memref<1x640xf32, #tpu.memory_space<vmem_shared>> -> memref<640xf32, #tpu.memory_space<vmem_shared>>
      tpu.wait_dma2 semaphore(%run_scoped3A_185 : memref<!tpu.dma_semaphore, #tpu.memory_space<semaphore_mem>>) src(%dma_wait3A_203 : memref<640xf32, #tpu.memory_space<vmem_shared>>) dst(%dma_wait3A_201 : memref<640xf32, #tpu.memory_space<vmem>>)
      tpu.yield
    }) : () -> ()
    %mul3A_36 = arith.constant 640 : i32
    %mul3A_37 = arith.muli %arg1, %mul3A_36 : i32
    %run_scoped3A_38 = arith.constant 4 : i32
    %run_scoped3A_39 = arith.constant 4 : i32
    "tpu.region"() ({
      %run_scoped3A_185 = tpu.sem_alloc : memref<!tpu.dma_semaphore, #tpu.memory_space<semaphore_mem>>
      %dma_start3A = arith.constant 0 : i32
      %dma_start3A_186 = tpu.memref_slice %arg11[%run_scoped3A_39, %dma_start3A] : memref<16x640xf32, #tpu.memory_space<vmem>> -> memref<1x640xf32, #tpu.memory_space<vmem>>
      %dma_start3A_187 = tpu.memref_squeeze %dma_start3A_186 : memref<1x640xf32, #tpu.memory_space<vmem>> -> memref<640xf32, #tpu.memory_space<vmem>>
      %dma_start3A_188 = tpu.memref_slice %arg19[%run_scoped3A_38, %mul3A_37] : memref<16x10240xf32, #tpu.memory_space<vmem_shared>> -> memref<1x640xf32, #tpu.memory_space<vmem_shared>>
      %dma_start3A_189 = tpu.memref_squeeze %dma_start3A_188 : memref<1x640xf32, #tpu.memory_space<vmem_shared>> -> memref<640xf32, #tpu.memory_space<vmem_shared>>
      %dma_start3A_190 = arith.constant 0 : i32
      %dma_start3A_191 = tpu.memref_slice %arg11[%run_scoped3A_39, %dma_start3A_190] : memref<16x640xf32, #tpu.memory_space<vmem>> -> memref<1x640xf32, #tpu.memory_space<vmem>>
      %dma_start3A_192 = tpu.memref_squeeze %dma_start3A_191 : memref<1x640xf32, #tpu.memory_space<vmem>> -> memref<640xf32, #tpu.memory_space<vmem>>
      %dma_start3A_193 = tpu.memref_slice %arg19[%run_scoped3A_38, %mul3A_37] : memref<16x10240xf32, #tpu.memory_space<vmem_shared>> -> memref<1x640xf32, #tpu.memory_space<vmem_shared>>
      %dma_start3A_194 = tpu.memref_squeeze %dma_start3A_193 : memref<1x640xf32, #tpu.memory_space<vmem_shared>> -> memref<640xf32, #tpu.memory_space<vmem_shared>>
      tpu.enqueue_dma source(%dma_start3A_194 : memref<640xf32, #tpu.memory_space<vmem_shared>>) target(%dma_start3A_192 : memref<640xf32, #tpu.memory_space<vmem>>) target_semaphore(%run_scoped3A_185 : memref<!tpu.dma_semaphore, #tpu.memory_space<semaphore_mem>>)
      %dma_wait3A = arith.constant 0 : i32
      %dma_wait3A_195 = tpu.memref_slice %arg11[%run_scoped3A_39, %dma_wait3A] : memref<16x640xf32, #tpu.memory_space<vmem>> -> memref<1x640xf32, #tpu.memory_space<vmem>>
      %dma_wait3A_196 = tpu.memref_squeeze %dma_wait3A_195 : memref<1x640xf32, #tpu.memory_space<vmem>> -> memref<640xf32, #tpu.memory_space<vmem>>
      %dma_wait3A_197 = tpu.memref_slice %arg19[%run_scoped3A_38, %mul3A_37] : memref<16x10240xf32, #tpu.memory_space<vmem_shared>> -> memref<1x640xf32, #tpu.memory_space<vmem_shared>>
      %dma_wait3A_198 = tpu.memref_squeeze %dma_wait3A_197 : memref<1x640xf32, #tpu.memory_space<vmem_shared>> -> memref<640xf32, #tpu.memory_space<vmem_shared>>
      %dma_wait3A_199 = arith.constant 0 : i32
      %dma_wait3A_200 = tpu.memref_slice %arg11[%run_scoped3A_39, %dma_wait3A_199] : memref<16x640xf32, #tpu.memory_space<vmem>> -> memref<1x640xf32, #tpu.memory_space<vmem>>
      %dma_wait3A_201 = tpu.memref_squeeze %dma_wait3A_200 : memref<1x640xf32, #tpu.memory_space<vmem>> -> memref<640xf32, #tpu.memory_space<vmem>>
      %dma_wait3A_202 = tpu.memref_slice %arg19[%run_scoped3A_38, %mul3A_37] : memref<16x10240xf32, #tpu.memory_space<vmem_shared>> -> memref<1x640xf32, #tpu.memory_space<vmem_shared>>
      %dma_wait3A_203 = tpu.memref_squeeze %dma_wait3A_202 : memref<1x640xf32, #tpu.memory_space<vmem_shared>> -> memref<640xf32, #tpu.memory_space<vmem_shared>>
      tpu.wait_dma2 semaphore(%run_scoped3A_185 : memref<!tpu.dma_semaphore, #tpu.memory_space<semaphore_mem>>) src(%dma_wait3A_203 : memref<640xf32, #tpu.memory_space<vmem_shared>>) dst(%dma_wait3A_201 : memref<640xf32, #tpu.memory_space<vmem>>)
      tpu.yield
    }) : () -> ()
    %mul3A_40 = arith.constant 640 : i32
    %mul3A_41 = arith.muli %arg1, %mul3A_40 : i32
    %run_scoped3A_42 = arith.constant 5 : i32
    %run_scoped3A_43 = arith.constant 5 : i32
    "tpu.region"() ({
      %run_scoped3A_185 = tpu.sem_alloc : memref<!tpu.dma_semaphore, #tpu.memory_space<semaphore_mem>>
      %dma_start3A = arith.constant 0 : i32
      %dma_start3A_186 = tpu.memref_slice %arg11[%run_scoped3A_43, %dma_start3A] : memref<16x640xf32, #tpu.memory_space<vmem>> -> memref<1x640xf32, #tpu.memory_space<vmem>>
      %dma_start3A_187 = tpu.memref_squeeze %dma_start3A_186 : memref<1x640xf32, #tpu.memory_space<vmem>> -> memref<640xf32, #tpu.memory_space<vmem>>
      %dma_start3A_188 = tpu.memref_slice %arg19[%run_scoped3A_42, %mul3A_41] : memref<16x10240xf32, #tpu.memory_space<vmem_shared>> -> memref<1x640xf32, #tpu.memory_space<vmem_shared>>
      %dma_start3A_189 = tpu.memref_squeeze %dma_start3A_188 : memref<1x640xf32, #tpu.memory_space<vmem_shared>> -> memref<640xf32, #tpu.memory_space<vmem_shared>>
      %dma_start3A_190 = arith.constant 0 : i32
      %dma_start3A_191 = tpu.memref_slice %arg11[%run_scoped3A_43, %dma_start3A_190] : memref<16x640xf32, #tpu.memory_space<vmem>> -> memref<1x640xf32, #tpu.memory_space<vmem>>
      %dma_start3A_192 = tpu.memref_squeeze %dma_start3A_191 : memref<1x640xf32, #tpu.memory_space<vmem>> -> memref<640xf32, #tpu.memory_space<vmem>>
      %dma_start3A_193 = tpu.memref_slice %arg19[%run_scoped3A_42, %mul3A_41] : memref<16x10240xf32, #tpu.memory_space<vmem_shared>> -> memref<1x640xf32, #tpu.memory_space<vmem_shared>>
      %dma_start3A_194 = tpu.memref_squeeze %dma_start3A_193 : memref<1x640xf32, #tpu.memory_space<vmem_shared>> -> memref<640xf32, #tpu.memory_space<vmem_shared>>
      tpu.enqueue_dma source(%dma_start3A_194 : memref<640xf32, #tpu.memory_space<vmem_shared>>) target(%dma_start3A_192 : memref<640xf32, #tpu.memory_space<vmem>>) target_semaphore(%run_scoped3A_185 : memref<!tpu.dma_semaphore, #tpu.memory_space<semaphore_mem>>)
      %dma_wait3A = arith.constant 0 : i32
      %dma_wait3A_195 = tpu.memref_slice %arg11[%run_scoped3A_43, %dma_wait3A] : memref<16x640xf32, #tpu.memory_space<vmem>> -> memref<1x640xf32, #tpu.memory_space<vmem>>
      %dma_wait3A_196 = tpu.memref_squeeze %dma_wait3A_195 : memref<1x640xf32, #tpu.memory_space<vmem>> -> memref<640xf32, #tpu.memory_space<vmem>>
      %dma_wait3A_197 = tpu.memref_slice %arg19[%run_scoped3A_42, %mul3A_41] : memref<16x10240xf32, #tpu.memory_space<vmem_shared>> -> memref<1x640xf32, #tpu.memory_space<vmem_shared>>
      %dma_wait3A_198 = tpu.memref_squeeze %dma_wait3A_197 : memref<1x640xf32, #tpu.memory_space<vmem_shared>> -> memref<640xf32, #tpu.memory_space<vmem_shared>>
      %dma_wait3A_199 = arith.constant 0 : i32
      %dma_wait3A_200 = tpu.memref_slice %arg11[%run_scoped3A_43, %dma_wait3A_199] : memref<16x640xf32, #tpu.memory_space<vmem>> -> memref<1x640xf32, #tpu.memory_space<vmem>>
      %dma_wait3A_201 = tpu.memref_squeeze %dma_wait3A_200 : memref<1x640xf32, #tpu.memory_space<vmem>> -> memref<640xf32, #tpu.memory_space<vmem>>
      %dma_wait3A_202 = tpu.memref_slice %arg19[%run_scoped3A_42, %mul3A_41] : memref<16x10240xf32, #tpu.memory_space<vmem_shared>> -> memref<1x640xf32, #tpu.memory_space<vmem_shared>>
      %dma_wait3A_203 = tpu.memref_squeeze %dma_wait3A_202 : memref<1x640xf32, #tpu.memory_space<vmem_shared>> -> memref<640xf32, #tpu.memory_space<vmem_shared>>
      tpu.wait_dma2 semaphore(%run_scoped3A_185 : memref<!tpu.dma_semaphore, #tpu.memory_space<semaphore_mem>>) src(%dma_wait3A_203 : memref<640xf32, #tpu.memory_space<vmem_shared>>) dst(%dma_wait3A_201 : memref<640xf32, #tpu.memory_space<vmem>>)
      tpu.yield
    }) : () -> ()
    %mul3A_44 = arith.constant 640 : i32
    %mul3A_45 = arith.muli %arg1, %mul3A_44 : i32
    %run_scoped3A_46 = arith.constant 6 : i32
    %run_scoped3A_47 = arith.constant 6 : i32
    "tpu.region"() ({
      %run_scoped3A_185 = tpu.sem_alloc : memref<!tpu.dma_semaphore, #tpu.memory_space<semaphore_mem>>
      %dma_start3A = arith.constant 0 : i32
      %dma_start3A_186 = tpu.memref_slice %arg11[%run_scoped3A_47, %dma_start3A] : memref<16x640xf32, #tpu.memory_space<vmem>> -> memref<1x640xf32, #tpu.memory_space<vmem>>
      %dma_start3A_187 = tpu.memref_squeeze %dma_start3A_186 : memref<1x640xf32, #tpu.memory_space<vmem>> -> memref<640xf32, #tpu.memory_space<vmem>>
      %dma_start3A_188 = tpu.memref_slice %arg19[%run_scoped3A_46, %mul3A_45] : memref<16x10240xf32, #tpu.memory_space<vmem_shared>> -> memref<1x640xf32, #tpu.memory_space<vmem_shared>>
      %dma_start3A_189 = tpu.memref_squeeze %dma_start3A_188 : memref<1x640xf32, #tpu.memory_space<vmem_shared>> -> memref<640xf32, #tpu.memory_space<vmem_shared>>
      %dma_start3A_190 = arith.constant 0 : i32
      %dma_start3A_191 = tpu.memref_slice %arg11[%run_scoped3A_47, %dma_start3A_190] : memref<16x640xf32, #tpu.memory_space<vmem>> -> memref<1x640xf32, #tpu.memory_space<vmem>>
      %dma_start3A_192 = tpu.memref_squeeze %dma_start3A_191 : memref<1x640xf32, #tpu.memory_space<vmem>> -> memref<640xf32, #tpu.memory_space<vmem>>
      %dma_start3A_193 = tpu.memref_slice %arg19[%run_scoped3A_46, %mul3A_45] : memref<16x10240xf32, #tpu.memory_space<vmem_shared>> -> memref<1x640xf32, #tpu.memory_space<vmem_shared>>
      %dma_start3A_194 = tpu.memref_squeeze %dma_start3A_193 : memref<1x640xf32, #tpu.memory_space<vmem_shared>> -> memref<640xf32, #tpu.memory_space<vmem_shared>>
      tpu.enqueue_dma source(%dma_start3A_194 : memref<640xf32, #tpu.memory_space<vmem_shared>>) target(%dma_start3A_192 : memref<640xf32, #tpu.memory_space<vmem>>) target_semaphore(%run_scoped3A_185 : memref<!tpu.dma_semaphore, #tpu.memory_space<semaphore_mem>>)
      %dma_wait3A = arith.constant 0 : i32
      %dma_wait3A_195 = tpu.memref_slice %arg11[%run_scoped3A_47, %dma_wait3A] : memref<16x640xf32, #tpu.memory_space<vmem>> -> memref<1x640xf32, #tpu.memory_space<vmem>>
      %dma_wait3A_196 = tpu.memref_squeeze %dma_wait3A_195 : memref<1x640xf32, #tpu.memory_space<vmem>> -> memref<640xf32, #tpu.memory_space<vmem>>
      %dma_wait3A_197 = tpu.memref_slice %arg19[%run_scoped3A_46, %mul3A_45] : memref<16x10240xf32, #tpu.memory_space<vmem_shared>> -> memref<1x640xf32, #tpu.memory_space<vmem_shared>>
      %dma_wait3A_198 = tpu.memref_squeeze %dma_wait3A_197 : memref<1x640xf32, #tpu.memory_space<vmem_shared>> -> memref<640xf32, #tpu.memory_space<vmem_shared>>
      %dma_wait3A_199 = arith.constant 0 : i32
      %dma_wait3A_200 = tpu.memref_slice %arg11[%run_scoped3A_47, %dma_wait3A_199] : memref<16x640xf32, #tpu.memory_space<vmem>> -> memref<1x640xf32, #tpu.memory_space<vmem>>
      %dma_wait3A_201 = tpu.memref_squeeze %dma_wait3A_200 : memref<1x640xf32, #tpu.memory_space<vmem>> -> memref<640xf32, #tpu.memory_space<vmem>>
      %dma_wait3A_202 = tpu.memref_slice %arg19[%run_scoped3A_46, %mul3A_45] : memref<16x10240xf32, #tpu.memory_space<vmem_shared>> -> memref<1x640xf32, #tpu.memory_space<vmem_shared>>
      %dma_wait3A_203 = tpu.memref_squeeze %dma_wait3A_202 : memref<1x640xf32, #tpu.memory_space<vmem_shared>> -> memref<640xf32, #tpu.memory_space<vmem_shared>>
      tpu.wait_dma2 semaphore(%run_scoped3A_185 : memref<!tpu.dma_semaphore, #tpu.memory_space<semaphore_mem>>) src(%dma_wait3A_203 : memref<640xf32, #tpu.memory_space<vmem_shared>>) dst(%dma_wait3A_201 : memref<640xf32, #tpu.memory_space<vmem>>)
      tpu.yield
    }) : () -> ()
    %mul3A_48 = arith.constant 640 : i32
    %mul3A_49 = arith.muli %arg1, %mul3A_48 : i32
    %run_scoped3A_50 = arith.constant 7 : i32
    %run_scoped3A_51 = arith.constant 7 : i32
    "tpu.region"() ({
      %run_scoped3A_185 = tpu.sem_alloc : memref<!tpu.dma_semaphore, #tpu.memory_space<semaphore_mem>>
      %dma_start3A = arith.constant 0 : i32
      %dma_start3A_186 = tpu.memref_slice %arg11[%run_scoped3A_51, %dma_start3A] : memref<16x640xf32, #tpu.memory_space<vmem>> -> memref<1x640xf32, #tpu.memory_space<vmem>>
      %dma_start3A_187 = tpu.memref_squeeze %dma_start3A_186 : memref<1x640xf32, #tpu.memory_space<vmem>> -> memref<640xf32, #tpu.memory_space<vmem>>
      %dma_start3A_188 = tpu.memref_slice %arg19[%run_scoped3A_50, %mul3A_49] : memref<16x10240xf32, #tpu.memory_space<vmem_shared>> -> memref<1x640xf32, #tpu.memory_space<vmem_shared>>
      %dma_start3A_189 = tpu.memref_squeeze %dma_start3A_188 : memref<1x640xf32, #tpu.memory_space<vmem_shared>> -> memref<640xf32, #tpu.memory_space<vmem_shared>>
      %dma_start3A_190 = arith.constant 0 : i32
      %dma_start3A_191 = tpu.memref_slice %arg11[%run_scoped3A_51, %dma_start3A_190] : memref<16x640xf32, #tpu.memory_space<vmem>> -> memref<1x640xf32, #tpu.memory_space<vmem>>
      %dma_start3A_192 = tpu.memref_squeeze %dma_start3A_191 : memref<1x640xf32, #tpu.memory_space<vmem>> -> memref<640xf32, #tpu.memory_space<vmem>>
      %dma_start3A_193 = tpu.memref_slice %arg19[%run_scoped3A_50, %mul3A_49] : memref<16x10240xf32, #tpu.memory_space<vmem_shared>> -> memref<1x640xf32, #tpu.memory_space<vmem_shared>>
      %dma_start3A_194 = tpu.memref_squeeze %dma_start3A_193 : memref<1x640xf32, #tpu.memory_space<vmem_shared>> -> memref<640xf32, #tpu.memory_space<vmem_shared>>
      tpu.enqueue_dma source(%dma_start3A_194 : memref<640xf32, #tpu.memory_space<vmem_shared>>) target(%dma_start3A_192 : memref<640xf32, #tpu.memory_space<vmem>>) target_semaphore(%run_scoped3A_185 : memref<!tpu.dma_semaphore, #tpu.memory_space<semaphore_mem>>)
      %dma_wait3A = arith.constant 0 : i32
      %dma_wait3A_195 = tpu.memref_slice %arg11[%run_scoped3A_51, %dma_wait3A] : memref<16x640xf32, #tpu.memory_space<vmem>> -> memref<1x640xf32, #tpu.memory_space<vmem>>
      %dma_wait3A_196 = tpu.memref_squeeze %dma_wait3A_195 : memref<1x640xf32, #tpu.memory_space<vmem>> -> memref<640xf32, #tpu.memory_space<vmem>>
      %dma_wait3A_197 = tpu.memref_slice %arg19[%run_scoped3A_50, %mul3A_49] : memref<16x10240xf32, #tpu.memory_space<vmem_shared>> -> memref<1x640xf32, #tpu.memory_space<vmem_shared>>
      %dma_wait3A_198 = tpu.memref_squeeze %dma_wait3A_197 : memref<1x640xf32, #tpu.memory_space<vmem_shared>> -> memref<640xf32, #tpu.memory_space<vmem_shared>>
      %dma_wait3A_199 = arith.constant 0 : i32
      %dma_wait3A_200 = tpu.memref_slice %arg11[%run_scoped3A_51, %dma_wait3A_199] : memref<16x640xf32, #tpu.memory_space<vmem>> -> memref<1x640xf32, #tpu.memory_space<vmem>>
      %dma_wait3A_201 = tpu.memref_squeeze %dma_wait3A_200 : memref<1x640xf32, #tpu.memory_space<vmem>> -> memref<640xf32, #tpu.memory_space<vmem>>
      %dma_wait3A_202 = tpu.memref_slice %arg19[%run_scoped3A_50, %mul3A_49] : memref<16x10240xf32, #tpu.memory_space<vmem_shared>> -> memref<1x640xf32, #tpu.memory_space<vmem_shared>>
      %dma_wait3A_203 = tpu.memref_squeeze %dma_wait3A_202 : memref<1x640xf32, #tpu.memory_space<vmem_shared>> -> memref<640xf32, #tpu.memory_space<vmem_shared>>
      tpu.wait_dma2 semaphore(%run_scoped3A_185 : memref<!tpu.dma_semaphore, #tpu.memory_space<semaphore_mem>>) src(%dma_wait3A_203 : memref<640xf32, #tpu.memory_space<vmem_shared>>) dst(%dma_wait3A_201 : memref<640xf32, #tpu.memory_space<vmem>>)
      tpu.yield
    }) : () -> ()
    %mul3A_52 = arith.constant 640 : i32
    %mul3A_53 = arith.muli %arg1, %mul3A_52 : i32
    %run_scoped3A_54 = arith.constant 8 : i32
    %run_scoped3A_55 = arith.constant 8 : i32
    "tpu.region"() ({
      %run_scoped3A_185 = tpu.sem_alloc : memref<!tpu.dma_semaphore, #tpu.memory_space<semaphore_mem>>
      %dma_start3A = arith.constant 0 : i32
      %dma_start3A_186 = tpu.memref_slice %arg11[%run_scoped3A_55, %dma_start3A] : memref<16x640xf32, #tpu.memory_space<vmem>> -> memref<1x640xf32, #tpu.memory_space<vmem>>
      %dma_start3A_187 = tpu.memref_squeeze %dma_start3A_186 : memref<1x640xf32, #tpu.memory_space<vmem>> -> memref<640xf32, #tpu.memory_space<vmem>>
      %dma_start3A_188 = tpu.memref_slice %arg19[%run_scoped3A_54, %mul3A_53] : memref<16x10240xf32, #tpu.memory_space<vmem_shared>> -> memref<1x640xf32, #tpu.memory_space<vmem_shared>>
      %dma_start3A_189 = tpu.memref_squeeze %dma_start3A_188 : memref<1x640xf32, #tpu.memory_space<vmem_shared>> -> memref<640xf32, #tpu.memory_space<vmem_shared>>
      %dma_start3A_190 = arith.constant 0 : i32
      %dma_start3A_191 = tpu.memref_slice %arg11[%run_scoped3A_55, %dma_start3A_190] : memref<16x640xf32, #tpu.memory_space<vmem>> -> memref<1x640xf32, #tpu.memory_space<vmem>>
      %dma_start3A_192 = tpu.memref_squeeze %dma_start3A_191 : memref<1x640xf32, #tpu.memory_space<vmem>> -> memref<640xf32, #tpu.memory_space<vmem>>
      %dma_start3A_193 = tpu.memref_slice %arg19[%run_scoped3A_54, %mul3A_53] : memref<16x10240xf32, #tpu.memory_space<vmem_shared>> -> memref<1x640xf32, #tpu.memory_space<vmem_shared>>
      %dma_start3A_194 = tpu.memref_squeeze %dma_start3A_193 : memref<1x640xf32, #tpu.memory_space<vmem_shared>> -> memref<640xf32, #tpu.memory_space<vmem_shared>>
      tpu.enqueue_dma source(%dma_start3A_194 : memref<640xf32, #tpu.memory_space<vmem_shared>>) target(%dma_start3A_192 : memref<640xf32, #tpu.memory_space<vmem>>) target_semaphore(%run_scoped3A_185 : memref<!tpu.dma_semaphore, #tpu.memory_space<semaphore_mem>>)
      %dma_wait3A = arith.constant 0 : i32
      %dma_wait3A_195 = tpu.memref_slice %arg11[%run_scoped3A_55, %dma_wait3A] : memref<16x640xf32, #tpu.memory_space<vmem>> -> memref<1x640xf32, #tpu.memory_space<vmem>>
      %dma_wait3A_196 = tpu.memref_squeeze %dma_wait3A_195 : memref<1x640xf32, #tpu.memory_space<vmem>> -> memref<640xf32, #tpu.memory_space<vmem>>
      %dma_wait3A_197 = tpu.memref_slice %arg19[%run_scoped3A_54, %mul3A_53] : memref<16x10240xf32, #tpu.memory_space<vmem_shared>> -> memref<1x640xf32, #tpu.memory_space<vmem_shared>>
      %dma_wait3A_198 = tpu.memref_squeeze %dma_wait3A_197 : memref<1x640xf32, #tpu.memory_space<vmem_shared>> -> memref<640xf32, #tpu.memory_space<vmem_shared>>
      %dma_wait3A_199 = arith.constant 0 : i32
      %dma_wait3A_200 = tpu.memref_slice %arg11[%run_scoped3A_55, %dma_wait3A_199] : memref<16x640xf32, #tpu.memory_space<vmem>> -> memref<1x640xf32, #tpu.memory_space<vmem>>
      %dma_wait3A_201 = tpu.memref_squeeze %dma_wait3A_200 : memref<1x640xf32, #tpu.memory_space<vmem>> -> memref<640xf32, #tpu.memory_space<vmem>>
      %dma_wait3A_202 = tpu.memref_slice %arg19[%run_scoped3A_54, %mul3A_53] : memref<16x10240xf32, #tpu.memory_space<vmem_shared>> -> memref<1x640xf32, #tpu.memory_space<vmem_shared>>
      %dma_wait3A_203 = tpu.memref_squeeze %dma_wait3A_202 : memref<1x640xf32, #tpu.memory_space<vmem_shared>> -> memref<640xf32, #tpu.memory_space<vmem_shared>>
      tpu.wait_dma2 semaphore(%run_scoped3A_185 : memref<!tpu.dma_semaphore, #tpu.memory_space<semaphore_mem>>) src(%dma_wait3A_203 : memref<640xf32, #tpu.memory_space<vmem_shared>>) dst(%dma_wait3A_201 : memref<640xf32, #tpu.memory_space<vmem>>)
      tpu.yield
    }) : () -> ()
    %mul3A_56 = arith.constant 640 : i32
    %mul3A_57 = arith.muli %arg1, %mul3A_56 : i32
    %run_scoped3A_58 = arith.constant 9 : i32
    %run_scoped3A_59 = arith.constant 9 : i32
    "tpu.region"() ({
      %run_scoped3A_185 = tpu.sem_alloc : memref<!tpu.dma_semaphore, #tpu.memory_space<semaphore_mem>>
      %dma_start3A = arith.constant 0 : i32
      %dma_start3A_186 = tpu.memref_slice %arg11[%run_scoped3A_59, %dma_start3A] : memref<16x640xf32, #tpu.memory_space<vmem>> -> memref<1x640xf32, #tpu.memory_space<vmem>>
      %dma_start3A_187 = tpu.memref_squeeze %dma_start3A_186 : memref<1x640xf32, #tpu.memory_space<vmem>> -> memref<640xf32, #tpu.memory_space<vmem>>
      %dma_start3A_188 = tpu.memref_slice %arg19[%run_scoped3A_58, %mul3A_57] : memref<16x10240xf32, #tpu.memory_space<vmem_shared>> -> memref<1x640xf32, #tpu.memory_space<vmem_shared>>
      %dma_start3A_189 = tpu.memref_squeeze %dma_start3A_188 : memref<1x640xf32, #tpu.memory_space<vmem_shared>> -> memref<640xf32, #tpu.memory_space<vmem_shared>>
      %dma_start3A_190 = arith.constant 0 : i32
      %dma_start3A_191 = tpu.memref_slice %arg11[%run_scoped3A_59, %dma_start3A_190] : memref<16x640xf32, #tpu.memory_space<vmem>> -> memref<1x640xf32, #tpu.memory_space<vmem>>
      %dma_start3A_192 = tpu.memref_squeeze %dma_start3A_191 : memref<1x640xf32, #tpu.memory_space<vmem>> -> memref<640xf32, #tpu.memory_space<vmem>>
      %dma_start3A_193 = tpu.memref_slice %arg19[%run_scoped3A_58, %mul3A_57] : memref<16x10240xf32, #tpu.memory_space<vmem_shared>> -> memref<1x640xf32, #tpu.memory_space<vmem_shared>>
      %dma_start3A_194 = tpu.memref_squeeze %dma_start3A_193 : memref<1x640xf32, #tpu.memory_space<vmem_shared>> -> memref<640xf32, #tpu.memory_space<vmem_shared>>
      tpu.enqueue_dma source(%dma_start3A_194 : memref<640xf32, #tpu.memory_space<vmem_shared>>) target(%dma_start3A_192 : memref<640xf32, #tpu.memory_space<vmem>>) target_semaphore(%run_scoped3A_185 : memref<!tpu.dma_semaphore, #tpu.memory_space<semaphore_mem>>)
      %dma_wait3A = arith.constant 0 : i32
      %dma_wait3A_195 = tpu.memref_slice %arg11[%run_scoped3A_59, %dma_wait3A] : memref<16x640xf32, #tpu.memory_space<vmem>> -> memref<1x640xf32, #tpu.memory_space<vmem>>
      %dma_wait3A_196 = tpu.memref_squeeze %dma_wait3A_195 : memref<1x640xf32, #tpu.memory_space<vmem>> -> memref<640xf32, #tpu.memory_space<vmem>>
      %dma_wait3A_197 = tpu.memref_slice %arg19[%run_scoped3A_58, %mul3A_57] : memref<16x10240xf32, #tpu.memory_space<vmem_shared>> -> memref<1x640xf32, #tpu.memory_space<vmem_shared>>
      %dma_wait3A_198 = tpu.memref_squeeze %dma_wait3A_197 : memref<1x640xf32, #tpu.memory_space<vmem_shared>> -> memref<640xf32, #tpu.memory_space<vmem_shared>>
      %dma_wait3A_199 = arith.constant 0 : i32
      %dma_wait3A_200 = tpu.memref_slice %arg11[%run_scoped3A_59, %dma_wait3A_199] : memref<16x640xf32, #tpu.memory_space<vmem>> -> memref<1x640xf32, #tpu.memory_space<vmem>>
      %dma_wait3A_201 = tpu.memref_squeeze %dma_wait3A_200 : memref<1x640xf32, #tpu.memory_space<vmem>> -> memref<640xf32, #tpu.memory_space<vmem>>
      %dma_wait3A_202 = tpu.memref_slice %arg19[%run_scoped3A_58, %mul3A_57] : memref<16x10240xf32, #tpu.memory_space<vmem_shared>> -> memref<1x640xf32, #tpu.memory_space<vmem_shared>>
      %dma_wait3A_203 = tpu.memref_squeeze %dma_wait3A_202 : memref<1x640xf32, #tpu.memory_space<vmem_shared>> -> memref<640xf32, #tpu.memory_space<vmem_shared>>
      tpu.wait_dma2 semaphore(%run_scoped3A_185 : memref<!tpu.dma_semaphore, #tpu.memory_space<semaphore_mem>>) src(%dma_wait3A_203 : memref<640xf32, #tpu.memory_space<vmem_shared>>) dst(%dma_wait3A_201 : memref<640xf32, #tpu.memory_space<vmem>>)
      tpu.yield
    }) : () -> ()
    %mul3A_60 = arith.constant 640 : i32
    %mul3A_61 = arith.muli %arg1, %mul3A_60 : i32
    %run_scoped3A_62 = arith.constant 10 : i32
    %run_scoped3A_63 = arith.constant 10 : i32
    "tpu.region"() ({
      %run_scoped3A_185 = tpu.sem_alloc : memref<!tpu.dma_semaphore, #tpu.memory_space<semaphore_mem>>
      %dma_start3A = arith.constant 0 : i32
      %dma_start3A_186 = tpu.memref_slice %arg11[%run_scoped3A_63, %dma_start3A] : memref<16x640xf32, #tpu.memory_space<vmem>> -> memref<1x640xf32, #tpu.memory_space<vmem>>
      %dma_start3A_187 = tpu.memref_squeeze %dma_start3A_186 : memref<1x640xf32, #tpu.memory_space<vmem>> -> memref<640xf32, #tpu.memory_space<vmem>>
      %dma_start3A_188 = tpu.memref_slice %arg19[%run_scoped3A_62, %mul3A_61] : memref<16x10240xf32, #tpu.memory_space<vmem_shared>> -> memref<1x640xf32, #tpu.memory_space<vmem_shared>>
      %dma_start3A_189 = tpu.memref_squeeze %dma_start3A_188 : memref<1x640xf32, #tpu.memory_space<vmem_shared>> -> memref<640xf32, #tpu.memory_space<vmem_shared>>
      %dma_start3A_190 = arith.constant 0 : i32
      %dma_start3A_191 = tpu.memref_slice %arg11[%run_scoped3A_63, %dma_start3A_190] : memref<16x640xf32, #tpu.memory_space<vmem>> -> memref<1x640xf32, #tpu.memory_space<vmem>>
      %dma_start3A_192 = tpu.memref_squeeze %dma_start3A_191 : memref<1x640xf32, #tpu.memory_space<vmem>> -> memref<640xf32, #tpu.memory_space<vmem>>
      %dma_start3A_193 = tpu.memref_slice %arg19[%run_scoped3A_62, %mul3A_61] : memref<16x10240xf32, #tpu.memory_space<vmem_shared>> -> memref<1x640xf32, #tpu.memory_space<vmem_shared>>
      %dma_start3A_194 = tpu.memref_squeeze %dma_start3A_193 : memref<1x640xf32, #tpu.memory_space<vmem_shared>> -> memref<640xf32, #tpu.memory_space<vmem_shared>>
      tpu.enqueue_dma source(%dma_start3A_194 : memref<640xf32, #tpu.memory_space<vmem_shared>>) target(%dma_start3A_192 : memref<640xf32, #tpu.memory_space<vmem>>) target_semaphore(%run_scoped3A_185 : memref<!tpu.dma_semaphore, #tpu.memory_space<semaphore_mem>>)
      %dma_wait3A = arith.constant 0 : i32
      %dma_wait3A_195 = tpu.memref_slice %arg11[%run_scoped3A_63, %dma_wait3A] : memref<16x640xf32, #tpu.memory_space<vmem>> -> memref<1x640xf32, #tpu.memory_space<vmem>>
      %dma_wait3A_196 = tpu.memref_squeeze %dma_wait3A_195 : memref<1x640xf32, #tpu.memory_space<vmem>> -> memref<640xf32, #tpu.memory_space<vmem>>
      %dma_wait3A_197 = tpu.memref_slice %arg19[%run_scoped3A_62, %mul3A_61] : memref<16x10240xf32, #tpu.memory_space<vmem_shared>> -> memref<1x640xf32, #tpu.memory_space<vmem_shared>>
      %dma_wait3A_198 = tpu.memref_squeeze %dma_wait3A_197 : memref<1x640xf32, #tpu.memory_space<vmem_shared>> -> memref<640xf32, #tpu.memory_space<vmem_shared>>
      %dma_wait3A_199 = arith.constant 0 : i32
      %dma_wait3A_200 = tpu.memref_slice %arg11[%run_scoped3A_63, %dma_wait3A_199] : memref<16x640xf32, #tpu.memory_space<vmem>> -> memref<1x640xf32, #tpu.memory_space<vmem>>
      %dma_wait3A_201 = tpu.memref_squeeze %dma_wait3A_200 : memref<1x640xf32, #tpu.memory_space<vmem>> -> memref<640xf32, #tpu.memory_space<vmem>>
      %dma_wait3A_202 = tpu.memref_slice %arg19[%run_scoped3A_62, %mul3A_61] : memref<16x10240xf32, #tpu.memory_space<vmem_shared>> -> memref<1x640xf32, #tpu.memory_space<vmem_shared>>
      %dma_wait3A_203 = tpu.memref_squeeze %dma_wait3A_202 : memref<1x640xf32, #tpu.memory_space<vmem_shared>> -> memref<640xf32, #tpu.memory_space<vmem_shared>>
      tpu.wait_dma2 semaphore(%run_scoped3A_185 : memref<!tpu.dma_semaphore, #tpu.memory_space<semaphore_mem>>) src(%dma_wait3A_203 : memref<640xf32, #tpu.memory_space<vmem_shared>>) dst(%dma_wait3A_201 : memref<640xf32, #tpu.memory_space<vmem>>)
      tpu.yield
    }) : () -> ()
    %mul3A_64 = arith.constant 640 : i32
    %mul3A_65 = arith.muli %arg1, %mul3A_64 : i32
    %run_scoped3A_66 = arith.constant 11 : i32
    %run_scoped3A_67 = arith.constant 11 : i32
    "tpu.region"() ({
      %run_scoped3A_185 = tpu.sem_alloc : memref<!tpu.dma_semaphore, #tpu.memory_space<semaphore_mem>>
      %dma_start3A = arith.constant 0 : i32
      %dma_start3A_186 = tpu.memref_slice %arg11[%run_scoped3A_67, %dma_start3A] : memref<16x640xf32, #tpu.memory_space<vmem>> -> memref<1x640xf32, #tpu.memory_space<vmem>>
      %dma_start3A_187 = tpu.memref_squeeze %dma_start3A_186 : memref<1x640xf32, #tpu.memory_space<vmem>> -> memref<640xf32, #tpu.memory_space<vmem>>
      %dma_start3A_188 = tpu.memref_slice %arg19[%run_scoped3A_66, %mul3A_65] : memref<16x10240xf32, #tpu.memory_space<vmem_shared>> -> memref<1x640xf32, #tpu.memory_space<vmem_shared>>
      %dma_start3A_189 = tpu.memref_squeeze %dma_start3A_188 : memref<1x640xf32, #tpu.memory_space<vmem_shared>> -> memref<640xf32, #tpu.memory_space<vmem_shared>>
      %dma_start3A_190 = arith.constant 0 : i32
      %dma_start3A_191 = tpu.memref_slice %arg11[%run_scoped3A_67, %dma_start3A_190] : memref<16x640xf32, #tpu.memory_space<vmem>> -> memref<1x640xf32, #tpu.memory_space<vmem>>
      %dma_start3A_192 = tpu.memref_squeeze %dma_start3A_191 : memref<1x640xf32, #tpu.memory_space<vmem>> -> memref<640xf32, #tpu.memory_space<vmem>>
      %dma_start3A_193 = tpu.memref_slice %arg19[%run_scoped3A_66, %mul3A_65] : memref<16x10240xf32, #tpu.memory_space<vmem_shared>> -> memref<1x640xf32, #tpu.memory_space<vmem_shared>>
      %dma_start3A_194 = tpu.memref_squeeze %dma_start3A_193 : memref<1x640xf32, #tpu.memory_space<vmem_shared>> -> memref<640xf32, #tpu.memory_space<vmem_shared>>
      tpu.enqueue_dma source(%dma_start3A_194 : memref<640xf32, #tpu.memory_space<vmem_shared>>) target(%dma_start3A_192 : memref<640xf32, #tpu.memory_space<vmem>>) target_semaphore(%run_scoped3A_185 : memref<!tpu.dma_semaphore, #tpu.memory_space<semaphore_mem>>)
      %dma_wait3A = arith.constant 0 : i32
      %dma_wait3A_195 = tpu.memref_slice %arg11[%run_scoped3A_67, %dma_wait3A] : memref<16x640xf32, #tpu.memory_space<vmem>> -> memref<1x640xf32, #tpu.memory_space<vmem>>
      %dma_wait3A_196 = tpu.memref_squeeze %dma_wait3A_195 : memref<1x640xf32, #tpu.memory_space<vmem>> -> memref<640xf32, #tpu.memory_space<vmem>>
      %dma_wait3A_197 = tpu.memref_slice %arg19[%run_scoped3A_66, %mul3A_65] : memref<16x10240xf32, #tpu.memory_space<vmem_shared>> -> memref<1x640xf32, #tpu.memory_space<vmem_shared>>
      %dma_wait3A_198 = tpu.memref_squeeze %dma_wait3A_197 : memref<1x640xf32, #tpu.memory_space<vmem_shared>> -> memref<640xf32, #tpu.memory_space<vmem_shared>>
      %dma_wait3A_199 = arith.constant 0 : i32
      %dma_wait3A_200 = tpu.memref_slice %arg11[%run_scoped3A_67, %dma_wait3A_199] : memref<16x640xf32, #tpu.memory_space<vmem>> -> memref<1x640xf32, #tpu.memory_space<vmem>>
      %dma_wait3A_201 = tpu.memref_squeeze %dma_wait3A_200 : memref<1x640xf32, #tpu.memory_space<vmem>> -> memref<640xf32, #tpu.memory_space<vmem>>
      %dma_wait3A_202 = tpu.memref_slice %arg19[%run_scoped3A_66, %mul3A_65] : memref<16x10240xf32, #tpu.memory_space<vmem_shared>> -> memref<1x640xf32, #tpu.memory_space<vmem_shared>>
      %dma_wait3A_203 = tpu.memref_squeeze %dma_wait3A_202 : memref<1x640xf32, #tpu.memory_space<vmem_shared>> -> memref<640xf32, #tpu.memory_space<vmem_shared>>
      tpu.wait_dma2 semaphore(%run_scoped3A_185 : memref<!tpu.dma_semaphore, #tpu.memory_space<semaphore_mem>>) src(%dma_wait3A_203 : memref<640xf32, #tpu.memory_space<vmem_shared>>) dst(%dma_wait3A_201 : memref<640xf32, #tpu.memory_space<vmem>>)
      tpu.yield
    }) : () -> ()
    %mul3A_68 = arith.constant 640 : i32
    %mul3A_69 = arith.muli %arg1, %mul3A_68 : i32
    %run_scoped3A_70 = arith.constant 12 : i32
    %run_scoped3A_71 = arith.constant 12 : i32
    "tpu.region"() ({
      %run_scoped3A_185 = tpu.sem_alloc : memref<!tpu.dma_semaphore, #tpu.memory_space<semaphore_mem>>
      %dma_start3A = arith.constant 0 : i32
      %dma_start3A_186 = tpu.memref_slice %arg11[%run_scoped3A_71, %dma_start3A] : memref<16x640xf32, #tpu.memory_space<vmem>> -> memref<1x640xf32, #tpu.memory_space<vmem>>
      %dma_start3A_187 = tpu.memref_squeeze %dma_start3A_186 : memref<1x640xf32, #tpu.memory_space<vmem>> -> memref<640xf32, #tpu.memory_space<vmem>>
      %dma_start3A_188 = tpu.memref_slice %arg19[%run_scoped3A_70, %mul3A_69] : memref<16x10240xf32, #tpu.memory_space<vmem_shared>> -> memref<1x640xf32, #tpu.memory_space<vmem_shared>>
      %dma_start3A_189 = tpu.memref_squeeze %dma_start3A_188 : memref<1x640xf32, #tpu.memory_space<vmem_shared>> -> memref<640xf32, #tpu.memory_space<vmem_shared>>
      %dma_start3A_190 = arith.constant 0 : i32
      %dma_start3A_191 = tpu.memref_slice %arg11[%run_scoped3A_71, %dma_start3A_190] : memref<16x640xf32, #tpu.memory_space<vmem>> -> memref<1x640xf32, #tpu.memory_space<vmem>>
      %dma_start3A_192 = tpu.memref_squeeze %dma_start3A_191 : memref<1x640xf32, #tpu.memory_space<vmem>> -> memref<640xf32, #tpu.memory_space<vmem>>
      %dma_start3A_193 = tpu.memref_slice %arg19[%run_scoped3A_70, %mul3A_69] : memref<16x10240xf32, #tpu.memory_space<vmem_shared>> -> memref<1x640xf32, #tpu.memory_space<vmem_shared>>
      %dma_start3A_194 = tpu.memref_squeeze %dma_start3A_193 : memref<1x640xf32, #tpu.memory_space<vmem_shared>> -> memref<640xf32, #tpu.memory_space<vmem_shared>>
      tpu.enqueue_dma source(%dma_start3A_194 : memref<640xf32, #tpu.memory_space<vmem_shared>>) target(%dma_start3A_192 : memref<640xf32, #tpu.memory_space<vmem>>) target_semaphore(%run_scoped3A_185 : memref<!tpu.dma_semaphore, #tpu.memory_space<semaphore_mem>>)
      %dma_wait3A = arith.constant 0 : i32
      %dma_wait3A_195 = tpu.memref_slice %arg11[%run_scoped3A_71, %dma_wait3A] : memref<16x640xf32, #tpu.memory_space<vmem>> -> memref<1x640xf32, #tpu.memory_space<vmem>>
      %dma_wait3A_196 = tpu.memref_squeeze %dma_wait3A_195 : memref<1x640xf32, #tpu.memory_space<vmem>> -> memref<640xf32, #tpu.memory_space<vmem>>
      %dma_wait3A_197 = tpu.memref_slice %arg19[%run_scoped3A_70, %mul3A_69] : memref<16x10240xf32, #tpu.memory_space<vmem_shared>> -> memref<1x640xf32, #tpu.memory_space<vmem_shared>>
      %dma_wait3A_198 = tpu.memref_squeeze %dma_wait3A_197 : memref<1x640xf32, #tpu.memory_space<vmem_shared>> -> memref<640xf32, #tpu.memory_space<vmem_shared>>
      %dma_wait3A_199 = arith.constant 0 : i32
      %dma_wait3A_200 = tpu.memref_slice %arg11[%run_scoped3A_71, %dma_wait3A_199] : memref<16x640xf32, #tpu.memory_space<vmem>> -> memref<1x640xf32, #tpu.memory_space<vmem>>
      %dma_wait3A_201 = tpu.memref_squeeze %dma_wait3A_200 : memref<1x640xf32, #tpu.memory_space<vmem>> -> memref<640xf32, #tpu.memory_space<vmem>>
      %dma_wait3A_202 = tpu.memref_slice %arg19[%run_scoped3A_70, %mul3A_69] : memref<16x10240xf32, #tpu.memory_space<vmem_shared>> -> memref<1x640xf32, #tpu.memory_space<vmem_shared>>
      %dma_wait3A_203 = tpu.memref_squeeze %dma_wait3A_202 : memref<1x640xf32, #tpu.memory_space<vmem_shared>> -> memref<640xf32, #tpu.memory_space<vmem_shared>>
      tpu.wait_dma2 semaphore(%run_scoped3A_185 : memref<!tpu.dma_semaphore, #tpu.memory_space<semaphore_mem>>) src(%dma_wait3A_203 : memref<640xf32, #tpu.memory_space<vmem_shared>>) dst(%dma_wait3A_201 : memref<640xf32, #tpu.memory_space<vmem>>)
      tpu.yield
    }) : () -> ()
    %mul3A_72 = arith.constant 640 : i32
    %mul3A_73 = arith.muli %arg1, %mul3A_72 : i32
    %run_scoped3A_74 = arith.constant 13 : i32
    %run_scoped3A_75 = arith.constant 13 : i32
    "tpu.region"() ({
      %run_scoped3A_185 = tpu.sem_alloc : memref<!tpu.dma_semaphore, #tpu.memory_space<semaphore_mem>>
      %dma_start3A = arith.constant 0 : i32
      %dma_start3A_186 = tpu.memref_slice %arg11[%run_scoped3A_75, %dma_start3A] : memref<16x640xf32, #tpu.memory_space<vmem>> -> memref<1x640xf32, #tpu.memory_space<vmem>>
      %dma_start3A_187 = tpu.memref_squeeze %dma_start3A_186 : memref<1x640xf32, #tpu.memory_space<vmem>> -> memref<640xf32, #tpu.memory_space<vmem>>
      %dma_start3A_188 = tpu.memref_slice %arg19[%run_scoped3A_74, %mul3A_73] : memref<16x10240xf32, #tpu.memory_space<vmem_shared>> -> memref<1x640xf32, #tpu.memory_space<vmem_shared>>
      %dma_start3A_189 = tpu.memref_squeeze %dma_start3A_188 : memref<1x640xf32, #tpu.memory_space<vmem_shared>> -> memref<640xf32, #tpu.memory_space<vmem_shared>>
      %dma_start3A_190 = arith.constant 0 : i32
      %dma_start3A_191 = tpu.memref_slice %arg11[%run_scoped3A_75, %dma_start3A_190] : memref<16x640xf32, #tpu.memory_space<vmem>> -> memref<1x640xf32, #tpu.memory_space<vmem>>
      %dma_start3A_192 = tpu.memref_squeeze %dma_start3A_191 : memref<1x640xf32, #tpu.memory_space<vmem>> -> memref<640xf32, #tpu.memory_space<vmem>>
      %dma_start3A_193 = tpu.memref_slice %arg19[%run_scoped3A_74, %mul3A_73] : memref<16x10240xf32, #tpu.memory_space<vmem_shared>> -> memref<1x640xf32, #tpu.memory_space<vmem_shared>>
      %dma_start3A_194 = tpu.memref_squeeze %dma_start3A_193 : memref<1x640xf32, #tpu.memory_space<vmem_shared>> -> memref<640xf32, #tpu.memory_space<vmem_shared>>
      tpu.enqueue_dma source(%dma_start3A_194 : memref<640xf32, #tpu.memory_space<vmem_shared>>) target(%dma_start3A_192 : memref<640xf32, #tpu.memory_space<vmem>>) target_semaphore(%run_scoped3A_185 : memref<!tpu.dma_semaphore, #tpu.memory_space<semaphore_mem>>)
      %dma_wait3A = arith.constant 0 : i32
      %dma_wait3A_195 = tpu.memref_slice %arg11[%run_scoped3A_75, %dma_wait3A] : memref<16x640xf32, #tpu.memory_space<vmem>> -> memref<1x640xf32, #tpu.memory_space<vmem>>
      %dma_wait3A_196 = tpu.memref_squeeze %dma_wait3A_195 : memref<1x640xf32, #tpu.memory_space<vmem>> -> memref<640xf32, #tpu.memory_space<vmem>>
      %dma_wait3A_197 = tpu.memref_slice %arg19[%run_scoped3A_74, %mul3A_73] : memref<16x10240xf32, #tpu.memory_space<vmem_shared>> -> memref<1x640xf32, #tpu.memory_space<vmem_shared>>
      %dma_wait3A_198 = tpu.memref_squeeze %dma_wait3A_197 : memref<1x640xf32, #tpu.memory_space<vmem_shared>> -> memref<640xf32, #tpu.memory_space<vmem_shared>>
      %dma_wait3A_199 = arith.constant 0 : i32
      %dma_wait3A_200 = tpu.memref_slice %arg11[%run_scoped3A_75, %dma_wait3A_199] : memref<16x640xf32, #tpu.memory_space<vmem>> -> memref<1x640xf32, #tpu.memory_space<vmem>>
      %dma_wait3A_201 = tpu.memref_squeeze %dma_wait3A_200 : memref<1x640xf32, #tpu.memory_space<vmem>> -> memref<640xf32, #tpu.memory_space<vmem>>
      %dma_wait3A_202 = tpu.memref_slice %arg19[%run_scoped3A_74, %mul3A_73] : memref<16x10240xf32, #tpu.memory_space<vmem_shared>> -> memref<1x640xf32, #tpu.memory_space<vmem_shared>>
      %dma_wait3A_203 = tpu.memref_squeeze %dma_wait3A_202 : memref<1x640xf32, #tpu.memory_space<vmem_shared>> -> memref<640xf32, #tpu.memory_space<vmem_shared>>
      tpu.wait_dma2 semaphore(%run_scoped3A_185 : memref<!tpu.dma_semaphore, #tpu.memory_space<semaphore_mem>>) src(%dma_wait3A_203 : memref<640xf32, #tpu.memory_space<vmem_shared>>) dst(%dma_wait3A_201 : memref<640xf32, #tpu.memory_space<vmem>>)
      tpu.yield
    }) : () -> ()
    %mul3A_76 = arith.constant 640 : i32
    %mul3A_77 = arith.muli %arg1, %mul3A_76 : i32
    %run_scoped3A_78 = arith.constant 14 : i32
    %run_scoped3A_79 = arith.constant 14 : i32
    "tpu.region"() ({
      %run_scoped3A_185 = tpu.sem_alloc : memref<!tpu.dma_semaphore, #tpu.memory_space<semaphore_mem>>
      %dma_start3A = arith.constant 0 : i32
      %dma_start3A_186 = tpu.memref_slice %arg11[%run_scoped3A_79, %dma_start3A] : memref<16x640xf32, #tpu.memory_space<vmem>> -> memref<1x640xf32, #tpu.memory_space<vmem>>
      %dma_start3A_187 = tpu.memref_squeeze %dma_start3A_186 : memref<1x640xf32, #tpu.memory_space<vmem>> -> memref<640xf32, #tpu.memory_space<vmem>>
      %dma_start3A_188 = tpu.memref_slice %arg19[%run_scoped3A_78, %mul3A_77] : memref<16x10240xf32, #tpu.memory_space<vmem_shared>> -> memref<1x640xf32, #tpu.memory_space<vmem_shared>>
      %dma_start3A_189 = tpu.memref_squeeze %dma_start3A_188 : memref<1x640xf32, #tpu.memory_space<vmem_shared>> -> memref<640xf32, #tpu.memory_space<vmem_shared>>
      %dma_start3A_190 = arith.constant 0 : i32
      %dma_start3A_191 = tpu.memref_slice %arg11[%run_scoped3A_79, %dma_start3A_190] : memref<16x640xf32, #tpu.memory_space<vmem>> -> memref<1x640xf32, #tpu.memory_space<vmem>>
      %dma_start3A_192 = tpu.memref_squeeze %dma_start3A_191 : memref<1x640xf32, #tpu.memory_space<vmem>> -> memref<640xf32, #tpu.memory_space<vmem>>
      %dma_start3A_193 = tpu.memref_slice %arg19[%run_scoped3A_78, %mul3A_77] : memref<16x10240xf32, #tpu.memory_space<vmem_shared>> -> memref<1x640xf32, #tpu.memory_space<vmem_shared>>
      %dma_start3A_194 = tpu.memref_squeeze %dma_start3A_193 : memref<1x640xf32, #tpu.memory_space<vmem_shared>> -> memref<640xf32, #tpu.memory_space<vmem_shared>>
      tpu.enqueue_dma source(%dma_start3A_194 : memref<640xf32, #tpu.memory_space<vmem_shared>>) target(%dma_start3A_192 : memref<640xf32, #tpu.memory_space<vmem>>) target_semaphore(%run_scoped3A_185 : memref<!tpu.dma_semaphore, #tpu.memory_space<semaphore_mem>>)
      %dma_wait3A = arith.constant 0 : i32
      %dma_wait3A_195 = tpu.memref_slice %arg11[%run_scoped3A_79, %dma_wait3A] : memref<16x640xf32, #tpu.memory_space<vmem>> -> memref<1x640xf32, #tpu.memory_space<vmem>>
      %dma_wait3A_196 = tpu.memref_squeeze %dma_wait3A_195 : memref<1x640xf32, #tpu.memory_space<vmem>> -> memref<640xf32, #tpu.memory_space<vmem>>
      %dma_wait3A_197 = tpu.memref_slice %arg19[%run_scoped3A_78, %mul3A_77] : memref<16x10240xf32, #tpu.memory_space<vmem_shared>> -> memref<1x640xf32, #tpu.memory_space<vmem_shared>>
      %dma_wait3A_198 = tpu.memref_squeeze %dma_wait3A_197 : memref<1x640xf32, #tpu.memory_space<vmem_shared>> -> memref<640xf32, #tpu.memory_space<vmem_shared>>
      %dma_wait3A_199 = arith.constant 0 : i32
      %dma_wait3A_200 = tpu.memref_slice %arg11[%run_scoped3A_79, %dma_wait3A_199] : memref<16x640xf32, #tpu.memory_space<vmem>> -> memref<1x640xf32, #tpu.memory_space<vmem>>
      %dma_wait3A_201 = tpu.memref_squeeze %dma_wait3A_200 : memref<1x640xf32, #tpu.memory_space<vmem>> -> memref<640xf32, #tpu.memory_space<vmem>>
      %dma_wait3A_202 = tpu.memref_slice %arg19[%run_scoped3A_78, %mul3A_77] : memref<16x10240xf32, #tpu.memory_space<vmem_shared>> -> memref<1x640xf32, #tpu.memory_space<vmem_shared>>
      %dma_wait3A_203 = tpu.memref_squeeze %dma_wait3A_202 : memref<1x640xf32, #tpu.memory_space<vmem_shared>> -> memref<640xf32, #tpu.memory_space<vmem_shared>>
      tpu.wait_dma2 semaphore(%run_scoped3A_185 : memref<!tpu.dma_semaphore, #tpu.memory_space<semaphore_mem>>) src(%dma_wait3A_203 : memref<640xf32, #tpu.memory_space<vmem_shared>>) dst(%dma_wait3A_201 : memref<640xf32, #tpu.memory_space<vmem>>)
      tpu.yield
    }) : () -> ()
    %mul3A_80 = arith.constant 640 : i32
    %mul3A_81 = arith.muli %arg1, %mul3A_80 : i32
    %run_scoped3A_82 = arith.constant 15 : i32
    %run_scoped3A_83 = arith.constant 15 : i32
    "tpu.region"() ({
      %run_scoped3A_185 = tpu.sem_alloc : memref<!tpu.dma_semaphore, #tpu.memory_space<semaphore_mem>>
      %dma_start3A = arith.constant 0 : i32
      %dma_start3A_186 = tpu.memref_slice %arg11[%run_scoped3A_83, %dma_start3A] : memref<16x640xf32, #tpu.memory_space<vmem>> -> memref<1x640xf32, #tpu.memory_space<vmem>>
      %dma_start3A_187 = tpu.memref_squeeze %dma_start3A_186 : memref<1x640xf32, #tpu.memory_space<vmem>> -> memref<640xf32, #tpu.memory_space<vmem>>
      %dma_start3A_188 = tpu.memref_slice %arg19[%run_scoped3A_82, %mul3A_81] : memref<16x10240xf32, #tpu.memory_space<vmem_shared>> -> memref<1x640xf32, #tpu.memory_space<vmem_shared>>
      %dma_start3A_189 = tpu.memref_squeeze %dma_start3A_188 : memref<1x640xf32, #tpu.memory_space<vmem_shared>> -> memref<640xf32, #tpu.memory_space<vmem_shared>>
      %dma_start3A_190 = arith.constant 0 : i32
      %dma_start3A_191 = tpu.memref_slice %arg11[%run_scoped3A_83, %dma_start3A_190] : memref<16x640xf32, #tpu.memory_space<vmem>> -> memref<1x640xf32, #tpu.memory_space<vmem>>
      %dma_start3A_192 = tpu.memref_squeeze %dma_start3A_191 : memref<1x640xf32, #tpu.memory_space<vmem>> -> memref<640xf32, #tpu.memory_space<vmem>>
      %dma_start3A_193 = tpu.memref_slice %arg19[%run_scoped3A_82, %mul3A_81] : memref<16x10240xf32, #tpu.memory_space<vmem_shared>> -> memref<1x640xf32, #tpu.memory_space<vmem_shared>>
      %dma_start3A_194 = tpu.memref_squeeze %dma_start3A_193 : memref<1x640xf32, #tpu.memory_space<vmem_shared>> -> memref<640xf32, #tpu.memory_space<vmem_shared>>
      tpu.enqueue_dma source(%dma_start3A_194 : memref<640xf32, #tpu.memory_space<vmem_shared>>) target(%dma_start3A_192 : memref<640xf32, #tpu.memory_space<vmem>>) target_semaphore(%run_scoped3A_185 : memref<!tpu.dma_semaphore, #tpu.memory_space<semaphore_mem>>)
      %dma_wait3A = arith.constant 0 : i32
      %dma_wait3A_195 = tpu.memref_slice %arg11[%run_scoped3A_83, %dma_wait3A] : memref<16x640xf32, #tpu.memory_space<vmem>> -> memref<1x640xf32, #tpu.memory_space<vmem>>
      %dma_wait3A_196 = tpu.memref_squeeze %dma_wait3A_195 : memref<1x640xf32, #tpu.memory_space<vmem>> -> memref<640xf32, #tpu.memory_space<vmem>>
      %dma_wait3A_197 = tpu.memref_slice %arg19[%run_scoped3A_82, %mul3A_81] : memref<16x10240xf32, #tpu.memory_space<vmem_shared>> -> memref<1x640xf32, #tpu.memory_space<vmem_shared>>
      %dma_wait3A_198 = tpu.memref_squeeze %dma_wait3A_197 : memref<1x640xf32, #tpu.memory_space<vmem_shared>> -> memref<640xf32, #tpu.memory_space<vmem_shared>>
      %dma_wait3A_199 = arith.constant 0 : i32
      %dma_wait3A_200 = tpu.memref_slice %arg11[%run_scoped3A_83, %dma_wait3A_199] : memref<16x640xf32, #tpu.memory_space<vmem>> -> memref<1x640xf32, #tpu.memory_space<vmem>>
      %dma_wait3A_201 = tpu.memref_squeeze %dma_wait3A_200 : memref<1x640xf32, #tpu.memory_space<vmem>> -> memref<640xf32, #tpu.memory_space<vmem>>
      %dma_wait3A_202 = tpu.memref_slice %arg19[%run_scoped3A_82, %mul3A_81] : memref<16x10240xf32, #tpu.memory_space<vmem_shared>> -> memref<1x640xf32, #tpu.memory_space<vmem_shared>>
      %dma_wait3A_203 = tpu.memref_squeeze %dma_wait3A_202 : memref<1x640xf32, #tpu.memory_space<vmem_shared>> -> memref<640xf32, #tpu.memory_space<vmem_shared>>
      tpu.wait_dma2 semaphore(%run_scoped3A_185 : memref<!tpu.dma_semaphore, #tpu.memory_space<semaphore_mem>>) src(%dma_wait3A_203 : memref<640xf32, #tpu.memory_space<vmem_shared>>) dst(%dma_wait3A_201 : memref<640xf32, #tpu.memory_space<vmem>>)
      tpu.yield
    }) : () -> ()
    %scan3A_84 = arith.constant 0 : i32
    %scan3A_85 = arith.constant 0 : i32
    %scan3A_86 = arith.constant 40 : i32
    %scan3A_87 = arith.addi %scan3A_85, %scan3A_86 : i32
    %scan3A_88 = arith.constant 1 : i32
    %scan3A_89 = scf.for %scan3A_185 = %scan3A_85 to %scan3A_87 step %scan3A_88 iter_args(%scan3A_186 = %scan3A_84) -> (i32)  : i32 {
      %mul3A_187 = arith.constant 16 : i32
      %mul3A_188 = arith.muli %scan3A_185, %mul3A_187 : i32
      %get3A = arith.constant 0 : i32
      %get3A_189 = arith.index_cast %get3A : i32 to index
      %get3A_190 = arith.index_cast %mul3A_188 : i32 to index
      %get3A_191 = tpu.vector_load %arg11[%get3A_189, %get3A_190] {strides = array<i32>} : memref<16x640xf32, #tpu.memory_space<vmem>>, vector<16xf32>,
      %mul3A_192 = arith.constant 16 : i32
      %mul3A_193 = arith.muli %scan3A_185, %mul3A_192 : i32
      %get3A_194 = arith.constant 1 : i32
      %get3A_195 = arith.index_cast %get3A_194 : i32 to index
      %get3A_196 = arith.index_cast %mul3A_193 : i32 to index
      %get3A_197 = tpu.vector_load %arg11[%get3A_195, %get3A_196] {strides = array<i32>} : memref<16x640xf32, #tpu.memory_space<vmem>>, vector<16xf32>,
      %add3A_198 = arith.addf %get3A_191, %get3A_197 : vector<16xf32>
      %mul3A_199 = arith.constant 16 : i32
      %mul3A_200 = arith.muli %scan3A_185, %mul3A_199 : i32
      %get3A_201 = arith.constant 2 : i32
      %get3A_202 = arith.index_cast %get3A_201 : i32 to index
      %get3A_203 = arith.index_cast %mul3A_200 : i32 to index
      %get3A_204 = tpu.vector_load %arg11[%get3A_202, %get3A_203] {strides = array<i32>} : memref<16x640xf32, #tpu.memory_space<vmem>>, vector<16xf32>,
      %add3A_205 = arith.addf %add3A_198, %get3A_204 : vector<16xf32>
      %mul3A_206 = arith.constant 16 : i32
      %mul3A_207 = arith.muli %scan3A_185, %mul3A_206 : i32
      %get3A_208 = arith.constant 3 : i32
      %get3A_209 = arith.index_cast %get3A_208 : i32 to index
      %get3A_210 = arith.index_cast %mul3A_207 : i32 to index
      %get3A_211 = tpu.vector_load %arg11[%get3A_209, %get3A_210] {strides = array<i32>} : memref<16x640xf32, #tpu.memory_space<vmem>>, vector<16xf32>,
      %add3A_212 = arith.addf %add3A_205, %get3A_211 : vector<16xf32>
      %mul3A_213 = arith.constant 16 : i32
      %mul3A_214 = arith.muli %scan3A_185, %mul3A_213 : i32
      %get3A_215 = arith.constant 4 : i32
      %get3A_216 = arith.index_cast %get3A_215 : i32 to index
      %get3A_217 = arith.index_cast %mul3A_214 : i32 to index
      %get3A_218 = tpu.vector_load %arg11[%get3A_216, %get3A_217] {strides = array<i32>} : memref<16x640xf32, #tpu.memory_space<vmem>>, vector<16xf32>,
      %add3A_219 = arith.addf %add3A_212, %get3A_218 : vector<16xf32>
      %mul3A_220 = arith.constant 16 : i32
      %mul3A_221 = arith.muli %scan3A_185, %mul3A_220 : i32
      %get3A_222 = arith.constant 5 : i32
      %get3A_223 = arith.index_cast %get3A_222 : i32 to index
      %get3A_224 = arith.index_cast %mul3A_221 : i32 to index
      %get3A_225 = tpu.vector_load %arg11[%get3A_223, %get3A_224] {strides = array<i32>} : memref<16x640xf32, #tpu.memory_space<vmem>>, vector<16xf32>,
      %add3A_226 = arith.addf %add3A_219, %get3A_225 : vector<16xf32>
      %mul3A_227 = arith.constant 16 : i32
      %mul3A_228 = arith.muli %scan3A_185, %mul3A_227 : i32
      %get3A_229 = arith.constant 6 : i32
      %get3A_230 = arith.index_cast %get3A_229 : i32 to index
      %get3A_231 = arith.index_cast %mul3A_228 : i32 to index
      %get3A_232 = tpu.vector_load %arg11[%get3A_230, %get3A_231] {strides = array<i32>} : memref<16x640xf32, #tpu.memory_space<vmem>>, vector<16xf32>,
      %add3A_233 = arith.addf %add3A_226, %get3A_232 : vector<16xf32>
      %mul3A_234 = arith.constant 16 : i32
      %mul3A_235 = arith.muli %scan3A_185, %mul3A_234 : i32
      %get3A_236 = arith.constant 7 : i32
      %get3A_237 = arith.index_cast %get3A_236 : i32 to index
      %get3A_238 = arith.index_cast %mul3A_235 : i32 to index
      %get3A_239 = tpu.vector_load %arg11[%get3A_237, %get3A_238] {strides = array<i32>} : memref<16x640xf32, #tpu.memory_space<vmem>>, vector<16xf32>,
      %add3A_240 = arith.addf %add3A_233, %get3A_239 : vector<16xf32>
      %mul3A_241 = arith.constant 16 : i32
      %mul3A_242 = arith.muli %scan3A_185, %mul3A_241 : i32
      %get3A_243 = arith.constant 8 : i32
      %get3A_244 = arith.index_cast %get3A_243 : i32 to index
      %get3A_245 = arith.index_cast %mul3A_242 : i32 to index
      %get3A_246 = tpu.vector_load %arg11[%get3A_244, %get3A_245] {strides = array<i32>} : memref<16x640xf32, #tpu.memory_space<vmem>>, vector<16xf32>,
      %add3A_247 = arith.addf %add3A_240, %get3A_246 : vector<16xf32>
      %mul3A_248 = arith.constant 16 : i32
      %mul3A_249 = arith.muli %scan3A_185, %mul3A_248 : i32
      %get3A_250 = arith.constant 9 : i32
      %get3A_251 = arith.index_cast %get3A_250 : i32 to index
      %get3A_252 = arith.index_cast %mul3A_249 : i32 to index
      %get3A_253 = tpu.vector_load %arg11[%get3A_251, %get3A_252] {strides = array<i32>} : memref<16x640xf32, #tpu.memory_space<vmem>>, vector<16xf32>,
      %add3A_254 = arith.addf %add3A_247, %get3A_253 : vector<16xf32>
      %mul3A_255 = arith.constant 16 : i32
      %mul3A_256 = arith.muli %scan3A_185, %mul3A_255 : i32
      %get3A_257 = arith.constant 10 : i32
      %get3A_258 = arith.index_cast %get3A_257 : i32 to index
      %get3A_259 = arith.index_cast %mul3A_256 : i32 to index
      %get3A_260 = tpu.vector_load %arg11[%get3A_258, %get3A_259] {strides = array<i32>} : memref<16x640xf32, #tpu.memory_space<vmem>>, vector<16xf32>,
      %add3A_261 = arith.addf %add3A_254, %get3A_260 : vector<16xf32>
      %mul3A_262 = arith.constant 16 : i32
      %mul3A_263 = arith.muli %scan3A_185, %mul3A_262 : i32
      %get3A_264 = arith.constant 11 : i32
      %get3A_265 = arith.index_cast %get3A_264 : i32 to index
      %get3A_266 = arith.index_cast %mul3A_263 : i32 to index
      %get3A_267 = tpu.vector_load %arg11[%get3A_265, %get3A_266] {strides = array<i32>} : memref<16x640xf32, #tpu.memory_space<vmem>>, vector<16xf32>,
      %add3A_268 = arith.addf %add3A_261, %get3A_267 : vector<16xf32>
      %mul3A_269 = arith.constant 16 : i32
      %mul3A_270 = arith.muli %scan3A_185, %mul3A_269 : i32
      %get3A_271 = arith.constant 12 : i32
      %get3A_272 = arith.index_cast %get3A_271 : i32 to index
      %get3A_273 = arith.index_cast %mul3A_270 : i32 to index
      %get3A_274 = tpu.vector_load %arg11[%get3A_272, %get3A_273] {strides = array<i32>} : memref<16x640xf32, #tpu.memory_space<vmem>>, vector<16xf32>,
      %add3A_275 = arith.addf %add3A_268, %get3A_274 : vector<16xf32>
      %mul3A_276 = arith.constant 16 : i32
      %mul3A_277 = arith.muli %scan3A_185, %mul3A_276 : i32
      %get3A_278 = arith.constant 13 : i32
      %get3A_279 = arith.index_cast %get3A_278 : i32 to index
      %get3A_280 = arith.index_cast %mul3A_277 : i32 to index
      %get3A_281 = tpu.vector_load %arg11[%get3A_279, %get3A_280] {strides = array<i32>} : memref<16x640xf32, #tpu.memory_space<vmem>>, vector<16xf32>,
      %add3A_282 = arith.addf %add3A_275, %get3A_281 : vector<16xf32>
      %mul3A_283 = arith.constant 16 : i32
      %mul3A_284 = arith.muli %scan3A_185, %mul3A_283 : i32
      %get3A_285 = arith.constant 14 : i32
      %get3A_286 = arith.index_cast %get3A_285 : i32 to index
      %get3A_287 = arith.index_cast %mul3A_284 : i32 to index
      %get3A_288 = tpu.vector_load %arg11[%get3A_286, %get3A_287] {strides = array<i32>} : memref<16x640xf32, #tpu.memory_space<vmem>>, vector<16xf32>,
      %add3A_289 = arith.addf %add3A_282, %get3A_288 : vector<16xf32>
      %mul3A_290 = arith.constant 16 : i32
      %mul3A_291 = arith.muli %scan3A_185, %mul3A_290 : i32
      %get3A_292 = arith.constant 15 : i32
      %get3A_293 = arith.index_cast %get3A_292 : i32 to index
      %get3A_294 = arith.index_cast %mul3A_291 : i32 to index
      %get3A_295 = tpu.vector_load %arg11[%get3A_293, %get3A_294] {strides = array<i32>} : memref<16x640xf32, #tpu.memory_space<vmem>>, vector<16xf32>,
      %add3A_296 = arith.addf %add3A_289, %get3A_295 : vector<16xf32>
      %mul3A_297 = arith.constant 16 : i32
      %mul3A_298 = arith.muli %scan3A_185, %mul3A_297 : i32
      %swap3A = arith.index_cast %mul3A_298 : i32 to index
      %swap3A_299 = tpu.vector_load %arg12[%swap3A] {strides = array<i32>} : memref<640xf32, #tpu.memory_space<vmem>>, vector<16xf32>,
      tpu.vector_store %arg12[%swap3A], %add3A_296 {strides = array<i32>} : memref<640xf32, #tpu.memory_space<vmem>>, vector<16xf32>,
      %scan3A_300 = arith.constant 0 : i32
      scf.yield %scan3A_300 : i32
    }
    %scan3A_90 = arith.constant 40 : i32
    %mul3A_91 = arith.constant 640 : i32
    %mul3A_92 = arith.muli %arg1, %mul3A_91 : i32
    %run_scoped3A_93 = arith.constant 0 : i32
    %run_scoped3A_94 = arith.constant 0 : i32
    "tpu.region"() ({
      %run_scoped3A_185 = tpu.sem_alloc : memref<!tpu.dma_semaphore, #tpu.memory_space<semaphore_mem>>
      %dma_start3A = arith.constant 0 : i32
      %dma_start3A_186 = tpu.memref_slice %arg11[%run_scoped3A_94, %dma_start3A] : memref<16x640xf32, #tpu.memory_space<vmem>> -> memref<1x640xf32, #tpu.memory_space<vmem>>
      %dma_start3A_187 = tpu.memref_squeeze %dma_start3A_186 : memref<1x640xf32, #tpu.memory_space<vmem>> -> memref<640xf32, #tpu.memory_space<vmem>>
      %dma_start3A_188 = tpu.memref_slice %arg20[%run_scoped3A_93, %mul3A_92] : memref<16x10240xf32, #tpu.memory_space<vmem_shared>> -> memref<1x640xf32, #tpu.memory_space<vmem_shared>>
      %dma_start3A_189 = tpu.memref_squeeze %dma_start3A_188 : memref<1x640xf32, #tpu.memory_space<vmem_shared>> -> memref<640xf32, #tpu.memory_space<vmem_shared>>
      %dma_start3A_190 = arith.constant 0 : i32
      %dma_start3A_191 = tpu.memref_slice %arg11[%run_scoped3A_94, %dma_start3A_190] : memref<16x640xf32, #tpu.memory_space<vmem>> -> memref<1x640xf32, #tpu.memory_space<vmem>>
      %dma_start3A_192 = tpu.memref_squeeze %dma_start3A_191 : memref<1x640xf32, #tpu.memory_space<vmem>> -> memref<640xf32, #tpu.memory_space<vmem>>
      %dma_start3A_193 = tpu.memref_slice %arg20[%run_scoped3A_93, %mul3A_92] : memref<16x10240xf32, #tpu.memory_space<vmem_shared>> -> memref<1x640xf32, #tpu.memory_space<vmem_shared>>
      %dma_start3A_194 = tpu.memref_squeeze %dma_start3A_193 : memref<1x640xf32, #tpu.memory_space<vmem_shared>> -> memref<640xf32, #tpu.memory_space<vmem_shared>>
      tpu.enqueue_dma source(%dma_start3A_194 : memref<640xf32, #tpu.memory_space<vmem_shared>>) target(%dma_start3A_192 : memref<640xf32, #tpu.memory_space<vmem>>) target_semaphore(%run_scoped3A_185 : memref<!tpu.dma_semaphore, #tpu.memory_space<semaphore_mem>>)
      %dma_wait3A = arith.constant 0 : i32
      %dma_wait3A_195 = tpu.memref_slice %arg11[%run_scoped3A_94, %dma_wait3A] : memref<16x640xf32, #tpu.memory_space<vmem>> -> memref<1x640xf32, #tpu.memory_space<vmem>>
      %dma_wait3A_196 = tpu.memref_squeeze %dma_wait3A_195 : memref<1x640xf32, #tpu.memory_space<vmem>> -> memref<640xf32, #tpu.memory_space<vmem>>
      %dma_wait3A_197 = tpu.memref_slice %arg20[%run_scoped3A_93, %mul3A_92] : memref<16x10240xf32, #tpu.memory_space<vmem_shared>> -> memref<1x640xf32, #tpu.memory_space<vmem_shared>>
      %dma_wait3A_198 = tpu.memref_squeeze %dma_wait3A_197 : memref<1x640xf32, #tpu.memory_space<vmem_shared>> -> memref<640xf32, #tpu.memory_space<vmem_shared>>
      %dma_wait3A_199 = arith.constant 0 : i32
      %dma_wait3A_200 = tpu.memref_slice %arg11[%run_scoped3A_94, %dma_wait3A_199] : memref<16x640xf32, #tpu.memory_space<vmem>> -> memref<1x640xf32, #tpu.memory_space<vmem>>
      %dma_wait3A_201 = tpu.memref_squeeze %dma_wait3A_200 : memref<1x640xf32, #tpu.memory_space<vmem>> -> memref<640xf32, #tpu.memory_space<vmem>>
      %dma_wait3A_202 = tpu.memref_slice %arg20[%run_scoped3A_93, %mul3A_92] : memref<16x10240xf32, #tpu.memory_space<vmem_shared>> -> memref<1x640xf32, #tpu.memory_space<vmem_shared>>
      %dma_wait3A_203 = tpu.memref_squeeze %dma_wait3A_202 : memref<1x640xf32, #tpu.memory_space<vmem_shared>> -> memref<640xf32, #tpu.memory_space<vmem_shared>>
      tpu.wait_dma2 semaphore(%run_scoped3A_185 : memref<!tpu.dma_semaphore, #tpu.memory_space<semaphore_mem>>) src(%dma_wait3A_203 : memref<640xf32, #tpu.memory_space<vmem_shared>>) dst(%dma_wait3A_201 : memref<640xf32, #tpu.memory_space<vmem>>)
      tpu.yield
    }) : () -> ()
    %mul3A_95 = arith.constant 640 : i32
    %mul3A_96 = arith.muli %arg1, %mul3A_95 : i32
    %run_scoped3A_97 = arith.constant 1 : i32
    %run_scoped3A_98 = arith.constant 1 : i32
    "tpu.region"() ({
      %run_scoped3A_185 = tpu.sem_alloc : memref<!tpu.dma_semaphore, #tpu.memory_space<semaphore_mem>>
      %dma_start3A = arith.constant 0 : i32
      %dma_start3A_186 = tpu.memref_slice %arg11[%run_scoped3A_98, %dma_start3A] : memref<16x640xf32, #tpu.memory_space<vmem>> -> memref<1x640xf32, #tpu.memory_space<vmem>>
      %dma_start3A_187 = tpu.memref_squeeze %dma_start3A_186 : memref<1x640xf32, #tpu.memory_space<vmem>> -> memref<640xf32, #tpu.memory_space<vmem>>
      %dma_start3A_188 = tpu.memref_slice %arg20[%run_scoped3A_97, %mul3A_96] : memref<16x10240xf32, #tpu.memory_space<vmem_shared>> -> memref<1x640xf32, #tpu.memory_space<vmem_shared>>
      %dma_start3A_189 = tpu.memref_squeeze %dma_start3A_188 : memref<1x640xf32, #tpu.memory_space<vmem_shared>> -> memref<640xf32, #tpu.memory_space<vmem_shared>>
      %dma_start3A_190 = arith.constant 0 : i32
      %dma_start3A_191 = tpu.memref_slice %arg11[%run_scoped3A_98, %dma_start3A_190] : memref<16x640xf32, #tpu.memory_space<vmem>> -> memref<1x640xf32, #tpu.memory_space<vmem>>
      %dma_start3A_192 = tpu.memref_squeeze %dma_start3A_191 : memref<1x640xf32, #tpu.memory_space<vmem>> -> memref<640xf32, #tpu.memory_space<vmem>>
      %dma_start3A_193 = tpu.memref_slice %arg20[%run_scoped3A_97, %mul3A_96] : memref<16x10240xf32, #tpu.memory_space<vmem_shared>> -> memref<1x640xf32, #tpu.memory_space<vmem_shared>>
      %dma_start3A_194 = tpu.memref_squeeze %dma_start3A_193 : memref<1x640xf32, #tpu.memory_space<vmem_shared>> -> memref<640xf32, #tpu.memory_space<vmem_shared>>
      tpu.enqueue_dma source(%dma_start3A_194 : memref<640xf32, #tpu.memory_space<vmem_shared>>) target(%dma_start3A_192 : memref<640xf32, #tpu.memory_space<vmem>>) target_semaphore(%run_scoped3A_185 : memref<!tpu.dma_semaphore, #tpu.memory_space<semaphore_mem>>)
      %dma_wait3A = arith.constant 0 : i32
      %dma_wait3A_195 = tpu.memref_slice %arg11[%run_scoped3A_98, %dma_wait3A] : memref<16x640xf32, #tpu.memory_space<vmem>> -> memref<1x640xf32, #tpu.memory_space<vmem>>
      %dma_wait3A_196 = tpu.memref_squeeze %dma_wait3A_195 : memref<1x640xf32, #tpu.memory_space<vmem>> -> memref<640xf32, #tpu.memory_space<vmem>>
      %dma_wait3A_197 = tpu.memref_slice %arg20[%run_scoped3A_97, %mul3A_96] : memref<16x10240xf32, #tpu.memory_space<vmem_shared>> -> memref<1x640xf32, #tpu.memory_space<vmem_shared>>
      %dma_wait3A_198 = tpu.memref_squeeze %dma_wait3A_197 : memref<1x640xf32, #tpu.memory_space<vmem_shared>> -> memref<640xf32, #tpu.memory_space<vmem_shared>>
      %dma_wait3A_199 = arith.constant 0 : i32
      %dma_wait3A_200 = tpu.memref_slice %arg11[%run_scoped3A_98, %dma_wait3A_199] : memref<16x640xf32, #tpu.memory_space<vmem>> -> memref<1x640xf32, #tpu.memory_space<vmem>>
      %dma_wait3A_201 = tpu.memref_squeeze %dma_wait3A_200 : memref<1x640xf32, #tpu.memory_space<vmem>> -> memref<640xf32, #tpu.memory_space<vmem>>
      %dma_wait3A_202 = tpu.memref_slice %arg20[%run_scoped3A_97, %mul3A_96] : memref<16x10240xf32, #tpu.memory_space<vmem_shared>> -> memref<1x640xf32, #tpu.memory_space<vmem_shared>>
      %dma_wait3A_203 = tpu.memref_squeeze %dma_wait3A_202 : memref<1x640xf32, #tpu.memory_space<vmem_shared>> -> memref<640xf32, #tpu.memory_space<vmem_shared>>
      tpu.wait_dma2 semaphore(%run_scoped3A_185 : memref<!tpu.dma_semaphore, #tpu.memory_space<semaphore_mem>>) src(%dma_wait3A_203 : memref<640xf32, #tpu.memory_space<vmem_shared>>) dst(%dma_wait3A_201 : memref<640xf32, #tpu.memory_space<vmem>>)
      tpu.yield
    }) : () -> ()
    %mul3A_99 = arith.constant 640 : i32
    %mul3A_100 = arith.muli %arg1, %mul3A_99 : i32
    %run_scoped3A_101 = arith.constant 2 : i32
    %run_scoped3A_102 = arith.constant 2 : i32
    "tpu.region"() ({
      %run_scoped3A_185 = tpu.sem_alloc : memref<!tpu.dma_semaphore, #tpu.memory_space<semaphore_mem>>
      %dma_start3A = arith.constant 0 : i32
      %dma_start3A_186 = tpu.memref_slice %arg11[%run_scoped3A_102, %dma_start3A] : memref<16x640xf32, #tpu.memory_space<vmem>> -> memref<1x640xf32, #tpu.memory_space<vmem>>
      %dma_start3A_187 = tpu.memref_squeeze %dma_start3A_186 : memref<1x640xf32, #tpu.memory_space<vmem>> -> memref<640xf32, #tpu.memory_space<vmem>>
      %dma_start3A_188 = tpu.memref_slice %arg20[%run_scoped3A_101, %mul3A_100] : memref<16x10240xf32, #tpu.memory_space<vmem_shared>> -> memref<1x640xf32, #tpu.memory_space<vmem_shared>>
      %dma_start3A_189 = tpu.memref_squeeze %dma_start3A_188 : memref<1x640xf32, #tpu.memory_space<vmem_shared>> -> memref<640xf32, #tpu.memory_space<vmem_shared>>
      %dma_start3A_190 = arith.constant 0 : i32
      %dma_start3A_191 = tpu.memref_slice %arg11[%run_scoped3A_102, %dma_start3A_190] : memref<16x640xf32, #tpu.memory_space<vmem>> -> memref<1x640xf32, #tpu.memory_space<vmem>>
      %dma_start3A_192 = tpu.memref_squeeze %dma_start3A_191 : memref<1x640xf32, #tpu.memory_space<vmem>> -> memref<640xf32, #tpu.memory_space<vmem>>
      %dma_start3A_193 = tpu.memref_slice %arg20[%run_scoped3A_101, %mul3A_100] : memref<16x10240xf32, #tpu.memory_space<vmem_shared>> -> memref<1x640xf32, #tpu.memory_space<vmem_shared>>
      %dma_start3A_194 = tpu.memref_squeeze %dma_start3A_193 : memref<1x640xf32, #tpu.memory_space<vmem_shared>> -> memref<640xf32, #tpu.memory_space<vmem_shared>>
      tpu.enqueue_dma source(%dma_start3A_194 : memref<640xf32, #tpu.memory_space<vmem_shared>>) target(%dma_start3A_192 : memref<640xf32, #tpu.memory_space<vmem>>) target_semaphore(%run_scoped3A_185 : memref<!tpu.dma_semaphore, #tpu.memory_space<semaphore_mem>>)
      %dma_wait3A = arith.constant 0 : i32
      %dma_wait3A_195 = tpu.memref_slice %arg11[%run_scoped3A_102, %dma_wait3A] : memref<16x640xf32, #tpu.memory_space<vmem>> -> memref<1x640xf32, #tpu.memory_space<vmem>>
      %dma_wait3A_196 = tpu.memref_squeeze %dma_wait3A_195 : memref<1x640xf32, #tpu.memory_space<vmem>> -> memref<640xf32, #tpu.memory_space<vmem>>
      %dma_wait3A_197 = tpu.memref_slice %arg20[%run_scoped3A_101, %mul3A_100] : memref<16x10240xf32, #tpu.memory_space<vmem_shared>> -> memref<1x640xf32, #tpu.memory_space<vmem_shared>>
      %dma_wait3A_198 = tpu.memref_squeeze %dma_wait3A_197 : memref<1x640xf32, #tpu.memory_space<vmem_shared>> -> memref<640xf32, #tpu.memory_space<vmem_shared>>
      %dma_wait3A_199 = arith.constant 0 : i32
      %dma_wait3A_200 = tpu.memref_slice %arg11[%run_scoped3A_102, %dma_wait3A_199] : memref<16x640xf32, #tpu.memory_space<vmem>> -> memref<1x640xf32, #tpu.memory_space<vmem>>
      %dma_wait3A_201 = tpu.memref_squeeze %dma_wait3A_200 : memref<1x640xf32, #tpu.memory_space<vmem>> -> memref<640xf32, #tpu.memory_space<vmem>>
      %dma_wait3A_202 = tpu.memref_slice %arg20[%run_scoped3A_101, %mul3A_100] : memref<16x10240xf32, #tpu.memory_space<vmem_shared>> -> memref<1x640xf32, #tpu.memory_space<vmem_shared>>
      %dma_wait3A_203 = tpu.memref_squeeze %dma_wait3A_202 : memref<1x640xf32, #tpu.memory_space<vmem_shared>> -> memref<640xf32, #tpu.memory_space<vmem_shared>>
      tpu.wait_dma2 semaphore(%run_scoped3A_185 : memref<!tpu.dma_semaphore, #tpu.memory_space<semaphore_mem>>) src(%dma_wait3A_203 : memref<640xf32, #tpu.memory_space<vmem_shared>>) dst(%dma_wait3A_201 : memref<640xf32, #tpu.memory_space<vmem>>)
      tpu.yield
    }) : () -> ()
    %mul3A_103 = arith.constant 640 : i32
    %mul3A_104 = arith.muli %arg1, %mul3A_103 : i32
    %run_scoped3A_105 = arith.constant 3 : i32
    %run_scoped3A_106 = arith.constant 3 : i32
    "tpu.region"() ({
      %run_scoped3A_185 = tpu.sem_alloc : memref<!tpu.dma_semaphore, #tpu.memory_space<semaphore_mem>>
      %dma_start3A = arith.constant 0 : i32
      %dma_start3A_186 = tpu.memref_slice %arg11[%run_scoped3A_106, %dma_start3A] : memref<16x640xf32, #tpu.memory_space<vmem>> -> memref<1x640xf32, #tpu.memory_space<vmem>>
      %dma_start3A_187 = tpu.memref_squeeze %dma_start3A_186 : memref<1x640xf32, #tpu.memory_space<vmem>> -> memref<640xf32, #tpu.memory_space<vmem>>
      %dma_start3A_188 = tpu.memref_slice %arg20[%run_scoped3A_105, %mul3A_104] : memref<16x10240xf32, #tpu.memory_space<vmem_shared>> -> memref<1x640xf32, #tpu.memory_space<vmem_shared>>
      %dma_start3A_189 = tpu.memref_squeeze %dma_start3A_188 : memref<1x640xf32, #tpu.memory_space<vmem_shared>> -> memref<640xf32, #tpu.memory_space<vmem_shared>>
      %dma_start3A_190 = arith.constant 0 : i32
      %dma_start3A_191 = tpu.memref_slice %arg11[%run_scoped3A_106, %dma_start3A_190] : memref<16x640xf32, #tpu.memory_space<vmem>> -> memref<1x640xf32, #tpu.memory_space<vmem>>
      %dma_start3A_192 = tpu.memref_squeeze %dma_start3A_191 : memref<1x640xf32, #tpu.memory_space<vmem>> -> memref<640xf32, #tpu.memory_space<vmem>>
      %dma_start3A_193 = tpu.memref_slice %arg20[%run_scoped3A_105, %mul3A_104] : memref<16x10240xf32, #tpu.memory_space<vmem_shared>> -> memref<1x640xf32, #tpu.memory_space<vmem_shared>>
      %dma_start3A_194 = tpu.memref_squeeze %dma_start3A_193 : memref<1x640xf32, #tpu.memory_space<vmem_shared>> -> memref<640xf32, #tpu.memory_space<vmem_shared>>
      tpu.enqueue_dma source(%dma_start3A_194 : memref<640xf32, #tpu.memory_space<vmem_shared>>) target(%dma_start3A_192 : memref<640xf32, #tpu.memory_space<vmem>>) target_semaphore(%run_scoped3A_185 : memref<!tpu.dma_semaphore, #tpu.memory_space<semaphore_mem>>)
      %dma_wait3A = arith.constant 0 : i32
      %dma_wait3A_195 = tpu.memref_slice %arg11[%run_scoped3A_106, %dma_wait3A] : memref<16x640xf32, #tpu.memory_space<vmem>> -> memref<1x640xf32, #tpu.memory_space<vmem>>
      %dma_wait3A_196 = tpu.memref_squeeze %dma_wait3A_195 : memref<1x640xf32, #tpu.memory_space<vmem>> -> memref<640xf32, #tpu.memory_space<vmem>>
      %dma_wait3A_197 = tpu.memref_slice %arg20[%run_scoped3A_105, %mul3A_104] : memref<16x10240xf32, #tpu.memory_space<vmem_shared>> -> memref<1x640xf32, #tpu.memory_space<vmem_shared>>
      %dma_wait3A_198 = tpu.memref_squeeze %dma_wait3A_197 : memref<1x640xf32, #tpu.memory_space<vmem_shared>> -> memref<640xf32, #tpu.memory_space<vmem_shared>>
      %dma_wait3A_199 = arith.constant 0 : i32
      %dma_wait3A_200 = tpu.memref_slice %arg11[%run_scoped3A_106, %dma_wait3A_199] : memref<16x640xf32, #tpu.memory_space<vmem>> -> memref<1x640xf32, #tpu.memory_space<vmem>>
      %dma_wait3A_201 = tpu.memref_squeeze %dma_wait3A_200 : memref<1x640xf32, #tpu.memory_space<vmem>> -> memref<640xf32, #tpu.memory_space<vmem>>
      %dma_wait3A_202 = tpu.memref_slice %arg20[%run_scoped3A_105, %mul3A_104] : memref<16x10240xf32, #tpu.memory_space<vmem_shared>> -> memref<1x640xf32, #tpu.memory_space<vmem_shared>>
      %dma_wait3A_203 = tpu.memref_squeeze %dma_wait3A_202 : memref<1x640xf32, #tpu.memory_space<vmem_shared>> -> memref<640xf32, #tpu.memory_space<vmem_shared>>
      tpu.wait_dma2 semaphore(%run_scoped3A_185 : memref<!tpu.dma_semaphore, #tpu.memory_space<semaphore_mem>>) src(%dma_wait3A_203 : memref<640xf32, #tpu.memory_space<vmem_shared>>) dst(%dma_wait3A_201 : memref<640xf32, #tpu.memory_space<vmem>>)
      tpu.yield
    }) : () -> ()
    %mul3A_107 = arith.constant 640 : i32
    %mul3A_108 = arith.muli %arg1, %mul3A_107 : i32
    %run_scoped3A_109 = arith.constant 4 : i32
    %run_scoped3A_110 = arith.constant 4 : i32
    "tpu.region"() ({
      %run_scoped3A_185 = tpu.sem_alloc : memref<!tpu.dma_semaphore, #tpu.memory_space<semaphore_mem>>
      %dma_start3A = arith.constant 0 : i32
      %dma_start3A_186 = tpu.memref_slice %arg11[%run_scoped3A_110, %dma_start3A] : memref<16x640xf32, #tpu.memory_space<vmem>> -> memref<1x640xf32, #tpu.memory_space<vmem>>
      %dma_start3A_187 = tpu.memref_squeeze %dma_start3A_186 : memref<1x640xf32, #tpu.memory_space<vmem>> -> memref<640xf32, #tpu.memory_space<vmem>>
      %dma_start3A_188 = tpu.memref_slice %arg20[%run_scoped3A_109, %mul3A_108] : memref<16x10240xf32, #tpu.memory_space<vmem_shared>> -> memref<1x640xf32, #tpu.memory_space<vmem_shared>>
      %dma_start3A_189 = tpu.memref_squeeze %dma_start3A_188 : memref<1x640xf32, #tpu.memory_space<vmem_shared>> -> memref<640xf32, #tpu.memory_space<vmem_shared>>
      %dma_start3A_190 = arith.constant 0 : i32
      %dma_start3A_191 = tpu.memref_slice %arg11[%run_scoped3A_110, %dma_start3A_190] : memref<16x640xf32, #tpu.memory_space<vmem>> -> memref<1x640xf32, #tpu.memory_space<vmem>>
      %dma_start3A_192 = tpu.memref_squeeze %dma_start3A_191 : memref<1x640xf32, #tpu.memory_space<vmem>> -> memref<640xf32, #tpu.memory_space<vmem>>
      %dma_start3A_193 = tpu.memref_slice %arg20[%run_scoped3A_109, %mul3A_108] : memref<16x10240xf32, #tpu.memory_space<vmem_shared>> -> memref<1x640xf32, #tpu.memory_space<vmem_shared>>
      %dma_start3A_194 = tpu.memref_squeeze %dma_start3A_193 : memref<1x640xf32, #tpu.memory_space<vmem_shared>> -> memref<640xf32, #tpu.memory_space<vmem_shared>>
      tpu.enqueue_dma source(%dma_start3A_194 : memref<640xf32, #tpu.memory_space<vmem_shared>>) target(%dma_start3A_192 : memref<640xf32, #tpu.memory_space<vmem>>) target_semaphore(%run_scoped3A_185 : memref<!tpu.dma_semaphore, #tpu.memory_space<semaphore_mem>>)
      %dma_wait3A = arith.constant 0 : i32
      %dma_wait3A_195 = tpu.memref_slice %arg11[%run_scoped3A_110, %dma_wait3A] : memref<16x640xf32, #tpu.memory_space<vmem>> -> memref<1x640xf32, #tpu.memory_space<vmem>>
      %dma_wait3A_196 = tpu.memref_squeeze %dma_wait3A_195 : memref<1x640xf32, #tpu.memory_space<vmem>> -> memref<640xf32, #tpu.memory_space<vmem>>
      %dma_wait3A_197 = tpu.memref_slice %arg20[%run_scoped3A_109, %mul3A_108] : memref<16x10240xf32, #tpu.memory_space<vmem_shared>> -> memref<1x640xf32, #tpu.memory_space<vmem_shared>>
      %dma_wait3A_198 = tpu.memref_squeeze %dma_wait3A_197 : memref<1x640xf32, #tpu.memory_space<vmem_shared>> -> memref<640xf32, #tpu.memory_space<vmem_shared>>
      %dma_wait3A_199 = arith.constant 0 : i32
      %dma_wait3A_200 = tpu.memref_slice %arg11[%run_scoped3A_110, %dma_wait3A_199] : memref<16x640xf32, #tpu.memory_space<vmem>> -> memref<1x640xf32, #tpu.memory_space<vmem>>
      %dma_wait3A_201 = tpu.memref_squeeze %dma_wait3A_200 : memref<1x640xf32, #tpu.memory_space<vmem>> -> memref<640xf32, #tpu.memory_space<vmem>>
      %dma_wait3A_202 = tpu.memref_slice %arg20[%run_scoped3A_109, %mul3A_108] : memref<16x10240xf32, #tpu.memory_space<vmem_shared>> -> memref<1x640xf32, #tpu.memory_space<vmem_shared>>
      %dma_wait3A_203 = tpu.memref_squeeze %dma_wait3A_202 : memref<1x640xf32, #tpu.memory_space<vmem_shared>> -> memref<640xf32, #tpu.memory_space<vmem_shared>>
      tpu.wait_dma2 semaphore(%run_scoped3A_185 : memref<!tpu.dma_semaphore, #tpu.memory_space<semaphore_mem>>) src(%dma_wait3A_203 : memref<640xf32, #tpu.memory_space<vmem_shared>>) dst(%dma_wait3A_201 : memref<640xf32, #tpu.memory_space<vmem>>)
      tpu.yield
    }) : () -> ()
    %mul3A_111 = arith.constant 640 : i32
    %mul3A_112 = arith.muli %arg1, %mul3A_111 : i32
    %run_scoped3A_113 = arith.constant 5 : i32
    %run_scoped3A_114 = arith.constant 5 : i32
    "tpu.region"() ({
      %run_scoped3A_185 = tpu.sem_alloc : memref<!tpu.dma_semaphore, #tpu.memory_space<semaphore_mem>>
      %dma_start3A = arith.constant 0 : i32
      %dma_start3A_186 = tpu.memref_slice %arg11[%run_scoped3A_114, %dma_start3A] : memref<16x640xf32, #tpu.memory_space<vmem>> -> memref<1x640xf32, #tpu.memory_space<vmem>>
      %dma_start3A_187 = tpu.memref_squeeze %dma_start3A_186 : memref<1x640xf32, #tpu.memory_space<vmem>> -> memref<640xf32, #tpu.memory_space<vmem>>
      %dma_start3A_188 = tpu.memref_slice %arg20[%run_scoped3A_113, %mul3A_112] : memref<16x10240xf32, #tpu.memory_space<vmem_shared>> -> memref<1x640xf32, #tpu.memory_space<vmem_shared>>
      %dma_start3A_189 = tpu.memref_squeeze %dma_start3A_188 : memref<1x640xf32, #tpu.memory_space<vmem_shared>> -> memref<640xf32, #tpu.memory_space<vmem_shared>>
      %dma_start3A_190 = arith.constant 0 : i32
      %dma_start3A_191 = tpu.memref_slice %arg11[%run_scoped3A_114, %dma_start3A_190] : memref<16x640xf32, #tpu.memory_space<vmem>> -> memref<1x640xf32, #tpu.memory_space<vmem>>
      %dma_start3A_192 = tpu.memref_squeeze %dma_start3A_191 : memref<1x640xf32, #tpu.memory_space<vmem>> -> memref<640xf32, #tpu.memory_space<vmem>>
      %dma_start3A_193 = tpu.memref_slice %arg20[%run_scoped3A_113, %mul3A_112] : memref<16x10240xf32, #tpu.memory_space<vmem_shared>> -> memref<1x640xf32, #tpu.memory_space<vmem_shared>>
      %dma_start3A_194 = tpu.memref_squeeze %dma_start3A_193 : memref<1x640xf32, #tpu.memory_space<vmem_shared>> -> memref<640xf32, #tpu.memory_space<vmem_shared>>
      tpu.enqueue_dma source(%dma_start3A_194 : memref<640xf32, #tpu.memory_space<vmem_shared>>) target(%dma_start3A_192 : memref<640xf32, #tpu.memory_space<vmem>>) target_semaphore(%run_scoped3A_185 : memref<!tpu.dma_semaphore, #tpu.memory_space<semaphore_mem>>)
      %dma_wait3A = arith.constant 0 : i32
      %dma_wait3A_195 = tpu.memref_slice %arg11[%run_scoped3A_114, %dma_wait3A] : memref<16x640xf32, #tpu.memory_space<vmem>> -> memref<1x640xf32, #tpu.memory_space<vmem>>
      %dma_wait3A_196 = tpu.memref_squeeze %dma_wait3A_195 : memref<1x640xf32, #tpu.memory_space<vmem>> -> memref<640xf32, #tpu.memory_space<vmem>>
      %dma_wait3A_197 = tpu.memref_slice %arg20[%run_scoped3A_113, %mul3A_112] : memref<16x10240xf32, #tpu.memory_space<vmem_shared>> -> memref<1x640xf32, #tpu.memory_space<vmem_shared>>
      %dma_wait3A_198 = tpu.memref_squeeze %dma_wait3A_197 : memref<1x640xf32, #tpu.memory_space<vmem_shared>> -> memref<640xf32, #tpu.memory_space<vmem_shared>>
      %dma_wait3A_199 = arith.constant 0 : i32
      %dma_wait3A_200 = tpu.memref_slice %arg11[%run_scoped3A_114, %dma_wait3A_199] : memref<16x640xf32, #tpu.memory_space<vmem>> -> memref<1x640xf32, #tpu.memory_space<vmem>>
      %dma_wait3A_201 = tpu.memref_squeeze %dma_wait3A_200 : memref<1x640xf32, #tpu.memory_space<vmem>> -> memref<640xf32, #tpu.memory_space<vmem>>
      %dma_wait3A_202 = tpu.memref_slice %arg20[%run_scoped3A_113, %mul3A_112] : memref<16x10240xf32, #tpu.memory_space<vmem_shared>> -> memref<1x640xf32, #tpu.memory_space<vmem_shared>>
      %dma_wait3A_203 = tpu.memref_squeeze %dma_wait3A_202 : memref<1x640xf32, #tpu.memory_space<vmem_shared>> -> memref<640xf32, #tpu.memory_space<vmem_shared>>
      tpu.wait_dma2 semaphore(%run_scoped3A_185 : memref<!tpu.dma_semaphore, #tpu.memory_space<semaphore_mem>>) src(%dma_wait3A_203 : memref<640xf32, #tpu.memory_space<vmem_shared>>) dst(%dma_wait3A_201 : memref<640xf32, #tpu.memory_space<vmem>>)
      tpu.yield
    }) : () -> ()
    %mul3A_115 = arith.constant 640 : i32
    %mul3A_116 = arith.muli %arg1, %mul3A_115 : i32
    %run_scoped3A_117 = arith.constant 6 : i32
    %run_scoped3A_118 = arith.constant 6 : i32
    "tpu.region"() ({
      %run_scoped3A_185 = tpu.sem_alloc : memref<!tpu.dma_semaphore, #tpu.memory_space<semaphore_mem>>
      %dma_start3A = arith.constant 0 : i32
      %dma_start3A_186 = tpu.memref_slice %arg11[%run_scoped3A_118, %dma_start3A] : memref<16x640xf32, #tpu.memory_space<vmem>> -> memref<1x640xf32, #tpu.memory_space<vmem>>
      %dma_start3A_187 = tpu.memref_squeeze %dma_start3A_186 : memref<1x640xf32, #tpu.memory_space<vmem>> -> memref<640xf32, #tpu.memory_space<vmem>>
      %dma_start3A_188 = tpu.memref_slice %arg20[%run_scoped3A_117, %mul3A_116] : memref<16x10240xf32, #tpu.memory_space<vmem_shared>> -> memref<1x640xf32, #tpu.memory_space<vmem_shared>>
      %dma_start3A_189 = tpu.memref_squeeze %dma_start3A_188 : memref<1x640xf32, #tpu.memory_space<vmem_shared>> -> memref<640xf32, #tpu.memory_space<vmem_shared>>
      %dma_start3A_190 = arith.constant 0 : i32
      %dma_start3A_191 = tpu.memref_slice %arg11[%run_scoped3A_118, %dma_start3A_190] : memref<16x640xf32, #tpu.memory_space<vmem>> -> memref<1x640xf32, #tpu.memory_space<vmem>>
      %dma_start3A_192 = tpu.memref_squeeze %dma_start3A_191 : memref<1x640xf32, #tpu.memory_space<vmem>> -> memref<640xf32, #tpu.memory_space<vmem>>
      %dma_start3A_193 = tpu.memref_slice %arg20[%run_scoped3A_117, %mul3A_116] : memref<16x10240xf32, #tpu.memory_space<vmem_shared>> -> memref<1x640xf32, #tpu.memory_space<vmem_shared>>
      %dma_start3A_194 = tpu.memref_squeeze %dma_start3A_193 : memref<1x640xf32, #tpu.memory_space<vmem_shared>> -> memref<640xf32, #tpu.memory_space<vmem_shared>>
      tpu.enqueue_dma source(%dma_start3A_194 : memref<640xf32, #tpu.memory_space<vmem_shared>>) target(%dma_start3A_192 : memref<640xf32, #tpu.memory_space<vmem>>) target_semaphore(%run_scoped3A_185 : memref<!tpu.dma_semaphore, #tpu.memory_space<semaphore_mem>>)
      %dma_wait3A = arith.constant 0 : i32
      %dma_wait3A_195 = tpu.memref_slice %arg11[%run_scoped3A_118, %dma_wait3A] : memref<16x640xf32, #tpu.memory_space<vmem>> -> memref<1x640xf32, #tpu.memory_space<vmem>>
      %dma_wait3A_196 = tpu.memref_squeeze %dma_wait3A_195 : memref<1x640xf32, #tpu.memory_space<vmem>> -> memref<640xf32, #tpu.memory_space<vmem>>
      %dma_wait3A_197 = tpu.memref_slice %arg20[%run_scoped3A_117, %mul3A_116] : memref<16x10240xf32, #tpu.memory_space<vmem_shared>> -> memref<1x640xf32, #tpu.memory_space<vmem_shared>>
      %dma_wait3A_198 = tpu.memref_squeeze %dma_wait3A_197 : memref<1x640xf32, #tpu.memory_space<vmem_shared>> -> memref<640xf32, #tpu.memory_space<vmem_shared>>
      %dma_wait3A_199 = arith.constant 0 : i32
      %dma_wait3A_200 = tpu.memref_slice %arg11[%run_scoped3A_118, %dma_wait3A_199] : memref<16x640xf32, #tpu.memory_space<vmem>> -> memref<1x640xf32, #tpu.memory_space<vmem>>
      %dma_wait3A_201 = tpu.memref_squeeze %dma_wait3A_200 : memref<1x640xf32, #tpu.memory_space<vmem>> -> memref<640xf32, #tpu.memory_space<vmem>>
      %dma_wait3A_202 = tpu.memref_slice %arg20[%run_scoped3A_117, %mul3A_116] : memref<16x10240xf32, #tpu.memory_space<vmem_shared>> -> memref<1x640xf32, #tpu.memory_space<vmem_shared>>
      %dma_wait3A_203 = tpu.memref_squeeze %dma_wait3A_202 : memref<1x640xf32, #tpu.memory_space<vmem_shared>> -> memref<640xf32, #tpu.memory_space<vmem_shared>>
      tpu.wait_dma2 semaphore(%run_scoped3A_185 : memref<!tpu.dma_semaphore, #tpu.memory_space<semaphore_mem>>) src(%dma_wait3A_203 : memref<640xf32, #tpu.memory_space<vmem_shared>>) dst(%dma_wait3A_201 : memref<640xf32, #tpu.memory_space<vmem>>)
      tpu.yield
    }) : () -> ()
    %mul3A_119 = arith.constant 640 : i32
    %mul3A_120 = arith.muli %arg1, %mul3A_119 : i32
    %run_scoped3A_121 = arith.constant 7 : i32
    %run_scoped3A_122 = arith.constant 7 : i32
    "tpu.region"() ({
      %run_scoped3A_185 = tpu.sem_alloc : memref<!tpu.dma_semaphore, #tpu.memory_space<semaphore_mem>>
      %dma_start3A = arith.constant 0 : i32
      %dma_start3A_186 = tpu.memref_slice %arg11[%run_scoped3A_122, %dma_start3A] : memref<16x640xf32, #tpu.memory_space<vmem>> -> memref<1x640xf32, #tpu.memory_space<vmem>>
      %dma_start3A_187 = tpu.memref_squeeze %dma_start3A_186 : memref<1x640xf32, #tpu.memory_space<vmem>> -> memref<640xf32, #tpu.memory_space<vmem>>
      %dma_start3A_188 = tpu.memref_slice %arg20[%run_scoped3A_121, %mul3A_120] : memref<16x10240xf32, #tpu.memory_space<vmem_shared>> -> memref<1x640xf32, #tpu.memory_space<vmem_shared>>
      %dma_start3A_189 = tpu.memref_squeeze %dma_start3A_188 : memref<1x640xf32, #tpu.memory_space<vmem_shared>> -> memref<640xf32, #tpu.memory_space<vmem_shared>>
      %dma_start3A_190 = arith.constant 0 : i32
      %dma_start3A_191 = tpu.memref_slice %arg11[%run_scoped3A_122, %dma_start3A_190] : memref<16x640xf32, #tpu.memory_space<vmem>> -> memref<1x640xf32, #tpu.memory_space<vmem>>
      %dma_start3A_192 = tpu.memref_squeeze %dma_start3A_191 : memref<1x640xf32, #tpu.memory_space<vmem>> -> memref<640xf32, #tpu.memory_space<vmem>>
      %dma_start3A_193 = tpu.memref_slice %arg20[%run_scoped3A_121, %mul3A_120] : memref<16x10240xf32, #tpu.memory_space<vmem_shared>> -> memref<1x640xf32, #tpu.memory_space<vmem_shared>>
      %dma_start3A_194 = tpu.memref_squeeze %dma_start3A_193 : memref<1x640xf32, #tpu.memory_space<vmem_shared>> -> memref<640xf32, #tpu.memory_space<vmem_shared>>
      tpu.enqueue_dma source(%dma_start3A_194 : memref<640xf32, #tpu.memory_space<vmem_shared>>) target(%dma_start3A_192 : memref<640xf32, #tpu.memory_space<vmem>>) target_semaphore(%run_scoped3A_185 : memref<!tpu.dma_semaphore, #tpu.memory_space<semaphore_mem>>)
      %dma_wait3A = arith.constant 0 : i32
      %dma_wait3A_195 = tpu.memref_slice %arg11[%run_scoped3A_122, %dma_wait3A] : memref<16x640xf32, #tpu.memory_space<vmem>> -> memref<1x640xf32, #tpu.memory_space<vmem>>
      %dma_wait3A_196 = tpu.memref_squeeze %dma_wait3A_195 : memref<1x640xf32, #tpu.memory_space<vmem>> -> memref<640xf32, #tpu.memory_space<vmem>>
      %dma_wait3A_197 = tpu.memref_slice %arg20[%run_scoped3A_121, %mul3A_120] : memref<16x10240xf32, #tpu.memory_space<vmem_shared>> -> memref<1x640xf32, #tpu.memory_space<vmem_shared>>
      %dma_wait3A_198 = tpu.memref_squeeze %dma_wait3A_197 : memref<1x640xf32, #tpu.memory_space<vmem_shared>> -> memref<640xf32, #tpu.memory_space<vmem_shared>>
      %dma_wait3A_199 = arith.constant 0 : i32
      %dma_wait3A_200 = tpu.memref_slice %arg11[%run_scoped3A_122, %dma_wait3A_199] : memref<16x640xf32, #tpu.memory_space<vmem>> -> memref<1x640xf32, #tpu.memory_space<vmem>>
      %dma_wait3A_201 = tpu.memref_squeeze %dma_wait3A_200 : memref<1x640xf32, #tpu.memory_space<vmem>> -> memref<640xf32, #tpu.memory_space<vmem>>
      %dma_wait3A_202 = tpu.memref_slice %arg20[%run_scoped3A_121, %mul3A_120] : memref<16x10240xf32, #tpu.memory_space<vmem_shared>> -> memref<1x640xf32, #tpu.memory_space<vmem_shared>>
      %dma_wait3A_203 = tpu.memref_squeeze %dma_wait3A_202 : memref<1x640xf32, #tpu.memory_space<vmem_shared>> -> memref<640xf32, #tpu.memory_space<vmem_shared>>
      tpu.wait_dma2 semaphore(%run_scoped3A_185 : memref<!tpu.dma_semaphore, #tpu.memory_space<semaphore_mem>>) src(%dma_wait3A_203 : memref<640xf32, #tpu.memory_space<vmem_shared>>) dst(%dma_wait3A_201 : memref<640xf32, #tpu.memory_space<vmem>>)
      tpu.yield
    }) : () -> ()
    %mul3A_123 = arith.constant 640 : i32
    %mul3A_124 = arith.muli %arg1, %mul3A_123 : i32
    %run_scoped3A_125 = arith.constant 8 : i32
    %run_scoped3A_126 = arith.constant 8 : i32
    "tpu.region"() ({
      %run_scoped3A_185 = tpu.sem_alloc : memref<!tpu.dma_semaphore, #tpu.memory_space<semaphore_mem>>
      %dma_start3A = arith.constant 0 : i32
      %dma_start3A_186 = tpu.memref_slice %arg11[%run_scoped3A_126, %dma_start3A] : memref<16x640xf32, #tpu.memory_space<vmem>> -> memref<1x640xf32, #tpu.memory_space<vmem>>
      %dma_start3A_187 = tpu.memref_squeeze %dma_start3A_186 : memref<1x640xf32, #tpu.memory_space<vmem>> -> memref<640xf32, #tpu.memory_space<vmem>>
      %dma_start3A_188 = tpu.memref_slice %arg20[%run_scoped3A_125, %mul3A_124] : memref<16x10240xf32, #tpu.memory_space<vmem_shared>> -> memref<1x640xf32, #tpu.memory_space<vmem_shared>>
      %dma_start3A_189 = tpu.memref_squeeze %dma_start3A_188 : memref<1x640xf32, #tpu.memory_space<vmem_shared>> -> memref<640xf32, #tpu.memory_space<vmem_shared>>
      %dma_start3A_190 = arith.constant 0 : i32
      %dma_start3A_191 = tpu.memref_slice %arg11[%run_scoped3A_126, %dma_start3A_190] : memref<16x640xf32, #tpu.memory_space<vmem>> -> memref<1x640xf32, #tpu.memory_space<vmem>>
      %dma_start3A_192 = tpu.memref_squeeze %dma_start3A_191 : memref<1x640xf32, #tpu.memory_space<vmem>> -> memref<640xf32, #tpu.memory_space<vmem>>
      %dma_start3A_193 = tpu.memref_slice %arg20[%run_scoped3A_125, %mul3A_124] : memref<16x10240xf32, #tpu.memory_space<vmem_shared>> -> memref<1x640xf32, #tpu.memory_space<vmem_shared>>
      %dma_start3A_194 = tpu.memref_squeeze %dma_start3A_193 : memref<1x640xf32, #tpu.memory_space<vmem_shared>> -> memref<640xf32, #tpu.memory_space<vmem_shared>>
      tpu.enqueue_dma source(%dma_start3A_194 : memref<640xf32, #tpu.memory_space<vmem_shared>>) target(%dma_start3A_192 : memref<640xf32, #tpu.memory_space<vmem>>) target_semaphore(%run_scoped3A_185 : memref<!tpu.dma_semaphore, #tpu.memory_space<semaphore_mem>>)
      %dma_wait3A = arith.constant 0 : i32
      %dma_wait3A_195 = tpu.memref_slice %arg11[%run_scoped3A_126, %dma_wait3A] : memref<16x640xf32, #tpu.memory_space<vmem>> -> memref<1x640xf32, #tpu.memory_space<vmem>>
      %dma_wait3A_196 = tpu.memref_squeeze %dma_wait3A_195 : memref<1x640xf32, #tpu.memory_space<vmem>> -> memref<640xf32, #tpu.memory_space<vmem>>
      %dma_wait3A_197 = tpu.memref_slice %arg20[%run_scoped3A_125, %mul3A_124] : memref<16x10240xf32, #tpu.memory_space<vmem_shared>> -> memref<1x640xf32, #tpu.memory_space<vmem_shared>>
      %dma_wait3A_198 = tpu.memref_squeeze %dma_wait3A_197 : memref<1x640xf32, #tpu.memory_space<vmem_shared>> -> memref<640xf32, #tpu.memory_space<vmem_shared>>
      %dma_wait3A_199 = arith.constant 0 : i32
      %dma_wait3A_200 = tpu.memref_slice %arg11[%run_scoped3A_126, %dma_wait3A_199] : memref<16x640xf32, #tpu.memory_space<vmem>> -> memref<1x640xf32, #tpu.memory_space<vmem>>
      %dma_wait3A_201 = tpu.memref_squeeze %dma_wait3A_200 : memref<1x640xf32, #tpu.memory_space<vmem>> -> memref<640xf32, #tpu.memory_space<vmem>>
      %dma_wait3A_202 = tpu.memref_slice %arg20[%run_scoped3A_125, %mul3A_124] : memref<16x10240xf32, #tpu.memory_space<vmem_shared>> -> memref<1x640xf32, #tpu.memory_space<vmem_shared>>
      %dma_wait3A_203 = tpu.memref_squeeze %dma_wait3A_202 : memref<1x640xf32, #tpu.memory_space<vmem_shared>> -> memref<640xf32, #tpu.memory_space<vmem_shared>>
      tpu.wait_dma2 semaphore(%run_scoped3A_185 : memref<!tpu.dma_semaphore, #tpu.memory_space<semaphore_mem>>) src(%dma_wait3A_203 : memref<640xf32, #tpu.memory_space<vmem_shared>>) dst(%dma_wait3A_201 : memref<640xf32, #tpu.memory_space<vmem>>)
      tpu.yield
    }) : () -> ()
    %mul3A_127 = arith.constant 640 : i32
    %mul3A_128 = arith.muli %arg1, %mul3A_127 : i32
    %run_scoped3A_129 = arith.constant 9 : i32
    %run_scoped3A_130 = arith.constant 9 : i32
    "tpu.region"() ({
      %run_scoped3A_185 = tpu.sem_alloc : memref<!tpu.dma_semaphore, #tpu.memory_space<semaphore_mem>>
      %dma_start3A = arith.constant 0 : i32
      %dma_start3A_186 = tpu.memref_slice %arg11[%run_scoped3A_130, %dma_start3A] : memref<16x640xf32, #tpu.memory_space<vmem>> -> memref<1x640xf32, #tpu.memory_space<vmem>>
      %dma_start3A_187 = tpu.memref_squeeze %dma_start3A_186 : memref<1x640xf32, #tpu.memory_space<vmem>> -> memref<640xf32, #tpu.memory_space<vmem>>
      %dma_start3A_188 = tpu.memref_slice %arg20[%run_scoped3A_129, %mul3A_128] : memref<16x10240xf32, #tpu.memory_space<vmem_shared>> -> memref<1x640xf32, #tpu.memory_space<vmem_shared>>
      %dma_start3A_189 = tpu.memref_squeeze %dma_start3A_188 : memref<1x640xf32, #tpu.memory_space<vmem_shared>> -> memref<640xf32, #tpu.memory_space<vmem_shared>>
      %dma_start3A_190 = arith.constant 0 : i32
      %dma_start3A_191 = tpu.memref_slice %arg11[%run_scoped3A_130, %dma_start3A_190] : memref<16x640xf32, #tpu.memory_space<vmem>> -> memref<1x640xf32, #tpu.memory_space<vmem>>
      %dma_start3A_192 = tpu.memref_squeeze %dma_start3A_191 : memref<1x640xf32, #tpu.memory_space<vmem>> -> memref<640xf32, #tpu.memory_space<vmem>>
      %dma_start3A_193 = tpu.memref_slice %arg20[%run_scoped3A_129, %mul3A_128] : memref<16x10240xf32, #tpu.memory_space<vmem_shared>> -> memref<1x640xf32, #tpu.memory_space<vmem_shared>>
      %dma_start3A_194 = tpu.memref_squeeze %dma_start3A_193 : memref<1x640xf32, #tpu.memory_space<vmem_shared>> -> memref<640xf32, #tpu.memory_space<vmem_shared>>
      tpu.enqueue_dma source(%dma_start3A_194 : memref<640xf32, #tpu.memory_space<vmem_shared>>) target(%dma_start3A_192 : memref<640xf32, #tpu.memory_space<vmem>>) target_semaphore(%run_scoped3A_185 : memref<!tpu.dma_semaphore, #tpu.memory_space<semaphore_mem>>)
      %dma_wait3A = arith.constant 0 : i32
      %dma_wait3A_195 = tpu.memref_slice %arg11[%run_scoped3A_130, %dma_wait3A] : memref<16x640xf32, #tpu.memory_space<vmem>> -> memref<1x640xf32, #tpu.memory_space<vmem>>
      %dma_wait3A_196 = tpu.memref_squeeze %dma_wait3A_195 : memref<1x640xf32, #tpu.memory_space<vmem>> -> memref<640xf32, #tpu.memory_space<vmem>>
      %dma_wait3A_197 = tpu.memref_slice %arg20[%run_scoped3A_129, %mul3A_128] : memref<16x10240xf32, #tpu.memory_space<vmem_shared>> -> memref<1x640xf32, #tpu.memory_space<vmem_shared>>
      %dma_wait3A_198 = tpu.memref_squeeze %dma_wait3A_197 : memref<1x640xf32, #tpu.memory_space<vmem_shared>> -> memref<640xf32, #tpu.memory_space<vmem_shared>>
      %dma_wait3A_199 = arith.constant 0 : i32
      %dma_wait3A_200 = tpu.memref_slice %arg11[%run_scoped3A_130, %dma_wait3A_199] : memref<16x640xf32, #tpu.memory_space<vmem>> -> memref<1x640xf32, #tpu.memory_space<vmem>>
      %dma_wait3A_201 = tpu.memref_squeeze %dma_wait3A_200 : memref<1x640xf32, #tpu.memory_space<vmem>> -> memref<640xf32, #tpu.memory_space<vmem>>
      %dma_wait3A_202 = tpu.memref_slice %arg20[%run_scoped3A_129, %mul3A_128] : memref<16x10240xf32, #tpu.memory_space<vmem_shared>> -> memref<1x640xf32, #tpu.memory_space<vmem_shared>>
      %dma_wait3A_203 = tpu.memref_squeeze %dma_wait3A_202 : memref<1x640xf32, #tpu.memory_space<vmem_shared>> -> memref<640xf32, #tpu.memory_space<vmem_shared>>
      tpu.wait_dma2 semaphore(%run_scoped3A_185 : memref<!tpu.dma_semaphore, #tpu.memory_space<semaphore_mem>>) src(%dma_wait3A_203 : memref<640xf32, #tpu.memory_space<vmem_shared>>) dst(%dma_wait3A_201 : memref<640xf32, #tpu.memory_space<vmem>>)
      tpu.yield
    }) : () -> ()
    %mul3A_131 = arith.constant 640 : i32
    %mul3A_132 = arith.muli %arg1, %mul3A_131 : i32
    %run_scoped3A_133 = arith.constant 10 : i32
    %run_scoped3A_134 = arith.constant 10 : i32
    "tpu.region"() ({
      %run_scoped3A_185 = tpu.sem_alloc : memref<!tpu.dma_semaphore, #tpu.memory_space<semaphore_mem>>
      %dma_start3A = arith.constant 0 : i32
      %dma_start3A_186 = tpu.memref_slice %arg11[%run_scoped3A_134, %dma_start3A] : memref<16x640xf32, #tpu.memory_space<vmem>> -> memref<1x640xf32, #tpu.memory_space<vmem>>
      %dma_start3A_187 = tpu.memref_squeeze %dma_start3A_186 : memref<1x640xf32, #tpu.memory_space<vmem>> -> memref<640xf32, #tpu.memory_space<vmem>>
      %dma_start3A_188 = tpu.memref_slice %arg20[%run_scoped3A_133, %mul3A_132] : memref<16x10240xf32, #tpu.memory_space<vmem_shared>> -> memref<1x640xf32, #tpu.memory_space<vmem_shared>>
      %dma_start3A_189 = tpu.memref_squeeze %dma_start3A_188 : memref<1x640xf32, #tpu.memory_space<vmem_shared>> -> memref<640xf32, #tpu.memory_space<vmem_shared>>
      %dma_start3A_190 = arith.constant 0 : i32
      %dma_start3A_191 = tpu.memref_slice %arg11[%run_scoped3A_134, %dma_start3A_190] : memref<16x640xf32, #tpu.memory_space<vmem>> -> memref<1x640xf32, #tpu.memory_space<vmem>>
      %dma_start3A_192 = tpu.memref_squeeze %dma_start3A_191 : memref<1x640xf32, #tpu.memory_space<vmem>> -> memref<640xf32, #tpu.memory_space<vmem>>
      %dma_start3A_193 = tpu.memref_slice %arg20[%run_scoped3A_133, %mul3A_132] : memref<16x10240xf32, #tpu.memory_space<vmem_shared>> -> memref<1x640xf32, #tpu.memory_space<vmem_shared>>
      %dma_start3A_194 = tpu.memref_squeeze %dma_start3A_193 : memref<1x640xf32, #tpu.memory_space<vmem_shared>> -> memref<640xf32, #tpu.memory_space<vmem_shared>>
      tpu.enqueue_dma source(%dma_start3A_194 : memref<640xf32, #tpu.memory_space<vmem_shared>>) target(%dma_start3A_192 : memref<640xf32, #tpu.memory_space<vmem>>) target_semaphore(%run_scoped3A_185 : memref<!tpu.dma_semaphore, #tpu.memory_space<semaphore_mem>>)
      %dma_wait3A = arith.constant 0 : i32
      %dma_wait3A_195 = tpu.memref_slice %arg11[%run_scoped3A_134, %dma_wait3A] : memref<16x640xf32, #tpu.memory_space<vmem>> -> memref<1x640xf32, #tpu.memory_space<vmem>>
      %dma_wait3A_196 = tpu.memref_squeeze %dma_wait3A_195 : memref<1x640xf32, #tpu.memory_space<vmem>> -> memref<640xf32, #tpu.memory_space<vmem>>
      %dma_wait3A_197 = tpu.memref_slice %arg20[%run_scoped3A_133, %mul3A_132] : memref<16x10240xf32, #tpu.memory_space<vmem_shared>> -> memref<1x640xf32, #tpu.memory_space<vmem_shared>>
      %dma_wait3A_198 = tpu.memref_squeeze %dma_wait3A_197 : memref<1x640xf32, #tpu.memory_space<vmem_shared>> -> memref<640xf32, #tpu.memory_space<vmem_shared>>
      %dma_wait3A_199 = arith.constant 0 : i32
      %dma_wait3A_200 = tpu.memref_slice %arg11[%run_scoped3A_134, %dma_wait3A_199] : memref<16x640xf32, #tpu.memory_space<vmem>> -> memref<1x640xf32, #tpu.memory_space<vmem>>
      %dma_wait3A_201 = tpu.memref_squeeze %dma_wait3A_200 : memref<1x640xf32, #tpu.memory_space<vmem>> -> memref<640xf32, #tpu.memory_space<vmem>>
      %dma_wait3A_202 = tpu.memref_slice %arg20[%run_scoped3A_133, %mul3A_132] : memref<16x10240xf32, #tpu.memory_space<vmem_shared>> -> memref<1x640xf32, #tpu.memory_space<vmem_shared>>
      %dma_wait3A_203 = tpu.memref_squeeze %dma_wait3A_202 : memref<1x640xf32, #tpu.memory_space<vmem_shared>> -> memref<640xf32, #tpu.memory_space<vmem_shared>>
      tpu.wait_dma2 semaphore(%run_scoped3A_185 : memref<!tpu.dma_semaphore, #tpu.memory_space<semaphore_mem>>) src(%dma_wait3A_203 : memref<640xf32, #tpu.memory_space<vmem_shared>>) dst(%dma_wait3A_201 : memref<640xf32, #tpu.memory_space<vmem>>)
      tpu.yield
    }) : () -> ()
    %mul3A_135 = arith.constant 640 : i32
    %mul3A_136 = arith.muli %arg1, %mul3A_135 : i32
    %run_scoped3A_137 = arith.constant 11 : i32
    %run_scoped3A_138 = arith.constant 11 : i32
    "tpu.region"() ({
      %run_scoped3A_185 = tpu.sem_alloc : memref<!tpu.dma_semaphore, #tpu.memory_space<semaphore_mem>>
      %dma_start3A = arith.constant 0 : i32
      %dma_start3A_186 = tpu.memref_slice %arg11[%run_scoped3A_138, %dma_start3A] : memref<16x640xf32, #tpu.memory_space<vmem>> -> memref<1x640xf32, #tpu.memory_space<vmem>>
      %dma_start3A_187 = tpu.memref_squeeze %dma_start3A_186 : memref<1x640xf32, #tpu.memory_space<vmem>> -> memref<640xf32, #tpu.memory_space<vmem>>
      %dma_start3A_188 = tpu.memref_slice %arg20[%run_scoped3A_137, %mul3A_136] : memref<16x10240xf32, #tpu.memory_space<vmem_shared>> -> memref<1x640xf32, #tpu.memory_space<vmem_shared>>
      %dma_start3A_189 = tpu.memref_squeeze %dma_start3A_188 : memref<1x640xf32, #tpu.memory_space<vmem_shared>> -> memref<640xf32, #tpu.memory_space<vmem_shared>>
      %dma_start3A_190 = arith.constant 0 : i32
      %dma_start3A_191 = tpu.memref_slice %arg11[%run_scoped3A_138, %dma_start3A_190] : memref<16x640xf32, #tpu.memory_space<vmem>> -> memref<1x640xf32, #tpu.memory_space<vmem>>
      %dma_start3A_192 = tpu.memref_squeeze %dma_start3A_191 : memref<1x640xf32, #tpu.memory_space<vmem>> -> memref<640xf32, #tpu.memory_space<vmem>>
      %dma_start3A_193 = tpu.memref_slice %arg20[%run_scoped3A_137, %mul3A_136] : memref<16x10240xf32, #tpu.memory_space<vmem_shared>> -> memref<1x640xf32, #tpu.memory_space<vmem_shared>>
      %dma_start3A_194 = tpu.memref_squeeze %dma_start3A_193 : memref<1x640xf32, #tpu.memory_space<vmem_shared>> -> memref<640xf32, #tpu.memory_space<vmem_shared>>
      tpu.enqueue_dma source(%dma_start3A_194 : memref<640xf32, #tpu.memory_space<vmem_shared>>) target(%dma_start3A_192 : memref<640xf32, #tpu.memory_space<vmem>>) target_semaphore(%run_scoped3A_185 : memref<!tpu.dma_semaphore, #tpu.memory_space<semaphore_mem>>)
      %dma_wait3A = arith.constant 0 : i32
      %dma_wait3A_195 = tpu.memref_slice %arg11[%run_scoped3A_138, %dma_wait3A] : memref<16x640xf32, #tpu.memory_space<vmem>> -> memref<1x640xf32, #tpu.memory_space<vmem>>
      %dma_wait3A_196 = tpu.memref_squeeze %dma_wait3A_195 : memref<1x640xf32, #tpu.memory_space<vmem>> -> memref<640xf32, #tpu.memory_space<vmem>>
      %dma_wait3A_197 = tpu.memref_slice %arg20[%run_scoped3A_137, %mul3A_136] : memref<16x10240xf32, #tpu.memory_space<vmem_shared>> -> memref<1x640xf32, #tpu.memory_space<vmem_shared>>
      %dma_wait3A_198 = tpu.memref_squeeze %dma_wait3A_197 : memref<1x640xf32, #tpu.memory_space<vmem_shared>> -> memref<640xf32, #tpu.memory_space<vmem_shared>>
      %dma_wait3A_199 = arith.constant 0 : i32
      %dma_wait3A_200 = tpu.memref_slice %arg11[%run_scoped3A_138, %dma_wait3A_199] : memref<16x640xf32, #tpu.memory_space<vmem>> -> memref<1x640xf32, #tpu.memory_space<vmem>>
      %dma_wait3A_201 = tpu.memref_squeeze %dma_wait3A_200 : memref<1x640xf32, #tpu.memory_space<vmem>> -> memref<640xf32, #tpu.memory_space<vmem>>
      %dma_wait3A_202 = tpu.memref_slice %arg20[%run_scoped3A_137, %mul3A_136] : memref<16x10240xf32, #tpu.memory_space<vmem_shared>> -> memref<1x640xf32, #tpu.memory_space<vmem_shared>>
      %dma_wait3A_203 = tpu.memref_squeeze %dma_wait3A_202 : memref<1x640xf32, #tpu.memory_space<vmem_shared>> -> memref<640xf32, #tpu.memory_space<vmem_shared>>
      tpu.wait_dma2 semaphore(%run_scoped3A_185 : memref<!tpu.dma_semaphore, #tpu.memory_space<semaphore_mem>>) src(%dma_wait3A_203 : memref<640xf32, #tpu.memory_space<vmem_shared>>) dst(%dma_wait3A_201 : memref<640xf32, #tpu.memory_space<vmem>>)
      tpu.yield
    }) : () -> ()
    %mul3A_139 = arith.constant 640 : i32
    %mul3A_140 = arith.muli %arg1, %mul3A_139 : i32
    %run_scoped3A_141 = arith.constant 12 : i32
    %run_scoped3A_142 = arith.constant 12 : i32
    "tpu.region"() ({
      %run_scoped3A_185 = tpu.sem_alloc : memref<!tpu.dma_semaphore, #tpu.memory_space<semaphore_mem>>
      %dma_start3A = arith.constant 0 : i32
      %dma_start3A_186 = tpu.memref_slice %arg11[%run_scoped3A_142, %dma_start3A] : memref<16x640xf32, #tpu.memory_space<vmem>> -> memref<1x640xf32, #tpu.memory_space<vmem>>
      %dma_start3A_187 = tpu.memref_squeeze %dma_start3A_186 : memref<1x640xf32, #tpu.memory_space<vmem>> -> memref<640xf32, #tpu.memory_space<vmem>>
      %dma_start3A_188 = tpu.memref_slice %arg20[%run_scoped3A_141, %mul3A_140] : memref<16x10240xf32, #tpu.memory_space<vmem_shared>> -> memref<1x640xf32, #tpu.memory_space<vmem_shared>>
      %dma_start3A_189 = tpu.memref_squeeze %dma_start3A_188 : memref<1x640xf32, #tpu.memory_space<vmem_shared>> -> memref<640xf32, #tpu.memory_space<vmem_shared>>
      %dma_start3A_190 = arith.constant 0 : i32
      %dma_start3A_191 = tpu.memref_slice %arg11[%run_scoped3A_142, %dma_start3A_190] : memref<16x640xf32, #tpu.memory_space<vmem>> -> memref<1x640xf32, #tpu.memory_space<vmem>>
      %dma_start3A_192 = tpu.memref_squeeze %dma_start3A_191 : memref<1x640xf32, #tpu.memory_space<vmem>> -> memref<640xf32, #tpu.memory_space<vmem>>
      %dma_start3A_193 = tpu.memref_slice %arg20[%run_scoped3A_141, %mul3A_140] : memref<16x10240xf32, #tpu.memory_space<vmem_shared>> -> memref<1x640xf32, #tpu.memory_space<vmem_shared>>
      %dma_start3A_194 = tpu.memref_squeeze %dma_start3A_193 : memref<1x640xf32, #tpu.memory_space<vmem_shared>> -> memref<640xf32, #tpu.memory_space<vmem_shared>>
      tpu.enqueue_dma source(%dma_start3A_194 : memref<640xf32, #tpu.memory_space<vmem_shared>>) target(%dma_start3A_192 : memref<640xf32, #tpu.memory_space<vmem>>) target_semaphore(%run_scoped3A_185 : memref<!tpu.dma_semaphore, #tpu.memory_space<semaphore_mem>>)
      %dma_wait3A = arith.constant 0 : i32
      %dma_wait3A_195 = tpu.memref_slice %arg11[%run_scoped3A_142, %dma_wait3A] : memref<16x640xf32, #tpu.memory_space<vmem>> -> memref<1x640xf32, #tpu.memory_space<vmem>>
      %dma_wait3A_196 = tpu.memref_squeeze %dma_wait3A_195 : memref<1x640xf32, #tpu.memory_space<vmem>> -> memref<640xf32, #tpu.memory_space<vmem>>
      %dma_wait3A_197 = tpu.memref_slice %arg20[%run_scoped3A_141, %mul3A_140] : memref<16x10240xf32, #tpu.memory_space<vmem_shared>> -> memref<1x640xf32, #tpu.memory_space<vmem_shared>>
      %dma_wait3A_198 = tpu.memref_squeeze %dma_wait3A_197 : memref<1x640xf32, #tpu.memory_space<vmem_shared>> -> memref<640xf32, #tpu.memory_space<vmem_shared>>
      %dma_wait3A_199 = arith.constant 0 : i32
      %dma_wait3A_200 = tpu.memref_slice %arg11[%run_scoped3A_142, %dma_wait3A_199] : memref<16x640xf32, #tpu.memory_space<vmem>> -> memref<1x640xf32, #tpu.memory_space<vmem>>
      %dma_wait3A_201 = tpu.memref_squeeze %dma_wait3A_200 : memref<1x640xf32, #tpu.memory_space<vmem>> -> memref<640xf32, #tpu.memory_space<vmem>>
      %dma_wait3A_202 = tpu.memref_slice %arg20[%run_scoped3A_141, %mul3A_140] : memref<16x10240xf32, #tpu.memory_space<vmem_shared>> -> memref<1x640xf32, #tpu.memory_space<vmem_shared>>
      %dma_wait3A_203 = tpu.memref_squeeze %dma_wait3A_202 : memref<1x640xf32, #tpu.memory_space<vmem_shared>> -> memref<640xf32, #tpu.memory_space<vmem_shared>>
      tpu.wait_dma2 semaphore(%run_scoped3A_185 : memref<!tpu.dma_semaphore, #tpu.memory_space<semaphore_mem>>) src(%dma_wait3A_203 : memref<640xf32, #tpu.memory_space<vmem_shared>>) dst(%dma_wait3A_201 : memref<640xf32, #tpu.memory_space<vmem>>)
      tpu.yield
    }) : () -> ()
    %mul3A_143 = arith.constant 640 : i32
    %mul3A_144 = arith.muli %arg1, %mul3A_143 : i32
    %run_scoped3A_145 = arith.constant 13 : i32
    %run_scoped3A_146 = arith.constant 13 : i32
    "tpu.region"() ({
      %run_scoped3A_185 = tpu.sem_alloc : memref<!tpu.dma_semaphore, #tpu.memory_space<semaphore_mem>>
      %dma_start3A = arith.constant 0 : i32
      %dma_start3A_186 = tpu.memref_slice %arg11[%run_scoped3A_146, %dma_start3A] : memref<16x640xf32, #tpu.memory_space<vmem>> -> memref<1x640xf32, #tpu.memory_space<vmem>>
      %dma_start3A_187 = tpu.memref_squeeze %dma_start3A_186 : memref<1x640xf32, #tpu.memory_space<vmem>> -> memref<640xf32, #tpu.memory_space<vmem>>
      %dma_start3A_188 = tpu.memref_slice %arg20[%run_scoped3A_145, %mul3A_144] : memref<16x10240xf32, #tpu.memory_space<vmem_shared>> -> memref<1x640xf32, #tpu.memory_space<vmem_shared>>
      %dma_start3A_189 = tpu.memref_squeeze %dma_start3A_188 : memref<1x640xf32, #tpu.memory_space<vmem_shared>> -> memref<640xf32, #tpu.memory_space<vmem_shared>>
      %dma_start3A_190 = arith.constant 0 : i32
      %dma_start3A_191 = tpu.memref_slice %arg11[%run_scoped3A_146, %dma_start3A_190] : memref<16x640xf32, #tpu.memory_space<vmem>> -> memref<1x640xf32, #tpu.memory_space<vmem>>
      %dma_start3A_192 = tpu.memref_squeeze %dma_start3A_191 : memref<1x640xf32, #tpu.memory_space<vmem>> -> memref<640xf32, #tpu.memory_space<vmem>>
      %dma_start3A_193 = tpu.memref_slice %arg20[%run_scoped3A_145, %mul3A_144] : memref<16x10240xf32, #tpu.memory_space<vmem_shared>> -> memref<1x640xf32, #tpu.memory_space<vmem_shared>>
      %dma_start3A_194 = tpu.memref_squeeze %dma_start3A_193 : memref<1x640xf32, #tpu.memory_space<vmem_shared>> -> memref<640xf32, #tpu.memory_space<vmem_shared>>
      tpu.enqueue_dma source(%dma_start3A_194 : memref<640xf32, #tpu.memory_space<vmem_shared>>) target(%dma_start3A_192 : memref<640xf32, #tpu.memory_space<vmem>>) target_semaphore(%run_scoped3A_185 : memref<!tpu.dma_semaphore, #tpu.memory_space<semaphore_mem>>)
      %dma_wait3A = arith.constant 0 : i32
      %dma_wait3A_195 = tpu.memref_slice %arg11[%run_scoped3A_146, %dma_wait3A] : memref<16x640xf32, #tpu.memory_space<vmem>> -> memref<1x640xf32, #tpu.memory_space<vmem>>
      %dma_wait3A_196 = tpu.memref_squeeze %dma_wait3A_195 : memref<1x640xf32, #tpu.memory_space<vmem>> -> memref<640xf32, #tpu.memory_space<vmem>>
      %dma_wait3A_197 = tpu.memref_slice %arg20[%run_scoped3A_145, %mul3A_144] : memref<16x10240xf32, #tpu.memory_space<vmem_shared>> -> memref<1x640xf32, #tpu.memory_space<vmem_shared>>
      %dma_wait3A_198 = tpu.memref_squeeze %dma_wait3A_197 : memref<1x640xf32, #tpu.memory_space<vmem_shared>> -> memref<640xf32, #tpu.memory_space<vmem_shared>>
      %dma_wait3A_199 = arith.constant 0 : i32
      %dma_wait3A_200 = tpu.memref_slice %arg11[%run_scoped3A_146, %dma_wait3A_199] : memref<16x640xf32, #tpu.memory_space<vmem>> -> memref<1x640xf32, #tpu.memory_space<vmem>>
      %dma_wait3A_201 = tpu.memref_squeeze %dma_wait3A_200 : memref<1x640xf32, #tpu.memory_space<vmem>> -> memref<640xf32, #tpu.memory_space<vmem>>
      %dma_wait3A_202 = tpu.memref_slice %arg20[%run_scoped3A_145, %mul3A_144] : memref<16x10240xf32, #tpu.memory_space<vmem_shared>> -> memref<1x640xf32, #tpu.memory_space<vmem_shared>>
      %dma_wait3A_203 = tpu.memref_squeeze %dma_wait3A_202 : memref<1x640xf32, #tpu.memory_space<vmem_shared>> -> memref<640xf32, #tpu.memory_space<vmem_shared>>
      tpu.wait_dma2 semaphore(%run_scoped3A_185 : memref<!tpu.dma_semaphore, #tpu.memory_space<semaphore_mem>>) src(%dma_wait3A_203 : memref<640xf32, #tpu.memory_space<vmem_shared>>) dst(%dma_wait3A_201 : memref<640xf32, #tpu.memory_space<vmem>>)
      tpu.yield
    }) : () -> ()
    %mul3A_147 = arith.constant 640 : i32
    %mul3A_148 = arith.muli %arg1, %mul3A_147 : i32
    %run_scoped3A_149 = arith.constant 14 : i32
    %run_scoped3A_150 = arith.constant 14 : i32
    "tpu.region"() ({
      %run_scoped3A_185 = tpu.sem_alloc : memref<!tpu.dma_semaphore, #tpu.memory_space<semaphore_mem>>
      %dma_start3A = arith.constant 0 : i32
      %dma_start3A_186 = tpu.memref_slice %arg11[%run_scoped3A_150, %dma_start3A] : memref<16x640xf32, #tpu.memory_space<vmem>> -> memref<1x640xf32, #tpu.memory_space<vmem>>
      %dma_start3A_187 = tpu.memref_squeeze %dma_start3A_186 : memref<1x640xf32, #tpu.memory_space<vmem>> -> memref<640xf32, #tpu.memory_space<vmem>>
      %dma_start3A_188 = tpu.memref_slice %arg20[%run_scoped3A_149, %mul3A_148] : memref<16x10240xf32, #tpu.memory_space<vmem_shared>> -> memref<1x640xf32, #tpu.memory_space<vmem_shared>>
      %dma_start3A_189 = tpu.memref_squeeze %dma_start3A_188 : memref<1x640xf32, #tpu.memory_space<vmem_shared>> -> memref<640xf32, #tpu.memory_space<vmem_shared>>
      %dma_start3A_190 = arith.constant 0 : i32
      %dma_start3A_191 = tpu.memref_slice %arg11[%run_scoped3A_150, %dma_start3A_190] : memref<16x640xf32, #tpu.memory_space<vmem>> -> memref<1x640xf32, #tpu.memory_space<vmem>>
      %dma_start3A_192 = tpu.memref_squeeze %dma_start3A_191 : memref<1x640xf32, #tpu.memory_space<vmem>> -> memref<640xf32, #tpu.memory_space<vmem>>
      %dma_start3A_193 = tpu.memref_slice %arg20[%run_scoped3A_149, %mul3A_148] : memref<16x10240xf32, #tpu.memory_space<vmem_shared>> -> memref<1x640xf32, #tpu.memory_space<vmem_shared>>
      %dma_start3A_194 = tpu.memref_squeeze %dma_start3A_193 : memref<1x640xf32, #tpu.memory_space<vmem_shared>> -> memref<640xf32, #tpu.memory_space<vmem_shared>>
      tpu.enqueue_dma source(%dma_start3A_194 : memref<640xf32, #tpu.memory_space<vmem_shared>>) target(%dma_start3A_192 : memref<640xf32, #tpu.memory_space<vmem>>) target_semaphore(%run_scoped3A_185 : memref<!tpu.dma_semaphore, #tpu.memory_space<semaphore_mem>>)
      %dma_wait3A = arith.constant 0 : i32
      %dma_wait3A_195 = tpu.memref_slice %arg11[%run_scoped3A_150, %dma_wait3A] : memref<16x640xf32, #tpu.memory_space<vmem>> -> memref<1x640xf32, #tpu.memory_space<vmem>>
      %dma_wait3A_196 = tpu.memref_squeeze %dma_wait3A_195 : memref<1x640xf32, #tpu.memory_space<vmem>> -> memref<640xf32, #tpu.memory_space<vmem>>
      %dma_wait3A_197 = tpu.memref_slice %arg20[%run_scoped3A_149, %mul3A_148] : memref<16x10240xf32, #tpu.memory_space<vmem_shared>> -> memref<1x640xf32, #tpu.memory_space<vmem_shared>>
      %dma_wait3A_198 = tpu.memref_squeeze %dma_wait3A_197 : memref<1x640xf32, #tpu.memory_space<vmem_shared>> -> memref<640xf32, #tpu.memory_space<vmem_shared>>
      %dma_wait3A_199 = arith.constant 0 : i32
      %dma_wait3A_200 = tpu.memref_slice %arg11[%run_scoped3A_150, %dma_wait3A_199] : memref<16x640xf32, #tpu.memory_space<vmem>> -> memref<1x640xf32, #tpu.memory_space<vmem>>
      %dma_wait3A_201 = tpu.memref_squeeze %dma_wait3A_200 : memref<1x640xf32, #tpu.memory_space<vmem>> -> memref<640xf32, #tpu.memory_space<vmem>>
      %dma_wait3A_202 = tpu.memref_slice %arg20[%run_scoped3A_149, %mul3A_148] : memref<16x10240xf32, #tpu.memory_space<vmem_shared>> -> memref<1x640xf32, #tpu.memory_space<vmem_shared>>
      %dma_wait3A_203 = tpu.memref_squeeze %dma_wait3A_202 : memref<1x640xf32, #tpu.memory_space<vmem_shared>> -> memref<640xf32, #tpu.memory_space<vmem_shared>>
      tpu.wait_dma2 semaphore(%run_scoped3A_185 : memref<!tpu.dma_semaphore, #tpu.memory_space<semaphore_mem>>) src(%dma_wait3A_203 : memref<640xf32, #tpu.memory_space<vmem_shared>>) dst(%dma_wait3A_201 : memref<640xf32, #tpu.memory_space<vmem>>)
      tpu.yield
    }) : () -> ()
    %mul3A_151 = arith.constant 640 : i32
    %mul3A_152 = arith.muli %arg1, %mul3A_151 : i32
    %run_scoped3A_153 = arith.constant 15 : i32
    %run_scoped3A_154 = arith.constant 15 : i32
    "tpu.region"() ({
      %run_scoped3A_185 = tpu.sem_alloc : memref<!tpu.dma_semaphore, #tpu.memory_space<semaphore_mem>>
      %dma_start3A = arith.constant 0 : i32
      %dma_start3A_186 = tpu.memref_slice %arg11[%run_scoped3A_154, %dma_start3A] : memref<16x640xf32, #tpu.memory_space<vmem>> -> memref<1x640xf32, #tpu.memory_space<vmem>>
      %dma_start3A_187 = tpu.memref_squeeze %dma_start3A_186 : memref<1x640xf32, #tpu.memory_space<vmem>> -> memref<640xf32, #tpu.memory_space<vmem>>
      %dma_start3A_188 = tpu.memref_slice %arg20[%run_scoped3A_153, %mul3A_152] : memref<16x10240xf32, #tpu.memory_space<vmem_shared>> -> memref<1x640xf32, #tpu.memory_space<vmem_shared>>
      %dma_start3A_189 = tpu.memref_squeeze %dma_start3A_188 : memref<1x640xf32, #tpu.memory_space<vmem_shared>> -> memref<640xf32, #tpu.memory_space<vmem_shared>>
      %dma_start3A_190 = arith.constant 0 : i32
      %dma_start3A_191 = tpu.memref_slice %arg11[%run_scoped3A_154, %dma_start3A_190] : memref<16x640xf32, #tpu.memory_space<vmem>> -> memref<1x640xf32, #tpu.memory_space<vmem>>
      %dma_start3A_192 = tpu.memref_squeeze %dma_start3A_191 : memref<1x640xf32, #tpu.memory_space<vmem>> -> memref<640xf32, #tpu.memory_space<vmem>>
      %dma_start3A_193 = tpu.memref_slice %arg20[%run_scoped3A_153, %mul3A_152] : memref<16x10240xf32, #tpu.memory_space<vmem_shared>> -> memref<1x640xf32, #tpu.memory_space<vmem_shared>>
      %dma_start3A_194 = tpu.memref_squeeze %dma_start3A_193 : memref<1x640xf32, #tpu.memory_space<vmem_shared>> -> memref<640xf32, #tpu.memory_space<vmem_shared>>
      tpu.enqueue_dma source(%dma_start3A_194 : memref<640xf32, #tpu.memory_space<vmem_shared>>) target(%dma_start3A_192 : memref<640xf32, #tpu.memory_space<vmem>>) target_semaphore(%run_scoped3A_185 : memref<!tpu.dma_semaphore, #tpu.memory_space<semaphore_mem>>)
      %dma_wait3A = arith.constant 0 : i32
      %dma_wait3A_195 = tpu.memref_slice %arg11[%run_scoped3A_154, %dma_wait3A] : memref<16x640xf32, #tpu.memory_space<vmem>> -> memref<1x640xf32, #tpu.memory_space<vmem>>
      %dma_wait3A_196 = tpu.memref_squeeze %dma_wait3A_195 : memref<1x640xf32, #tpu.memory_space<vmem>> -> memref<640xf32, #tpu.memory_space<vmem>>
      %dma_wait3A_197 = tpu.memref_slice %arg20[%run_scoped3A_153, %mul3A_152] : memref<16x10240xf32, #tpu.memory_space<vmem_shared>> -> memref<1x640xf32, #tpu.memory_space<vmem_shared>>
      %dma_wait3A_198 = tpu.memref_squeeze %dma_wait3A_197 : memref<1x640xf32, #tpu.memory_space<vmem_shared>> -> memref<640xf32, #tpu.memory_space<vmem_shared>>
      %dma_wait3A_199 = arith.constant 0 : i32
      %dma_wait3A_200 = tpu.memref_slice %arg11[%run_scoped3A_154, %dma_wait3A_199] : memref<16x640xf32, #tpu.memory_space<vmem>> -> memref<1x640xf32, #tpu.memory_space<vmem>>
      %dma_wait3A_201 = tpu.memref_squeeze %dma_wait3A_200 : memref<1x640xf32, #tpu.memory_space<vmem>> -> memref<640xf32, #tpu.memory_space<vmem>>
      %dma_wait3A_202 = tpu.memref_slice %arg20[%run_scoped3A_153, %mul3A_152] : memref<16x10240xf32, #tpu.memory_space<vmem_shared>> -> memref<1x640xf32, #tpu.memory_space<vmem_shared>>
      %dma_wait3A_203 = tpu.memref_squeeze %dma_wait3A_202 : memref<1x640xf32, #tpu.memory_space<vmem_shared>> -> memref<640xf32, #tpu.memory_space<vmem_shared>>
      tpu.wait_dma2 semaphore(%run_scoped3A_185 : memref<!tpu.dma_semaphore, #tpu.memory_space<semaphore_mem>>) src(%dma_wait3A_203 : memref<640xf32, #tpu.memory_space<vmem_shared>>) dst(%dma_wait3A_201 : memref<640xf32, #tpu.memory_space<vmem>>)
      tpu.yield
    }) : () -> ()
    %scan3A_155 = arith.constant 0 : i32
    %scan3A_156 = arith.constant 0 : i32
    %scan3A_157 = arith.constant 40 : i32
    %scan3A_158 = arith.addi %scan3A_156, %scan3A_157 : i32
    %scan3A_159 = arith.constant 1 : i32
    %scan3A_160 = scf.for %scan3A_185 = %scan3A_156 to %scan3A_158 step %scan3A_159 iter_args(%scan3A_186 = %scan3A_155) -> (i32)  : i32 {
      %mul3A_187 = arith.constant 16 : i32
      %mul3A_188 = arith.muli %scan3A_185, %mul3A_187 : i32
      %get3A = arith.constant 0 : i32
      %get3A_189 = arith.index_cast %get3A : i32 to index
      %get3A_190 = arith.index_cast %mul3A_188 : i32 to index
      %get3A_191 = tpu.vector_load %arg11[%get3A_189, %get3A_190] {strides = array<i32>} : memref<16x640xf32, #tpu.memory_space<vmem>>, vector<16xf32>,
      %mul3A_192 = arith.constant 16 : i32
      %mul3A_193 = arith.muli %scan3A_185, %mul3A_192 : i32
      %get3A_194 = arith.constant 1 : i32
      %get3A_195 = arith.index_cast %get3A_194 : i32 to index
      %get3A_196 = arith.index_cast %mul3A_193 : i32 to index
      %get3A_197 = tpu.vector_load %arg11[%get3A_195, %get3A_196] {strides = array<i32>} : memref<16x640xf32, #tpu.memory_space<vmem>>, vector<16xf32>,
      %add3A_198 = arith.addf %get3A_191, %get3A_197 : vector<16xf32>
      %mul3A_199 = arith.constant 16 : i32
      %mul3A_200 = arith.muli %scan3A_185, %mul3A_199 : i32
      %get3A_201 = arith.constant 2 : i32
      %get3A_202 = arith.index_cast %get3A_201 : i32 to index
      %get3A_203 = arith.index_cast %mul3A_200 : i32 to index
      %get3A_204 = tpu.vector_load %arg11[%get3A_202, %get3A_203] {strides = array<i32>} : memref<16x640xf32, #tpu.memory_space<vmem>>, vector<16xf32>,
      %add3A_205 = arith.addf %add3A_198, %get3A_204 : vector<16xf32>
      %mul3A_206 = arith.constant 16 : i32
      %mul3A_207 = arith.muli %scan3A_185, %mul3A_206 : i32
      %get3A_208 = arith.constant 3 : i32
      %get3A_209 = arith.index_cast %get3A_208 : i32 to index
      %get3A_210 = arith.index_cast %mul3A_207 : i32 to index
      %get3A_211 = tpu.vector_load %arg11[%get3A_209, %get3A_210] {strides = array<i32>} : memref<16x640xf32, #tpu.memory_space<vmem>>, vector<16xf32>,
      %add3A_212 = arith.addf %add3A_205, %get3A_211 : vector<16xf32>
      %mul3A_213 = arith.constant 16 : i32
      %mul3A_214 = arith.muli %scan3A_185, %mul3A_213 : i32
      %get3A_215 = arith.constant 4 : i32
      %get3A_216 = arith.index_cast %get3A_215 : i32 to index
      %get3A_217 = arith.index_cast %mul3A_214 : i32 to index
      %get3A_218 = tpu.vector_load %arg11[%get3A_216, %get3A_217] {strides = array<i32>} : memref<16x640xf32, #tpu.memory_space<vmem>>, vector<16xf32>,
      %add3A_219 = arith.addf %add3A_212, %get3A_218 : vector<16xf32>
      %mul3A_220 = arith.constant 16 : i32
      %mul3A_221 = arith.muli %scan3A_185, %mul3A_220 : i32
      %get3A_222 = arith.constant 5 : i32
      %get3A_223 = arith.index_cast %get3A_222 : i32 to index
      %get3A_224 = arith.index_cast %mul3A_221 : i32 to index
      %get3A_225 = tpu.vector_load %arg11[%get3A_223, %get3A_224] {strides = array<i32>} : memref<16x640xf32, #tpu.memory_space<vmem>>, vector<16xf32>,
      %add3A_226 = arith.addf %add3A_219, %get3A_225 : vector<16xf32>
      %mul3A_227 = arith.constant 16 : i32
      %mul3A_228 = arith.muli %scan3A_185, %mul3A_227 : i32
      %get3A_229 = arith.constant 6 : i32
      %get3A_230 = arith.index_cast %get3A_229 : i32 to index
      %get3A_231 = arith.index_cast %mul3A_228 : i32 to index
      %get3A_232 = tpu.vector_load %arg11[%get3A_230, %get3A_231] {strides = array<i32>} : memref<16x640xf32, #tpu.memory_space<vmem>>, vector<16xf32>,
      %add3A_233 = arith.addf %add3A_226, %get3A_232 : vector<16xf32>
      %mul3A_234 = arith.constant 16 : i32
      %mul3A_235 = arith.muli %scan3A_185, %mul3A_234 : i32
      %get3A_236 = arith.constant 7 : i32
      %get3A_237 = arith.index_cast %get3A_236 : i32 to index
      %get3A_238 = arith.index_cast %mul3A_235 : i32 to index
      %get3A_239 = tpu.vector_load %arg11[%get3A_237, %get3A_238] {strides = array<i32>} : memref<16x640xf32, #tpu.memory_space<vmem>>, vector<16xf32>,
      %add3A_240 = arith.addf %add3A_233, %get3A_239 : vector<16xf32>
      %mul3A_241 = arith.constant 16 : i32
      %mul3A_242 = arith.muli %scan3A_185, %mul3A_241 : i32
      %get3A_243 = arith.constant 8 : i32
      %get3A_244 = arith.index_cast %get3A_243 : i32 to index
      %get3A_245 = arith.index_cast %mul3A_242 : i32 to index
      %get3A_246 = tpu.vector_load %arg11[%get3A_244, %get3A_245] {strides = array<i32>} : memref<16x640xf32, #tpu.memory_space<vmem>>, vector<16xf32>,
      %add3A_247 = arith.addf %add3A_240, %get3A_246 : vector<16xf32>
      %mul3A_248 = arith.constant 16 : i32
      %mul3A_249 = arith.muli %scan3A_185, %mul3A_248 : i32
      %get3A_250 = arith.constant 9 : i32
      %get3A_251 = arith.index_cast %get3A_250 : i32 to index
      %get3A_252 = arith.index_cast %mul3A_249 : i32 to index
      %get3A_253 = tpu.vector_load %arg11[%get3A_251, %get3A_252] {strides = array<i32>} : memref<16x640xf32, #tpu.memory_space<vmem>>, vector<16xf32>,
      %add3A_254 = arith.addf %add3A_247, %get3A_253 : vector<16xf32>
      %mul3A_255 = arith.constant 16 : i32
      %mul3A_256 = arith.muli %scan3A_185, %mul3A_255 : i32
      %get3A_257 = arith.constant 10 : i32
      %get3A_258 = arith.index_cast %get3A_257 : i32 to index
      %get3A_259 = arith.index_cast %mul3A_256 : i32 to index
      %get3A_260 = tpu.vector_load %arg11[%get3A_258, %get3A_259] {strides = array<i32>} : memref<16x640xf32, #tpu.memory_space<vmem>>, vector<16xf32>,
      %add3A_261 = arith.addf %add3A_254, %get3A_260 : vector<16xf32>
      %mul3A_262 = arith.constant 16 : i32
      %mul3A_263 = arith.muli %scan3A_185, %mul3A_262 : i32
      %get3A_264 = arith.constant 11 : i32
      %get3A_265 = arith.index_cast %get3A_264 : i32 to index
      %get3A_266 = arith.index_cast %mul3A_263 : i32 to index
      %get3A_267 = tpu.vector_load %arg11[%get3A_265, %get3A_266] {strides = array<i32>} : memref<16x640xf32, #tpu.memory_space<vmem>>, vector<16xf32>,
      %add3A_268 = arith.addf %add3A_261, %get3A_267 : vector<16xf32>
      %mul3A_269 = arith.constant 16 : i32
      %mul3A_270 = arith.muli %scan3A_185, %mul3A_269 : i32
      %get3A_271 = arith.constant 12 : i32
      %get3A_272 = arith.index_cast %get3A_271 : i32 to index
      %get3A_273 = arith.index_cast %mul3A_270 : i32 to index
      %get3A_274 = tpu.vector_load %arg11[%get3A_272, %get3A_273] {strides = array<i32>} : memref<16x640xf32, #tpu.memory_space<vmem>>, vector<16xf32>,
      %add3A_275 = arith.addf %add3A_268, %get3A_274 : vector<16xf32>
      %mul3A_276 = arith.constant 16 : i32
      %mul3A_277 = arith.muli %scan3A_185, %mul3A_276 : i32
      %get3A_278 = arith.constant 13 : i32
      %get3A_279 = arith.index_cast %get3A_278 : i32 to index
      %get3A_280 = arith.index_cast %mul3A_277 : i32 to index
      %get3A_281 = tpu.vector_load %arg11[%get3A_279, %get3A_280] {strides = array<i32>} : memref<16x640xf32, #tpu.memory_space<vmem>>, vector<16xf32>,
      %add3A_282 = arith.addf %add3A_275, %get3A_281 : vector<16xf32>
      %mul3A_283 = arith.constant 16 : i32
      %mul3A_284 = arith.muli %scan3A_185, %mul3A_283 : i32
      %get3A_285 = arith.constant 14 : i32
      %get3A_286 = arith.index_cast %get3A_285 : i32 to index
      %get3A_287 = arith.index_cast %mul3A_284 : i32 to index
      %get3A_288 = tpu.vector_load %arg11[%get3A_286, %get3A_287] {strides = array<i32>} : memref<16x640xf32, #tpu.memory_space<vmem>>, vector<16xf32>,
      %add3A_289 = arith.addf %add3A_282, %get3A_288 : vector<16xf32>
      %mul3A_290 = arith.constant 16 : i32
      %mul3A_291 = arith.muli %scan3A_185, %mul3A_290 : i32
      %get3A_292 = arith.constant 15 : i32
      %get3A_293 = arith.index_cast %get3A_292 : i32 to index
      %get3A_294 = arith.index_cast %mul3A_291 : i32 to index
      %get3A_295 = tpu.vector_load %arg11[%get3A_293, %get3A_294] {strides = array<i32>} : memref<16x640xf32, #tpu.memory_space<vmem>>, vector<16xf32>,
      %add3A_296 = arith.addf %add3A_289, %get3A_295 : vector<16xf32>
      %mul3A_297 = arith.constant 16 : i32
      %mul3A_298 = arith.muli %scan3A_185, %mul3A_297 : i32
      %swap3A = arith.index_cast %mul3A_298 : i32 to index
      %swap3A_299 = tpu.vector_load %arg13[%swap3A] {strides = array<i32>} : memref<640xf32, #tpu.memory_space<vmem>>, vector<16xf32>,
      tpu.vector_store %arg13[%swap3A], %add3A_296 {strides = array<i32>} : memref<640xf32, #tpu.memory_space<vmem>>, vector<16xf32>,
      %scan3A_300 = arith.constant 0 : i32
      scf.yield %scan3A_300 : i32
    }
    %scan3A_161 = arith.constant 40 : i32
    %scan3A_162 = arith.constant 0 : i32
    %scan3A_163 = arith.constant 0 : i32
    %scan3A_164 = arith.constant 40 : i32
    %scan3A_165 = arith.addi %scan3A_163, %scan3A_164 : i32
    %scan3A_166 = arith.constant 1 : i32
    %scan3A_167 = scf.for %scan3A_185 = %scan3A_163 to %scan3A_165 step %scan3A_166 iter_args(%scan3A_186 = %scan3A_162) -> (i32)  : i32 {
      %mul3A_187 = arith.constant 16 : i32
      %mul3A_188 = arith.muli %scan3A_185, %mul3A_187 : i32
      %get3A = arith.index_cast %mul3A_188 : i32 to index
      %get3A_189 = tpu.vector_load %arg12[%get3A] {strides = array<i32>} : memref<640xf32, #tpu.memory_space<vmem>>, vector<16xf32>,
      %mul3A_190 = arith.constant 16 : i32
      %mul3A_191 = arith.muli %scan3A_185, %mul3A_190 : i32
      %get3A_192 = arith.index_cast %mul3A_191 : i32 to index
      %get3A_193 = tpu.vector_load %arg13[%get3A_192] {strides = array<i32>} : memref<640xf32, #tpu.memory_space<vmem>>, vector<16xf32>,
      %mul3A_194 = arith.constant 16 : i32
      %mul3A_195 = arith.muli %scan3A_185, %mul3A_194 : i32
      %get3A_196 = arith.index_cast %mul3A_195 : i32 to index
      %get3A_197 = tpu.vector_load %arg14[%get3A_196] {strides = array<i32>} : memref<640xf32, #tpu.memory_space<vmem>>, vector<16xf32>,
      %get3A_198 = arith.constant 0 : index
      %get3A_199 = tpu.vector_load %arg16[%get3A_198] {strides = array<i32>} : memref<16xf32, #tpu.memory_space<vmem>>, vector<16xf32>,
      %add3A_200 = arith.addf %get3A_197, %get3A_199 : vector<16xf32>
      %max3A = arith.constant 1.000000e+00 : f32
      %max3A_201 = vector.broadcast %max3A : f32 to vector<16xf32>
      %max3A_202 = arith.maximumf %get3A_193, %max3A_201 : vector<16xf32>
      %div3A = arith.divf %get3A_189, %max3A_202 : vector<16xf32>
      %sub3A = arith.subf %add3A_200, %div3A : vector<16xf32>
      %mul3A_203 = arith.constant 16 : i32
      %mul3A_204 = arith.muli %scan3A_185, %mul3A_203 : i32
      %swap3A = arith.index_cast %mul3A_204 : i32 to index
      %swap3A_205 = tpu.vector_load %arg15[%swap3A] {strides = array<i32>} : memref<640xf32, #tpu.memory_space<vmem>>, vector<16xf32>,
      tpu.vector_store %arg15[%swap3A], %sub3A {strides = array<i32>} : memref<640xf32, #tpu.memory_space<vmem>>, vector<16xf32>,
      %scan3A_206 = arith.constant 0 : i32
      scf.yield %scan3A_206 : i32
    }
    %scan3A_168 = arith.constant 40 : i32
    %mul3A_169 = arith.constant 640 : i32
    %mul3A_170 = arith.muli %arg1, %mul3A_169 : i32
    "tpu.region"() ({
      %run_scoped3A_185 = tpu.sem_alloc : memref<!tpu.dma_semaphore, #tpu.memory_space<semaphore_mem>>
      %dma_start3A = tpu.memref_slice %arg21[%mul3A_170] : memref<10240xf32, #tpu.memory_space<vmem_shared>> -> memref<640xf32, #tpu.memory_space<vmem_shared>>
      %dma_start3A_186 = tpu.memref_slice %arg21[%mul3A_170] : memref<10240xf32, #tpu.memory_space<vmem_shared>> -> memref<640xf32, #tpu.memory_space<vmem_shared>>
      tpu.enqueue_dma source(%arg15 : memref<640xf32, #tpu.memory_space<vmem>>) target(%dma_start3A_186 : memref<640xf32, #tpu.memory_space<vmem_shared>>) target_semaphore(%run_scoped3A_185 : memref<!tpu.dma_semaphore, #tpu.memory_space<semaphore_mem>>)
      %dma_wait3A = tpu.memref_slice %arg21[%mul3A_170] : memref<10240xf32, #tpu.memory_space<vmem_shared>> -> memref<640xf32, #tpu.memory_space<vmem_shared>>
      %dma_wait3A_187 = tpu.memref_slice %arg21[%mul3A_170] : memref<10240xf32, #tpu.memory_space<vmem_shared>> -> memref<640xf32, #tpu.memory_space<vmem_shared>>
      tpu.wait_dma2 semaphore(%run_scoped3A_185 : memref<!tpu.dma_semaphore, #tpu.memory_space<semaphore_mem>>) src(%arg15 : memref<640xf32, #tpu.memory_space<vmem>>) dst(%dma_wait3A_187 : memref<640xf32, #tpu.memory_space<vmem_shared>>)
      tpu.yield
    }) : () -> ()
    %barrier3A_171 = arith.constant 0 : index
    tpu.barrier barrier_id(%barrier3A_171)
    "tpu.region"() ({
      %run_scoped3A_185 = tpu.sem_alloc : memref<!tpu.dma_semaphore, #tpu.memory_space<semaphore_mem>>
      tpu.enqueue_dma source(%arg21 : memref<10240xf32, #tpu.memory_space<vmem_shared>>) target(%arg17 : memref<10240xf32, #tpu.memory_space<vmem>>) target_semaphore(%run_scoped3A_185 : memref<!tpu.dma_semaphore, #tpu.memory_space<semaphore_mem>>)
      tpu.wait_dma2 semaphore(%run_scoped3A_185 : memref<!tpu.dma_semaphore, #tpu.memory_space<semaphore_mem>>) src(%arg21 : memref<10240xf32, #tpu.memory_space<vmem_shared>>) dst(%arg17 : memref<10240xf32, #tpu.memory_space<vmem>>)
      tpu.yield
    }) : () -> ()
    %mul3A_172 = arith.constant 10000 : i32
    %mul3A_173 = arith.muli %arg0, %mul3A_172 : i32
    %scan3A_174 = arith.constant 0 : i32
    %scan3A_175 = arith.constant 0 : i32
    %scan3A_176 = arith.constant 625 : i32
    %scan3A_177 = arith.addi %scan3A_175, %scan3A_176 : i32
    %scan3A_178 = arith.constant 1 : i32
    %scan3A_179 = scf.for %scan3A_185 = %scan3A_175 to %scan3A_177 step %scan3A_178 iter_args(%scan3A_186 = %scan3A_174) -> (i32)  : i32 {
      %mul3A_187 = arith.constant 16 : i32
      %mul3A_188 = arith.muli %scan3A_185, %mul3A_187 : i32
      %add3A_189 = arith.addi %mul3A_173, %mul3A_188 : i32
      %get3A = arith.index_cast %add3A_189 : i32 to index
      %get3A_190 = tpu.vector_load %arg7[%get3A] {strides = array<i32>} : memref<20000xi32, #tpu.memory_space<vmem>>, vector<16xi32>,
      %mul3A_191 = arith.constant 16 : i32
      %mul3A_192 = arith.muli %scan3A_185, %mul3A_191 : i32
      %add3A_193 = arith.addi %mul3A_173, %mul3A_192 : i32
      %get3A_194 = arith.index_cast %add3A_193 : i32 to index
      %get3A_195 = tpu.vector_load %arg8[%get3A_194] {strides = array<i32>} : memref<20000xf32, #tpu.memory_space<vmem>>, vector<16xf32>,
      %gather3A = tpu.vector_load_idx %arg17[%get3A_190] : memref<10240xf32, #tpu.memory_space<vmem>>[vector<16xi32>], vector<16xf32>,
      %add3A_196 = arith.addf %get3A_195, %gather3A : vector<16xf32>
      %mul3A_197 = arith.constant 16 : i32
      %mul3A_198 = arith.muli %scan3A_185, %mul3A_197 : i32
      %swap3A = arith.index_cast %mul3A_198 : i32 to index
      %swap3A_199 = tpu.vector_load %arg18[%swap3A] {strides = array<i32>} : memref<10000xf32, #tpu.memory_space<vmem>>, vector<16xf32>,
      tpu.vector_store %arg18[%swap3A], %add3A_196 {strides = array<i32>} : memref<10000xf32, #tpu.memory_space<vmem>>, vector<16xf32>,
      %scan3A_200 = arith.constant 0 : i32
      scf.yield %scan3A_200 : i32
    }
    %scan3A_180 = arith.constant 625 : i32
    %mul3A_181 = arith.constant 2 : i32
    %mul3A_182 = arith.muli %mul3A_181, %arg1 : i32
    %add3A = arith.addi %mul3A_182, %arg0 : i32
    %mul3A_183 = arith.constant 10000 : i32
    %mul3A_184 = arith.muli %add3A, %mul3A_183 : i32
    "tpu.region"() ({
      %run_scoped3A_185 = tpu.sem_alloc : memref<!tpu.dma_semaphore, #tpu.memory_space<semaphore_mem>>
      %dma_start3A = tpu.memref_slice %arg6[%mul3A_184] : memref<320000xf32, #tpu.memory_space<hbm>> -> memref<10000xf32, #tpu.memory_space<hbm>>
      %dma_start3A_186 = tpu.memref_slice %arg6[%mul3A_184] : memref<320000xf32, #tpu.memory_space<hbm>> -> memref<10000xf32, #tpu.memory_space<hbm>>
      tpu.enqueue_dma source(%arg18 : memref<10000xf32, #tpu.memory_space<vmem>>) target(%dma_start3A_186 : memref<10000xf32, #tpu.memory_space<hbm>>) target_semaphore(%run_scoped3A_185 : memref<!tpu.dma_semaphore, #tpu.memory_space<semaphore_mem>>)
      %dma_wait3A = tpu.memref_slice %arg6[%mul3A_184] : memref<320000xf32, #tpu.memory_space<hbm>> -> memref<10000xf32, #tpu.memory_space<hbm>>
      %dma_wait3A_187 = tpu.memref_slice %arg6[%mul3A_184] : memref<320000xf32, #tpu.memory_space<hbm>> -> memref<10000xf32, #tpu.memory_space<hbm>>
      tpu.wait_dma2 semaphore(%run_scoped3A_185 : memref<!tpu.dma_semaphore, #tpu.memory_space<semaphore_mem>>) src(%arg18 : memref<10000xf32, #tpu.memory_space<vmem>>) dst(%dma_wait3A_187 : memref<10000xf32, #tpu.memory_space<hbm>>)
      tpu.yield
    }) : () -> ()
    return
  }
}

module attributes {stable_mosaic.version = 14 : i64} {
  func.func @_mv_body(%arg0: i32, %arg1: memref<4000x128xf32, #tpu.memory_space<vmem>>, %arg2: memref<128x128xf32, #tpu.memory_space<vmem>>, %arg3: memref<128x1xf32, #tpu.memory_space<vmem>>, %arg4: memref<128x1xf32, #tpu.memory_space<vmem>>, %arg5: memref<4000x1xf32, #tpu.memory_space<vmem>>, %arg6: memref<128x1xf32, #tpu.memory_space<vmem>>) attributes {dimension_semantics = [#tpu.dimension_semantics<arbitrary>], iteration_bounds = array<i64: 80>, scalar_prefetch = 0 : i64, scratch_operands = 0 : i64, tpu.core_type = #tpu.core_type<tc>, window_params = [{transform_indices = @transform_0, window_bounds = array<i64: 4000, 128>}, {transform_indices = @transform_1, window_bounds = array<i64: 128, 128>}, {pipeline_mode = #tpu.pipeline_mode<synchronous>, transform_indices = @transform_2, window_bounds = array<i64: 128, 1>}, {pipeline_mode = #tpu.pipeline_mode<synchronous>, transform_indices = @transform_3, window_bounds = array<i64: 128, 1>}, {transform_indices = @transform_4, window_bounds = array<i64: 4000, 1>}, {transform_indices = @transform_5, window_bounds = array<i64: 128, 1>}]} {
    %get3A = arith.constant 0 : index
    %get3A_0 = arith.constant 0 : index
    %get3A_1 = vector.load %arg1[%get3A, %get3A_0] : memref<4000x128xf32, #tpu.memory_space<vmem>>, vector<4000x128xf32>
    %get3A_2 = arith.constant 0 : index
    %get3A_3 = arith.constant 0 : index
    %get3A_4 = vector.load %arg3[%get3A_2, %get3A_3] : memref<128x1xf32, #tpu.memory_space<vmem>>, vector<128x1xf32>
    %dot_general3A = arith.constant dense<0.000000e+00> : vector<4000x1xf32>
    %dot_general3A_5 = tpu.matmul %get3A_1, %get3A_4, %dot_general3A {dimension_numbers = #tpu.dot_dimension_numbers<[1], [0], [0], [1], [0, 0, 1, 1], [], []>, transpose_lhs_hint = false} : vector<4000x128xf32>, vector<128x1xf32>, vector<4000x1xf32> -> vector<4000x1xf32>
    %swap3A = arith.constant 0 : index
    %swap3A_6 = arith.constant 0 : index
    %swap3A_7 = vector.load %arg5[%swap3A, %swap3A_6] : memref<4000x1xf32, #tpu.memory_space<vmem>>, vector<4000x1xf32>
    tpu.vector_store %arg5[%swap3A, %swap3A_6], %dot_general3A_5 {strides = array<i32>} : memref<4000x1xf32, #tpu.memory_space<vmem>>, vector<4000x1xf32>,
    %get3A_8 = arith.constant 0 : index
    %get3A_9 = arith.constant 0 : index
    %get3A_10 = vector.load %arg2[%get3A_8, %get3A_9] : memref<128x128xf32, #tpu.memory_space<vmem>>, vector<128x128xf32>
    %get3A_11 = arith.constant 0 : index
    %get3A_12 = arith.constant 0 : index
    %get3A_13 = vector.load %arg4[%get3A_11, %get3A_12] : memref<128x1xf32, #tpu.memory_space<vmem>>, vector<128x1xf32>
    %dot_general3A_14 = arith.constant dense<0.000000e+00> : vector<128x1xf32>
    %dot_general3A_15 = tpu.matmul %get3A_10, %get3A_13, %dot_general3A_14 {dimension_numbers = #tpu.dot_dimension_numbers<[1], [0], [0], [1], [0, 0, 1, 1], [], []>, transpose_lhs_hint = false} : vector<128x128xf32>, vector<128x1xf32>, vector<128x1xf32> -> vector<128x1xf32>
    %swap3A_16 = arith.constant 0 : index
    %swap3A_17 = arith.constant 0 : index
    %swap3A_18 = vector.load %arg6[%swap3A_16, %swap3A_17] : memref<128x1xf32, #tpu.memory_space<vmem>>, vector<128x1xf32>
    tpu.vector_store %arg6[%swap3A_16, %swap3A_17], %dot_general3A_15 {strides = array<i32>} : memref<128x1xf32, #tpu.memory_space<vmem>>, vector<128x1xf32>,
    return
  }
  func.func @transform_0(%arg0: i32) -> (i32, i32) {
    %c0_i32 = arith.constant 0 : i32
    %c0_i32_0 = arith.constant 0 : i32
    return %arg0, %c0_i32 : i32, i32
  }
  func.func @transform_1(%arg0: i32) -> (i32, i32) {
    %c0_i32 = arith.constant 0 : i32
    %c0_i32_0 = arith.constant 0 : i32
    return %arg0, %c0_i32 : i32, i32
  }
  func.func @transform_2(%arg0: i32) -> (i32, i32) {
    %c0_i32 = arith.constant 0 : i32
    %c0_i32_0 = arith.constant 0 : i32
    %c0_i32_1 = arith.constant 0 : i32
    return %c0_i32, %c0_i32_0 : i32, i32
  }
  func.func @transform_3(%arg0: i32) -> (i32, i32) {
    %c0_i32 = arith.constant 0 : i32
    %c0_i32_0 = arith.constant 0 : i32
    %c0_i32_1 = arith.constant 0 : i32
    return %c0_i32, %c0_i32_0 : i32, i32
  }
  func.func @transform_4(%arg0: i32) -> (i32, i32) {
    %c0_i32 = arith.constant 0 : i32
    %c0_i32_0 = arith.constant 0 : i32
    return %arg0, %c0_i32 : i32, i32
  }
  func.func @transform_5(%arg0: i32) -> (i32, i32) {
    %c0_i32 = arith.constant 0 : i32
    %c0_i32_0 = arith.constant 0 : i32
    return %arg0, %c0_i32 : i32, i32
  }
}

</mosaic_0001>

<sc_bundles>
// kernel: kernel.4.cloned.1.call-start
scs
__scs_entry_jumppad:
0x0: {  	(pc) =	sbr.rel $0x88, $3  }
0x1: {  	(tag) =	ssettag $0x0;
	lr =	simm.s32 $0x1  }
0x2: {  	[smem:$0x3F9B] =	sst lr;
	_ =	strace $0xD0000000  }
0x3: {  	_ = 	snop  }
0x4: {  	_ = 	snop  }
0x5: {  	_ = 	snop  }
0x6: {  	_ = 	snop  }
0x7: {  	_ = 	snop  }
__scs_overlays_trampoline_lowered:
0x8: {  	[smem:$0x3FAA] =	sst s0  }
0x9: {  	[smem:$0x3FAB] =	sst s1  }
0xa: {  	[smem:$0x3FAC] =	sst s2  }
0xb: {  	[smem:$0x3FAD] =	sst s3  }
0xc: {  	[smem:$0x3FAE] =	sst s4  }
0xd: {  	[smem:$0x3FAF] =	sst s5  }
0xe: {  	[smem:$0x3FB0] =	sst s6  }
0xf: {  	[smem:$0x3FB1] =	sst s7  }
0x10: {  	[smem:$0x3FB2] =	sst s8  }
0x11: {  	[smem:$0x3FB3] =	sst s9;
	s0 =	simm.s32 @!p0 $0x0  }
0x12: {  	s1 =	sld [smem:$0x3F99];
	s0 =	simm.s32 @p0 $0x1  }
0x13: {  	[smem:$0x3FB4] =	sst s0;
	s0 =	simm.s32 @!p1 $0x0  }
0x14: {  	s2 =	sld [smem:$0x3F98];
	s0 =	simm.s32 @p1 $0x1  }
0x15: {  	[smem:$0x3FB5] =	sst s0;
	s0 =	simm.s32 @!p2 $0x0  }
0x16: {  	s3 =	sld [smem:$0x3FDB];
	s0 =	simm.s32 @p2 $0x1  }
0x17: {  	s4 =	simm.s32 $0x1BF5;
	[smem:$0x3FB7] =	sst s0  }
0x18: {  	s0 =	sld [smem:$0x3F9A];
	_ =	swait.ge [sflag:s4], $0x0  }
0x19: {  	s7 =	sld [smem:$0x3F9B]  }
0x1a: {  	s8 =	sadd.s32 $0xFFFFE003, lr  }
0x1b: {  	s9 =	sadd.s32 $0xFFFFFEF7, lr;
	s5 =	simm.s32 $0xFFFFFFFF;
	p2 =	slt.u32 s8, $0xFFFFF086  }
0x1c: {  	p1 =	slt.u32 s9, $0xF7A;
	s5 =	simm.s32 @!p2 $0x0  }
0x1d: {  	s5 =	simm.s32 @p1 $0x1;
	p0 =	seq.s32 s7, s2  }
0x1e: {  	s7 =	smul.u32 @!p0 $0xF7A, s2;
	p2 =	seq.s32 @!p0 s5, $0x0  }
0x1f: {  	s9 =	smul.u32 $0xF7A, s1;
	s8 =	simm.s32 @!p0 $0x1BF5;
	p2 =	por !p2, p0  }
0x20: {  	[sflag:s8] =	ssyncset.s32 @!p0 $0xFFFFF086;
	s6 =	sadd.s32 @!p0 s3, s7;
	s7 =	simm.s32 @!p0 $0x108  }
0x21: {  	s3 =	sadd.s32 s3, s9;
	s6 =	sadd.s32 @!p0 $0x88, s6;
	s7 =	simm.s32 @p2 $0x1082  }
0x22: {  	[simem:s7], [sflag:s8] =	dma.local @!p0 [hbm:s6], $0xF7A  }
0x23: {  	s9 =	sor.u32 $0xD0000000, s2;
	s6 =	simm.s32 $0x108;
	_ =	swait.ge @!p0 [sflag:s8], $0x0  }
0x24: {  	s3 =	sadd.s32 $0x88, s3;
	s6 =	simm.s32 @!p1 $0x1082;
	[sflag:s4] =	ssyncset.s32 $0xFFFFF086  }
0x25: {  	[simem:s6], [sflag:s4] =	dma.local [hbm:s3], $0xF7A  }
0x26: {  	[smem:$0x3F9B] =	sst s1;
	(tag) =	ssettag s2;
	_ =	strace s9  }
0x27: {  	s1 =	sld [smem:$0x3FAB]  }
0x28: {  	s2 =	sld [smem:$0x3FAC]  }
0x29: {  	s4 =	sld [smem:$0x3FAE]  }
0x2a: {  	p0 =	seq.s32 s5, $0x0;
	s5 =	sld [smem:$0x3FAF]  }
0x2b: {  	s6 =	sld [smem:$0x3FB0]  }
0x2c: {  	s7 =	sld [smem:$0x3FB1]  }
0x2d: {  	s3 =	simm.s32 $0x108;
	s8 =	sld [smem:$0x3FB2]  }
0x2e: {  	s3 =	simm.s32 @!p0 $0x1082;
	s9 =	sld [smem:$0x3FB3]  }
0x2f: {  	lr =	sadd.s32 s0, s3;
	s0 =	sld [smem:$0x3FAA]  }
0x30: {  	s3 =	sld [smem:$0x3FAD]  }
0x31: {  	[smem:$0x3FB6] =	sst s10  }
0x32: {  	s10 =	sld [smem:$0x3FB4];
	_ =	sdelay $0x3  }
0x33: {  	p0 =	seq.s32 s10, $0x1;
	s10 =	sld [smem:$0x3FB6];
	_ =	sdelay $0x3  }
0x34: {  	[smem:$0x3FB6] =	sst s10  }
0x35: {  	s10 =	sld [smem:$0x3FB5];
	_ =	sdelay $0x3  }
0x36: {  	p1 =	seq.s32 s10, $0x1;
	s10 =	sld [smem:$0x3FB6];
	_ =	sdelay $0x3  }
0x37: {  	[smem:$0x3FB6] =	sst s10  }
0x38: {  	s10 =	sld [smem:$0x3FB7]  }
0x39: {  	_ = 	snop;
	(pc) =	sbr.ind lr, $3  }
0x3a: {  	_ = 	snop  }
0x3b: {  	_ = 	snop  }
0x3c: {  	p2 =	seq.s32 s10, $0x1;
	s10 =	sld [smem:$0x3FB6]  }
0x3d: {  	_ =	shalt  }
0x3e: {  	_ =	shalt  }
0x3f: {  	_ =	shalt  }
0x40: {  	_ =	shalt  }
0x41: {  	_ =	shalt  }
0x42: {  	_ =	shalt  }
0x43: {  	_ =	shalt  }
0x44: {  	_ =	shalt  }
0x45: {  	_ =	shalt  }
0x46: {  	_ =	shalt  }
0x47: {  	_ =	shalt  }
0x48: {  	_ =	shalt  }
0x49: {  	_ =	shalt  }
0x4a: {  	_ =	shalt  }
0x4b: {  	_ =	shalt  }
0x4c: {  	_ =	shalt  }
0x4d: {  	_ =	shalt  }
0x4e: {  	_ =	shalt  }
0x4f: {  	_ =	shalt  }
0x50: {  	_ =	shalt  }
0x51: {  	_ =	shalt  }
0x52: {  	_ =	shalt  }
0x53: {  	_ =	shalt  }
0x54: {  	_ =	shalt  }
0x55: {  	_ =	shalt  }
0x56: {  	_ =	shalt  }
0x57: {  	_ =	shalt  }
0x58: {  	_ =	shalt  }
0x59: {  	_ =	shalt  }
0x5a: {  	_ =	shalt  }
0x5b: {  	_ =	shalt  }
0x5c: {  	_ =	shalt  }
0x5d: {  	_ =	shalt  }
0x5e: {  	_ =	shalt  }
0x5f: {  	_ =	shalt  }
0x60: {  	_ =	shalt  }
0x61: {  	_ =	shalt  }
0x62: {  	_ =	shalt  }
0x63: {  	_ =	shalt  }
0x64: {  	_ =	shalt  }
0x65: {  	_ =	shalt  }
0x66: {  	_ =	shalt  }
0x67: {  	_ =	shalt  }
0x68: {  	_ =	shalt  }
0x69: {  	_ =	shalt  }
0x6a: {  	_ =	shalt  }
0x6b: {  	_ =	shalt  }
0x6c: {  	_ =	shalt  }
0x6d: {  	_ =	shalt  }
0x6e: {  	_ =	shalt  }
0x6f: {  	_ =	shalt  }
0x70: {  	_ =	shalt  }
0x71: {  	_ =	shalt  }
0x72: {  	_ =	shalt  }
0x73: {  	_ =	shalt  }
0x74: {  	_ =	shalt  }
0x75: {  	_ =	shalt  }
0x76: {  	_ =	shalt  }
0x77: {  	_ =	shalt  }
0x78: {  	_ =	shalt  }
0x79: {  	_ =	shalt  }
0x7a: {  	_ =	shalt  }
0x7b: {  	_ =	shalt  }
0x7c: {  	_ =	shalt  }
0x7d: {  	_ =	shalt  }
0x7e: {  	_ =	shalt  }
0x7f: {  	_ =	shalt  }
0x80: {  	_ =	shalt  }
0x81: {  	_ =	shalt  }
0x82: {  	_ =	shalt  }
0x83: {  	_ =	shalt  }
0x84: {  	_ =	shalt  }
0x85: {  	_ =	shalt  }
0x86: {  	_ =	shalt  }
0x87: {  	_ =	shalt  }
.Lfunc_end0:
.L_simem_size_0:
called_computation_lowered:
.L_overlay_start_0:
0x88: {  	s2 =	sld [smem:$0x3FD9]  }
0x89: {  	s3 =	sld [smem:$0x3FFE];
	_ =	sdelay $0x1  }
0x8a: {  	s1 =	srdreg.scid  }
0x8b: {  	s0 =	sand.u32 $0x1, s1  }
0x8c: {  	s14 =	sshll.u32 s0, $0xA;
	s2 =	sadd.s32 s3, s2  }
0x8d: {  	s2 =	sadd.s32 s2, s14  }
0x8e: {  	[smem:$0x3FC2] =	sst s2  }
0x8f: {  	_ = 	snop  }
0x90: {  	s2 =	sld [smem:$0x3FD0];
	_ =	sdelay $0x2  }
0x91: {  	s4 =	simm.s32 $0xA;
	s5 =	simm.s32 $0x10;
	s15 =	sld [smem:$0x3FC7]  }
0x92: {  	[smem:s5], [sflag:s4] =	dma.local [hbm:s2], $0x1  }
0x93: {  	_ =	swait.eq [sflag:s4], $0x1  }
0x94: {  	[sflag:s4] =	ssyncset.done $0x0  }
0x95: {  	s16 =	sld [smem:$0x10];
	[sflag:s4] =	ssyncadd.s32 $0xFFFFFFFF  }
0x96: {  	s17 =	sld [smem:$0x11];
	(tm) =	ssettm $0x1  }
0x97: {  	s18 =	sld [smem:$0x3FFB];
	_ =	sdelay $0x3  }
0x98: {  	_ =	strace s18  }
0x99: {  	s5 =	sld [smem:$0x3FFC];
	_ =	sdelay $0x3  }
0x9a: {  	_ =	strace s5  }
0x9b: {  	s5 =	sld [smem:$0x3FFD];
	_ =	sdelay $0x3  }
0x9c: {  	_ =	strace s5  }
0x9d: {  	_ =	strace $0x8FFFFFFF  }
0x9e: {  	s19 =	sld [smem:$0x3FDB];
	_ =	sdelay $0x1  }
0x9f: {  	s6 =	simm.s32 $_scs_section_size  }
0xa0: {  	s7 =	simm.s32 $_size__tile_overlayer_lowered;
	s8 =	simm.s32 $_tile_overlayer_lowered  }
0xa1: {  	s22 =	simm.s32 $0x1BFF;
	s21 =	sshll.u32 s8, $0x1;
	s5 =	sadd.s32 s6, s19  }
0xa2: {  	s9 =	simm.s32 $0x0;
	s20 =	sshll.u32 s7, $0x1;
	s7 =	sadd.s32 s21, s5  }
0xa3: {  	[timem:s9], [sflag:s22] =	dma.local [hbm:s7], s20  }
0xa4: {  	_ =	swait.ge [sflag:s22], s20  }
0xa5: {  	s6 =	ssub.s32 $0x0, s20;
	[sflag:s22] =	ssyncset.done $0x0  }
0xa6: {  	[sflag:s22] =	ssyncadd.s32 s6;
	_ =	sdelay $0x1  }
0xa7: {  	s23 =	simm.s32 $0x1B8B  }
0xa8: {  	_ =	swait.ge [sflag:s23], $0x1  }
0xa9: {  	[sflag:s23] =	ssyncset.done $0x0  }
0xaa: {  	s25 =	simm.s32 $0x1B8E;
	s24 =	sld [smem:$0x3FFE];
	[sflag:s23] =	ssyncadd.s32 $0xFFFFFFFF  }
0xab: {  	s26 =	simm.s32 $execute0_lowered;
	[smem:$0x3FD2] =	sst s25  }
0xac: {  	s7 =	sshll.u32 s26, $0x1;
	_ =	strace $0x80000046;
	[dreg:$0x1] =	wrdreg $0xFFFFFFFF  }
0xad: {  	s28 =	simm.s32 $_size_execute0_lowered;
	s5 =	sadd.s32 s5, s7;
	[dreg:$0x0] =	wrdreg $0x0  }
0xae: {  	s7 =	sshll.u32 s28, $0x1;
	[dreg:$0x2] =	wrdreg s5  }
0xaf: {  	[dreg:$0x3] =	wrdreg s7  }
0xb0: {  	[dreg:$0x4] =	wrdreg $0xC0  }
0xb1: {  	_ =	task [dreg:s9], $0x5FFFF  }
0xb2: {  	[dreg:$0x1] =	wrdreg $0xFFFFFFFF  }
0xb3: {  	[dreg:$0x0] =	wrdreg $0x60  }
0xb4: {  	[dreg:$0x2] =	wrdreg s24  }
0xb5: {  	[dreg:$0x3] =	wrdreg s17  }
0xb6: {  	[dreg:$0x4] =	wrdreg s15  }
0xb7: {  	[dreg:$0x5] =	wrdreg s16  }
0xb8: {  	[dreg:$0x6] =	wrdreg $0x16F000  }
0xb9: {  	[dreg:$0x7] =	wrdreg $0x197000  }
0xba: {  	[dreg:$0x8] =	wrdreg $0x1BF000  }
0xbb: {  	[dreg:$0x9] =	wrdreg $0x9  }
0xbc: {  	_ =	task.clear_ibuf [dreg:s9], $0xAFFFF;
	_ =	strace $0x90000046  }
0xbd: {  	s29 =	simm.s32 $0x9;
	_ =	strace $0x80000048  }
0xbe: {  	_ =	swait.ge [sflag:s29], $0x1  }
0xbf: {  	[sflag:s29] =	ssyncadd.s32 $0xFFFFFFFF  }
0xc0: {  	_ =	strace $0x90000048  }
0xc1: {  	_ =	sfence  }
0xc2: {  	s30 =	sld [smem:$0x0];
	_ =	sdelay $0x2  }
0xc3: {  	s31 =	sshll.u32 s1, $0xD;
	s1 =	sshrl.u32 s1, $0x2  }
0xc4: {  	s3 =	sand.u32 $0x4000, s31;
	s1 =	sadd.s32 s1, s30  }
0xc5: {  	s0 =	sor.u32 s3, s0;
	s1 =	sshll.u32 s1, $0x11  }
0xc6: {  	s0 =	sor.u32 s1, s0  }
0xc7: {  	s0 =	sadd.s32 $0x8F2B, s0  }
0xc8: {  	[sflag:s0] =	ssyncadd.remote.s32 $0x1  }
0xc9: {  	_ =	sfence.sel $0xFFFF  }
0xca: {  	[dreg:$0x0] =	wrdreg $0xFFFFFFFF;
	(pc) =	sbr.abs _section_cstart, $3  }
0xcb: {  	[dreg:$0x1] =	wrdreg $0xFFFFFFFF  }
0xcc: {  	_ =	task.clear_ibuf [dreg:s9], $0x2FFFF;
	_ =	strace $0x9FFFFFFF  }
0xcd: {  	(tm) =	ssettm $0x7FFFFFFF  }
tec
execute0_lowered:
.L_overlay_start_1:
0x0: {  	(tag) =	ssettag $0x1  }
0x1: {  	s4 =	rddreg [dreg:$0x1]  }
0x2: {  	s5 =	rddreg [dreg:$0x2]  }
0x3: {  	s6 =	rddreg [dreg:$0x4]  }
0x4: {  	s2 =	rddreg [dreg:$0x5]  }
0x5: {  	s0 =	srdreg.scid;
	s1 =	simm.s32 $0x0;
	s11 =	stileid.u32  }
0x6: {  	s0 =	sand.u32 $0x1, s0;
	s7 =	smul.u32 $0x9C4, s11;
	s8 =	sshrl.u32 s11, $0x3  }
0x7: {  	s10 =	sshll.u32 s11, $0x7;
	[smem:$0x7FF] =	sst s1;
	s3 =	ssub.s32 $0x2, s0  }
0x8: {  	s8 =	smul.u32 $0x14000, s8;
	s31 =	sand.u32 $0x380, s10;
	s5 =	sadd.s32 s5, s7  }
0x9: {  	s9 =	sshrl.u32 s3, $0x1;
	s4 =	sadd.s32 s4, s7;
	[dreg:$0x8] =	wrdreg s5  }
0xa: {  	s30 =	ssub.s32 s3, s9;
	s1 =	sor.u32 s31, s8;
	[dreg:$0x9] =	wrdreg s4  }
0xb: {  	s8 =	smul.u32 $0x1400, s11;
	[smem:$0x770] =	sst s30;
	s3 =	sadd.s32 s1, s6  }
0xc: {  	s5 =	sadd.s32 s1, s2;
	[dreg:$0xa] =	wrdreg s3  }
0xd: {  	[dreg:$0xb] =	wrdreg s5;
	s22 =	sadd.s32 s8, s6  }
0xe: {  	s4 =	sor.u32 $0x80, s8;
	s5 =	sor.u32 $0x100, s8;
	s7 =	sor.u32 $0x180, s8  }
0xf: {  	s9 =	sor.u32 $0x200, s8;
	s10 =	sor.u32 $0x280, s8;
	s11 =	sor.u32 $0x300, s8  }
0x10: {  	s12 =	sor.u32 $0x380, s8;
	s13 =	sadd.s32 $0x14000, s8;
	s14 =	sadd.s32 $0x14080, s8  }
0x11: {  	s15 =	sadd.s32 $0x14100, s8;
	s16 =	sadd.s32 $0x14180, s8;
	s17 =	sadd.s32 $0x14200, s8  }
0x12: {  	s19 =	sadd.s32 $0x14300, s8;
	s23 =	sadd.s32 s4, s6;
	s24 =	sadd.s32 s5, s6  }
0x13: {  	s25 =	sadd.s32 s7, s6;
	s26 =	sadd.s32 s9, s6;
	s28 =	sadd.s32 s10, s6  }
0x14: {  	s29 =	sadd.s32 s11, s6;
	s30 =	sadd.s32 s12, s6;
	s31 =	sadd.s32 s13, s6  }
0x15: {  	s1 =	sadd.s32 s14, s6;
	s3 =	sadd.s32 s15, s6;
	s21 =	sadd.s32 s16, s6  }
0x16: {  	s18 =	sadd.s32 s17, s6;
	s4 =	sadd.s32 s4, s2;
	s5 =	sadd.s32 s5, s2  }
0x17: {  	s7 =	sadd.s32 s7, s2;
	s9 =	sadd.s32 s9, s2;
	[dreg:$0x18] =	wrdreg s18  }
0x18: {  	s10 =	sadd.s32 s10, s2;
	s11 =	sadd.s32 s11, s2;
	[dreg:$0x1d] =	wrdreg s4  }
0x19: {  	s12 =	sadd.s32 s12, s2;
	s13 =	sadd.s32 s13, s2;
	[dreg:$0x1f] =	wrdreg s7  }
0x1a: {  	s14 =	sadd.s32 s14, s2;
	s16 =	sadd.s32 s16, s2;
	[smem:$0x7C2] =	sst s9  }
0x1b: {  	s15 =	sadd.s32 s15, s2;
	s17 =	sadd.s32 s17, s2;
	[smem:$0x7E5] =	sst s16  }
0x1c: {  	s18 =	sadd.s32 $0x14280, s8;
	s9 =	stileid.u32;
	s16 =	rddreg [dreg:$0x0]  }
0x1d: {  	s20 =	sadd.s32 s18, s6;
	s4 =	sshll.u32 s9, $0x1;
	s18 =	sadd.s32 s18, s2  }
0x1e: {  	s7 =	smul.u32 $0x280, s9;
	[dreg:$0x19] =	wrdreg s20;
	s20 =	sadd.s32 s19, s6  }
0x1f: {  	s4 =	sor.u32 s0, s4;
	s19 =	sadd.s32 s19, s2;
	[dreg:$0x1a] =	wrdreg s20  }
0x20: {  	s20 =	sadd.s32 $0x14380, s8;
	s8 =	sadd.s32 s8, s2;
	s4 =	smul.u32 $0x4E2, s4  }
0x21: {  	s6 =	sadd.s32 s20, s6;
	s20 =	sadd.s32 s20, s2;
	s2 =	rddreg [dreg:$0x3]  }
0x22: {  	s9 =	rddreg [dreg:$0x6];
	s2 =	sadd.s32 s2, s4;
	s4 =	sshrl.u32 s7, $0x3  }
0x23: {  	[smem:$0x76C] =	sst s2;
	s2 =	sadd.s32 s16, s4  }
0x24: {  	s4 =	sadd.s32 $0x600, s16;
	_ =	strace $0x80000047;
	[smem:$0x76D] =	sst s2  }
0x25: {  	s9 =	sadd.s32 s7, s9;
	[smem:$0x76E] =	sst s4  }
0x26: {  	[smem:$0x76F] =	sst s9  }
0x27: {  	[dreg:$0xc] =	wrdreg s22  }
0x28: {  	[dreg:$0xd] =	wrdreg s23  }
0x29: {  	[dreg:$0xe] =	wrdreg s24  }
0x2a: {  	[dreg:$0xf] =	wrdreg s25  }
0x2b: {  	[dreg:$0x10] =	wrdreg s26  }
0x2c: {  	[dreg:$0x11] =	wrdreg s28  }
0x2d: {  	[dreg:$0x12] =	wrdreg s29  }
0x2e: {  	[dreg:$0x13] =	wrdreg s30  }
0x2f: {  	[dreg:$0x14] =	wrdreg s31  }
0x30: {  	[dreg:$0x15] =	wrdreg s1  }
0x31: {  	[dreg:$0x16] =	wrdreg s3  }
0x32: {  	[dreg:$0x17] =	wrdreg s21  }
0x33: {  	[dreg:$0x1b] =	wrdreg s6  }
0x34: {  	[dreg:$0x1c] =	wrdreg s8  }
0x35: {  	[dreg:$0x1e] =	wrdreg s5  }
0x36: {  	[smem:$0x7CA] =	sst s10  }
0x37: {  	[smem:$0x7CF] =	sst s11  }
0x38: {  	[smem:$0x7D4] =	sst s12  }
0x39: {  	[smem:$0x7D9] =	sst s13  }
0x3a: {  	[smem:$0x7DE] =	sst s14  }
0x3b: {  	[smem:$0x7E3] =	sst s15  }
0x3c: {  	[smem:$0x7ED] =	sst s17  }
0x3d: {  	[smem:$0x7F2] =	sst s18  }
0x3e: {  	[smem:$0x7F7] =	sst s19  }
0x3f: {  	[smem:$0x7FC] =	sst s20  }
0x40: {  	s4 =	sadd.s32 $0x800, s22;
	s16 =	sld [smem:$0x770]  }
0x41: {  	s9 =	sadd.s32 $0xC00, s22;
	[smem:$0x773] =	sst s4  }
0x42: {  	[smem:$0x774] =	sst s9;
	s4 =	sadd.s32 $0xC00, s23  }
0x43: {  	s9 =	sadd.s32 $0x1000, s23;
	[smem:$0x778] =	sst s4  }
0x44: {  	[smem:$0x779] =	sst s9;
	s4 =	sadd.s32 $0x400, s25  }
0x45: {  	s9 =	sadd.s32 $0x800, s25;
	[smem:$0x77E] =	sst s4  }
0x46: {  	[smem:$0x77F] =	sst s9;
	s4 =	sadd.s32 $0x400, s28  }
0x47: {  	s9 =	sadd.s32 $0x800, s28;
	[smem:$0x786] =	sst s4  }
0x48: {  	s2 =	smax.u32 s16, $0x1;
	[smem:$0x787] =	sst s9  }
0x49: {  	s16 =	sadd.s32 $0x1000, s22;
	[smem:$0x771] =	sst s2  }
0x4a: {  	s4 =	sadd.s32 $0x800, s30;
	[smem:$0x775] =	sst s16  }
0x4b: {  	s9 =	sadd.s32 $0xC00, s30;
	[smem:$0x78F] =	sst s4  }
0x4c: {  	s2 =	sadd.s32 $0x400, s22;
	[smem:$0x790] =	sst s9  }
0x4d: {  	s22 =	sadd.s32 $0x400, s23;
	[smem:$0x772] =	sst s2  }
0x4e: {  	s16 =	sadd.s32 $0x400, s24;
	[smem:$0x776] =	sst s22  }
0x4f: {  	s4 =	sadd.s32 $0x800, s3;
	[smem:$0x77A] =	sst s16  }
0x50: {  	s9 =	sadd.s32 $0xC00, s3;
	[smem:$0x79B] =	sst s4  }
0x51: {  	[smem:$0x79C] =	sst s9  }
0x52: {  	s2 =	sadd.s32 $0x800, s23;
	s4 =	rddreg [dreg:$0x19]  }
0x53: {  	s22 =	sadd.s32 $0x800, s24;
	[smem:$0x777] =	sst s2  }
0x54: {  	s23 =	sadd.s32 $0xC00, s24;
	[smem:$0x77B] =	sst s22  }
0x55: {  	s16 =	sadd.s32 $0xC00, s25;
	[smem:$0x77C] =	sst s23  }
0x56: {  	s2 =	sadd.s32 $0x1000, s24;
	[smem:$0x780] =	sst s16  }
0x57: {  	s22 =	sadd.s32 $0x1000, s25;
	[smem:$0x77D] =	sst s2  }
0x58: {  	s23 =	sadd.s32 $0x400, s26;
	[smem:$0x781] =	sst s22  }
0x59: {  	s24 =	sadd.s32 $0x800, s26;
	[smem:$0x782] =	sst s23  }
0x5a: {  	s25 =	sadd.s32 $0xC00, s26;
	[smem:$0x783] =	sst s24  }
0x5b: {  	s16 =	sadd.s32 $0xC00, s28;
	[smem:$0x784] =	sst s25  }
0x5c: {  	s9 =	sadd.s32 $0x400, s4;
	[smem:$0x788] =	sst s16  }
0x5d: {  	s2 =	sadd.s32 $0x1000, s26;
	[smem:$0x7A6] =	sst s9  }
0x5e: {  	s22 =	sadd.s32 $0x1000, s28;
	[smem:$0x785] =	sst s2  }
0x5f: {  	s23 =	sadd.s32 $0x400, s29;
	[smem:$0x789] =	sst s22  }
0x60: {  	s24 =	sadd.s32 $0x800, s29;
	[smem:$0x78A] =	sst s23  }
0x61: {  	s25 =	sadd.s32 $0xC00, s29;
	[smem:$0x78B] =	sst s24  }
0x62: {  	s26 =	sadd.s32 $0x1000, s29;
	[smem:$0x78C] =	sst s25  }
0x63: {  	s16 =	sadd.s32 $0x1000, s30;
	[smem:$0x78D] =	sst s26  }
0x64: {  	s9 =	sadd.s32 $0x800, s8;
	[smem:$0x791] =	sst s16  }
0x65: {  	s2 =	sadd.s32 $0x400, s30;
	[smem:$0x7B3] =	sst s9  }
0x66: {  	s22 =	sadd.s32 $0x400, s31;
	[smem:$0x78E] =	sst s2  }
0x67: {  	s23 =	sadd.s32 $0x800, s31;
	[smem:$0x792] =	sst s22  }
0x68: {  	s24 =	sadd.s32 $0xC00, s31;
	[smem:$0x793] =	sst s23  }
0x69: {  	s25 =	sadd.s32 $0x1000, s31;
	[smem:$0x794] =	sst s24  }
0x6a: {  	s26 =	sadd.s32 $0x400, s1;
	[smem:$0x795] =	sst s25  }
0x6b: {  	s30 =	sadd.s32 $0x800, s1;
	[smem:$0x796] =	sst s26  }
0x6c: {  	s31 =	sadd.s32 $0xC00, s1;
	[smem:$0x797] =	sst s30  }
0x6d: {  	s1 =	sadd.s32 $0x1000, s1;
	[smem:$0x798] =	sst s31  }
0x6e: {  	s16 =	sadd.s32 $0x1000, s3;
	[smem:$0x799] =	sst s1  }
0x6f: {  	[smem:$0x79D] =	sst s16  }
0x70: {  	s2 =	sadd.s32 $0x400, s3;
	s26 =	rddreg [dreg:$0x18]  }
0x71: {  	s22 =	sadd.s32 $0x400, s21;
	[smem:$0x79A] =	sst s2  }
0x72: {  	s23 =	sadd.s32 $0x800, s21;
	[smem:$0x79E] =	sst s22  }
0x73: {  	s24 =	sadd.s32 $0xC00, s21;
	[smem:$0x79F] =	sst s23  }
0x74: {  	s25 =	sadd.s32 $0x1000, s21;
	[smem:$0x7A0] =	sst s24  }
0x75: {  	s16 =	sadd.s32 $0x800, s4;
	[smem:$0x7A1] =	sst s25  }
0x76: {  	[smem:$0x7A7] =	sst s16  }
0x77: {  	s1 =	sadd.s32 $0x400, s6;
	s24 =	rddreg [dreg:$0x1a]  }
0x78: {  	s30 =	sadd.s32 $0x400, s26;
	[smem:$0x7AE] =	sst s1  }
0x79: {  	s31 =	sadd.s32 $0x800, s26;
	[smem:$0x7A2] =	sst s30  }
0x7a: {  	s2 =	sadd.s32 $0xC00, s26;
	[smem:$0x7A3] =	sst s31  }
0x7b: {  	s3 =	sadd.s32 $0x1000, s26;
	[smem:$0x7A4] =	sst s2  }
0x7c: {  	s22 =	sadd.s32 $0xC00, s4;
	[smem:$0x7A5] =	sst s3  }
0x7d: {  	s23 =	sadd.s32 $0x1000, s4;
	[smem:$0x7A8] =	sst s22  }
0x7e: {  	s4 =	sadd.s32 $0x1000, s6;
	[smem:$0x7A9] =	sst s23  }
0x7f: {  	s16 =	sadd.s32 $0xC00, s8;
	[smem:$0x7B1] =	sst s4  }
0x80: {  	[smem:$0x7B4] =	sst s16  }
0x81: {  	s1 =	sadd.s32 $0x800, s5;
	s23 =	rddreg [dreg:$0x1d]  }
0x82: {  	[smem:$0x7BB] =	sst s1  }
0x83: {  	s4 =	rddreg [dreg:$0x1f]  }
0x84: {  	s25 =	sadd.s32 $0x400, s24;
	s16 =	sld [smem:$0x7C2]  }
0x85: {  	s26 =	sadd.s32 $0x800, s24;
	[smem:$0x7AA] =	sst s25  }
0x86: {  	s30 =	sadd.s32 $0xC00, s24;
	[smem:$0x7AB] =	sst s26  }
0x87: {  	s31 =	sadd.s32 $0x1000, s24;
	[smem:$0x7AC] =	sst s30  }
0x88: {  	s2 =	sadd.s32 $0x800, s6;
	[smem:$0x7AD] =	sst s31  }
0x89: {  	s3 =	sadd.s32 $0xC00, s6;
	[smem:$0x7AF] =	sst s2  }
0x8a: {  	s6 =	sadd.s32 $0x400, s8;
	[smem:$0x7B0] =	sst s3  }
0x8b: {  	s22 =	sadd.s32 $0x1000, s8;
	[smem:$0x7B2] =	sst s6  }
0x8c: {  	s1 =	sadd.s32 $0x1000, s10;
	[smem:$0x7B5] =	sst s22  }
0x8d: {  	s24 =	sadd.s32 $0x400, s23;
	[smem:$0x7CB] =	sst s1  }
0x8e: {  	s25 =	sadd.s32 $0x800, s23;
	[smem:$0x7B6] =	sst s24  }
0x8f: {  	s26 =	sadd.s32 $0xC00, s23;
	[smem:$0x7B7] =	sst s25  }
0x90: {  	s30 =	sadd.s32 $0x1000, s23;
	[smem:$0x7B8] =	sst s26  }
0x91: {  	s31 =	sadd.s32 $0x400, s5;
	[smem:$0x7B9] =	sst s30  }
0x92: {  	s2 =	sadd.s32 $0xC00, s5;
	[smem:$0x7BA] =	sst s31  }
0x93: {  	s3 =	sadd.s32 $0x1000, s5;
	[smem:$0x7BC] =	sst s2  }
0x94: {  	s5 =	sadd.s32 $0x400, s4;
	[smem:$0x7BD] =	sst s3  }
0x95: {  	s6 =	sadd.s32 $0x800, s4;
	[smem:$0x7BE] =	sst s5  }
0x96: {  	s8 =	sadd.s32 $0xC00, s4;
	[smem:$0x7BF] =	sst s6  }
0x97: {  	s9 =	sadd.s32 $0x1000, s4;
	[smem:$0x7C0] =	sst s8  }
0x98: {  	s4 =	sadd.s32 $0xC00, s11;
	[smem:$0x7C1] =	sst s9  }
0x99: {  	s1 =	sadd.s32 $0xC00, s15;
	[smem:$0x7CE] =	sst s4  }
0x9a: {  	s26 =	sadd.s32 $0x400, s10;
	[smem:$0x7E2] =	sst s1  }
0x9b: {  	s30 =	sadd.s32 $0x800, s10;
	[smem:$0x7C7] =	sst s26  }
0x9c: {  	s31 =	sadd.s32 $0xC00, s10;
	[smem:$0x7C8] =	sst s30  }
0x9d: {  	s2 =	sadd.s32 $0x400, s11;
	[smem:$0x7C9] =	sst s31  }
0x9e: {  	s3 =	sadd.s32 $0x800, s11;
	[smem:$0x7CC] =	sst s2  }
0x9f: {  	s5 =	sadd.s32 $0x1000, s11;
	[smem:$0x7CD] =	sst s3  }
0xa0: {  	s6 =	sadd.s32 $0x400, s12;
	[smem:$0x7D0] =	sst s5  }
0xa1: {  	s8 =	sadd.s32 $0x800, s12;
	[smem:$0x7D1] =	sst s6  }
0xa2: {  	s9 =	sadd.s32 $0xC00, s12;
	[smem:$0x7D2] =	sst s8  }
0xa3: {  	s10 =	sadd.s32 $0x1000, s12;
	[smem:$0x7D3] =	sst s9  }
0xa4: {  	s11 =	sadd.s32 $0x400, s13;
	[smem:$0x7D5] =	sst s10  }
0xa5: {  	s12 =	sadd.s32 $0x800, s13;
	[smem:$0x7D6] =	sst s11  }
0xa6: {  	[smem:$0x7D7] =	sst s12  }
0xa7: {  	s22 =	sadd.s32 $0x400, s16;
	s3 =	sld [smem:$0x7E5]  }
0xa8: {  	s23 =	sadd.s32 $0x800, s16;
	[smem:$0x7C3] =	sst s22  }
0xa9: {  	s24 =	sadd.s32 $0xC00, s16;
	[smem:$0x7C4] =	sst s23  }
0xaa: {  	s25 =	sadd.s32 $0x1000, s16;
	[smem:$0x7C5] =	sst s24  }
0xab: {  	s16 =	sadd.s32 $0xC00, s13;
	[smem:$0x7C6] =	sst s25  }
0xac: {  	s26 =	sadd.s32 $0x1000, s14;
	[smem:$0x7D8] =	sst s16  }
0xad: {  	s30 =	sadd.s32 $0x400, s15;
	[smem:$0x7DF] =	sst s26  }
0xae: {  	s31 =	sadd.s32 $0x800, s15;
	[smem:$0x7E0] =	sst s30  }
0xaf: {  	s0 =	smul.u32 $0x9C40, s0;
	s2 =	sadd.s32 $0x1000, s15;
	[smem:$0x7E1] =	sst s31  }
0xb0: {  	s9 =	sadd.s32 $0x400, s17;
	[smem:$0x7E4] =	sst s2  }
0xb1: {  	s7 =	sshrl.u32 s0, $0x2;
	s10 =	sadd.s32 $0x800, s17;
	[smem:$0x7EA] =	sst s9  }
0xb2: {  	s0 =	simm.s32 $0x10700;
	s11 =	sadd.s32 $0xC00, s17;
	[smem:$0x7EB] =	sst s10  }
0xb3: {  	s28 =	simm.s32 $0x10C80;
	s12 =	sadd.s32 $0x1000, s17;
	[smem:$0x7EC] =	sst s11  }
0xb4: {  	s29 =	simm.s32 $0x0;
	s15 =	sadd.s32 $0xC00, s18;
	[smem:$0x7EE] =	sst s12  }
0xb5: {  	s21 =	simm.s32 $0x0;
	s17 =	sadd.s32 $0x400, s19;
	[smem:$0x7F1] =	sst s15  }
0xb6: {  	s1 =	simm.s32 $0x10F80;
	s22 =	sadd.s32 $0x1000, s13;
	[smem:$0x7F4] =	sst s17  }
0xb7: {  	s23 =	sadd.s32 $0x400, s14;
	s24 =	sadd.s32 $0x800, s14;
	[smem:$0x7DA] =	sst s22  }
0xb8: {  	s25 =	sadd.s32 $0xC00, s14;
	s13 =	sadd.s32 $0x400, s18;
	[smem:$0x7DB] =	sst s23  }
0xb9: {  	s14 =	sadd.s32 $0x800, s18;
	s16 =	sadd.s32 $0x1000, s18;
	[smem:$0x7DC] =	sst s24  }
0xba: {  	s18 =	sadd.s32 $0x800, s19;
	s26 =	sadd.s32 $0xC00, s20;
	[smem:$0x7DD] =	sst s25  }
0xbb: {  	s30 =	sadd.s32 $0x1000, s20;
	s31 =	sadd.s32 $0x4E80, s7;
	[smem:$0x7EF] =	sst s13  }
0xbc: {  	s15 =	simm.s32 $0x10300;
	s2 =	simm.s32 $0x11300;
	[smem:$0x7F0] =	sst s14  }
0xbd: {  	s11 =	simm.s32 $0x10380;
	s9 =	simm.s32 $0x10B80;
	[smem:$0x7F3] =	sst s16  }
0xbe: {  	s17 =	simm.s32 $0x11080;
	s12 =	simm.s32 $0x11480;
	[smem:$0x7F5] =	sst s18  }
0xbf: {  	s22 =	sadd.s32 $0xC00, s19;
	s23 =	sadd.s32 $0x1000, s19;
	[smem:$0x7FB] =	sst s26  }
0xc0: {  	s24 =	sadd.s32 $0x400, s20;
	s25 =	sadd.s32 $0x800, s20;
	[smem:$0x7FD] =	sst s30  }
0xc1: {  	s14 =	simm.s32 $0xC500;
	s19 =	simm.s32 $0x10B00;
	[smem:$0x7F6] =	sst s22  }
0xc2: {  	s20 =	simm.s32 $0x10F00;
	s16 =	simm.s32 $0x10400;
	[smem:$0x7F8] =	sst s23  }
0xc3: {  	s26 =	simm.s32 $0x10800;
	s18 =	simm.s32 $0x11000;
	[smem:$0x7F9] =	sst s24  }
0xc4: {  	s13 =	simm.s32 $0x10480;
	s4 =	sadd.s32 $0x400, s3;
	[smem:$0x7FA] =	sst s25  }
0xc5: {  	v0 =	vmov s7;
	s5 =	sadd.s32 $0x800, s3;
	s6 =	sadd.s32 $0xC00, s3;
	[smem:$0x7E6] =	sst s4  }
0xc6: {  	s8 =	sadd.s32 $0x1000, s3;
	s25 =	simm.s32 $0x9D00;
	[smem:$0x7E7] =	sst s5  }
0xc7: {  	s3 =	simm.s32 $0x10780;
	s22 =	simm.s32 $0x10C00;
	[smem:$0x7E8] =	sst s6  }
0xc8: {  	s23 =	simm.s32 $0x10880;
	[smem:$0x7E9] =	sst s8;
	s8 =	simm.s32 $0x1  }
0xc9: {  	v2 =	vimm.f32 $0.0e+00;
	v3 =	vimm.f32 $1.000000000e+00;
	v1 =	vmov s31;
	s4 =	simm.s32 $0x11380;
	s5 =	simm.s32 $0x11400;
	s6 =	simm.s32 $0x11F80  }
.LBB2_1:
0xca: {  	s7 =	rddreg [dreg:$0x8]  }
0xcb: {  	[tilespmem:s21], [sflag:$0x1] =	stream.linear.gather [hbm4b:s7+s21], $0x4E20, $0x38;
	[tilespmem:$0x1C180] =	vst v63  }
0xcc: {  	_ =	swait.ge [sflag:s8], $0x4E20  }
0xcd: {  	[sflag:s8] =	ssyncset.done $0x0  }
0xce: {  	s10 =	simm.s32 $0x4E80;
	s31 =	rddreg [dreg:$0x9];
	[sflag:s8] =	ssyncadd.s32 $0xFFFFB1E0  }
0xcf: {  	[tilespmem:s10], [sflag:$0x1] =	stream.linear.gather [hbm4b:s31+s21], $0x4E20, $0x38;
	[tilespmem:$0x1C180] =	vst v63  }
0xd0: {  	_ =	swait.ge [sflag:s8], $0x4E20  }
0xd1: {  	[sflag:s8] =	ssyncset.done $0x0  }
0xd2: {  	s7 =	simm.s32 $0x0;
	[sflag:s8] =	ssyncadd.s32 $0xFFFFB1E0  }
.LBB2_2:
0xd3: {  	p0 =	sne.s32 s7, $0x9FC0  }
.Ltmp0:
0xd4: {  	_ = 	snop;
	(pc) =	sbr.rel @p0 .LBB2_2-.Ltmp0, $4  }
0xd5: {  	_ = 	snop  }
0xd6: {  	s10 =	sshra.s32 s7, $0x2  }
0xd7: {  	[tilespmem:s10+$0x9D00] =	vst v2  }
0xd8: {  	s7 =	sadd.s32 $0x40, s7;
	[tilespmem:s10+$0xC500] =	vst v2  }
0xd9: {  	s10 =	simm.s32 $0x0  }
0xda: {  	s7 =	simm.s32 $0x40;
	v4 =	vld [tilespmem:s10+$0x0]  }
.LBB2_4:
0xdb: {  	p0 =	sne.s32 s7, $0x13840;
	_ =	sdelay $0x1  }
0xdc: {  	v5 =	vld [tilespmem:s10+$0x4E80];
	_ =	sdelay $0x2  }
.Ltmp1:
0xdd: {  	(pc) =	sbr.rel @p0 .LBB2_4-.Ltmp1, $4  }
0xde: {  	_ = 	snop  }
0xdf: {  	[tilespmem:v4+s25+$0x0] =	vst.idx.add.f32.msk $0xffff, v5  }
0xe0: {  	s10 =	sshra.s32 s7, $0x2;
	[tilespmem:v4+s14+$0x0] =	vst.idx.add.f32.msk $0xffff, v3  }
0xe1: {  	s7 =	sadd.s32 $0x40, s7;
	v4 =	vld [tilespmem:s10+$0x0]  }
0xe2: {  	_ =	sdelay $0x2  }
0xe3: {  	v5 =	vld [tilespmem:s10+$0x4E80];
	_ =	sdelay $0x4  }
0xe4: {  	[tilespmem:v4+s25+$0x0] =	vst.idx.add.f32.msk $0xffff, v5  }
0xe5: {  	s7 =	rddreg [dreg:$0xa];
	s10 =	simm.s32 $0x80;
	s24 =	simm.s32 $0x400;
	[tilespmem:v4+s14+$0x0] =	vst.idx.add.f32.msk $0xffff, v3  }
0xe6: {  	[spmem:s7] =	stream.strided.scatter [tilespmem:s25], [sflag:$0x1], $0x2800, s24, s10, $0x38;
	[tilespmem:$0x1C180] =	vst v63  }
0xe7: {  	_ =	swait.ge [sflag:s8], $0x2800  }
0xe8: {  	[sflag:s8] =	ssyncset.done $0x0  }
0xe9: {  	s31 =	rddreg [dreg:$0xb];
	[sflag:s8] =	ssyncadd.s32 $0xFFFFD800  }
0xea: {  	[spmem:s31] =	stream.strided.scatter [tilespmem:s14], [sflag:$0x1], $0x2800, s24, s10, $0x38;
	[tilespmem:$0x1C180] =	vst v63  }
0xeb: {  	_ =	swait.ge [sflag:s8], $0x2800  }
0xec: {  	[sflag:s8] =	ssyncset.done $0x0  }
0xed: {  	[sflag:s8] =	ssyncadd.s32 $0xFFFFD800  }
0xee: {  	[bflag:$0x0] =	sbarrier.arrive $0xFFFF  }
0xef: {  	s10 =	sld [smem:$0x76D];
	_ =	sdelay $0x1  }
0xf0: {  	s24 =	simm.s32 $0x0;
	s31 =	simm.s32 $0x11A00  }
0xf1: {  	[tilespmem:s31], [sflag:$0x1] =	stream.linear.gather [hbm4b:s10+s24], $0x280, $0x38;
	[tilespmem:$0x1C180] =	vst v63  }
0xf2: {  	_ =	swait.ge [sflag:s8], $0x280  }
0xf3: {  	s10 =	sld [smem:$0x76E]  }
0xf4: {  	[sflag:s8] =	ssyncset.done $0x0  }
0xf5: {  	s31 =	simm.s32 $0x11F00;
	[sflag:s8] =	ssyncadd.s32 $0xFFFFFD80  }
0xf6: {  	[tilespmem:s31], [sflag:$0x1] =	stream.linear.gather [hbm4b:s10+s24], $0x80, $0x38;
	[tilespmem:$0x1C180] =	vst v63  }
0xf7: {  	_ =	swait.ge [sflag:s8], $0x80  }
0xf8: {  	[sflag:s8] =	ssyncset.done $0x0  }
0xf9: {  	s31 =	simm.s32 $0xED00;
	s10 =	rddreg [dreg:$0xc];
	[sflag:s8] =	ssyncadd.s32 $0xFFFFFF80  }
0xfa: {  	[tilespmem:s31], [sflag:$0x1] =	stream.linear.gather [spmem:s10], $0x80, $0x38;
	[tilespmem:$0x1C180] =	vst v63  }
0xfb: {  	s10 =	sld [smem:$0x772];
	_ =	sdelay $0x1  }
0xfc: {  	s31 =	simm.s32 $0xF100  }
0xfd: {  	[tilespmem:s31], [sflag:$0x1] =	stream.linear.gather [spmem:s10], $0x80, $0x38;
	[tilespmem:$0x1C180] =	vst v63  }
0xfe: {  	s10 =	sld [smem:$0x773];
	_ =	sdelay $0x1  }
0xff: {  	s31 =	simm.s32 $0xF500  }
0x100: {  	[tilespmem:s31], [sflag:$0x1] =	stream.linear.gather [spmem:s10], $0x80, $0x38;
	[tilespmem:$0x1C180] =	vst v63  }
0x101: {  	s10 =	sld [smem:$0x774];
	_ =	sdelay $0x1  }
0x102: {  	s31 =	simm.s32 $0xF900  }
0x103: {  	[tilespmem:s31], [sflag:$0x1] =	stream.linear.gather [spmem:s10], $0x80, $0x38;
	[tilespmem:$0x1C180] =	vst v63  }
0x104: {  	s10 =	sld [smem:$0x775];
	_ =	sdelay $0x1  }
0x105: {  	s31 =	simm.s32 $0xFD00  }
0x106: {  	[tilespmem:s31], [sflag:$0x1] =	stream.linear.gather [spmem:s10], $0x80, $0x38;
	[tilespmem:$0x1C180] =	vst v63  }
0x107: {  	_ =	swait.ge [sflag:s8], $0x280  }
0x108: {  	[sflag:s8] =	ssyncset.done $0x0  }
0x109: {  	s31 =	simm.s32 $0xED80;
	s10 =	rddreg [dreg:$0xd];
	[sflag:s8] =	ssyncadd.s32 $0xFFFFFD80  }
0x10a: {  	[tilespmem:s31], [sflag:$0x1] =	stream.linear.gather [spmem:s10], $0x80, $0x38;
	[tilespmem:$0x1C180] =	vst v63  }
0x10b: {  	s10 =	sld [smem:$0x776];
	_ =	sdelay $0x1  }
0x10c: {  	s31 =	simm.s32 $0xF180  }
0x10d: {  	[tilespmem:s31], [sflag:$0x1] =	stream.linear.gather [spmem:s10], $0x80, $0x38;
	[tilespmem:$0x1C180] =	vst v63  }
0x10e: {  	s10 =	sld [smem:$0x777];
	_ =	sdelay $0x1  }
0x10f: {  	s31 =	simm.s32 $0xF580  }
0x110: {  	[tilespmem:s31], [sflag:$0x1] =	stream.linear.gather [spmem:s10], $0x80, $0x38;
	[tilespmem:$0x1C180] =	vst v63  }
0x111: {  	s10 =	sld [smem:$0x778];
	_ =	sdelay $0x1  }
0x112: {  	s31 =	simm.s32 $0xF980  }
0x113: {  	[tilespmem:s31], [sflag:$0x1] =	stream.linear.gather [spmem:s10], $0x80, $0x38;
	[tilespmem:$0x1C180] =	vst v63  }
0x114: {  	s10 =	sld [smem:$0x779];
	_ =	sdelay $0x1  }
0x115: {  	s31 =	simm.s32 $0xFD80  }
0x116: {  	[tilespmem:s31], [sflag:$0x1] =	stream.linear.gather [spmem:s10], $0x80, $0x38;
	[tilespmem:$0x1C180] =	vst v63  }
0x117: {  	_ =	swait.ge [sflag:s8], $0x280  }
0x118: {  	[sflag:s8] =	ssyncset.done $0x0  }
0x119: {  	s31 =	simm.s32 $0xEE00;
	s10 =	rddreg [dreg:$0xe];
	[sflag:s8] =	ssyncadd.s32 $0xFFFFFD80  }
0x11a: {  	[tilespmem:s31], [sflag:$0x1] =	stream.linear.gather [spmem:s10], $0x80, $0x38;
	[tilespmem:$0x1C180] =	vst v63  }
0x11b: {  	s10 =	sld [smem:$0x77A];
	_ =	sdelay $0x1  }
0x11c: {  	s31 =	simm.s32 $0xF200  }
0x11d: {  	[tilespmem:s31], [sflag:$0x1] =	stream.linear.gather [spmem:s10], $0x80, $0x38;
	[tilespmem:$0x1C180] =	vst v63  }
0x11e: {  	s10 =	sld [smem:$0x77B];
	_ =	sdelay $0x1  }
0x11f: {  	s31 =	simm.s32 $0xF600  }
0x120: {  	[tilespmem:s31], [sflag:$0x1] =	stream.linear.gather [spmem:s10], $0x80, $0x38;
	[tilespmem:$0x1C180] =	vst v63  }
0x121: {  	s10 =	sld [smem:$0x77C];
	_ =	sdelay $0x1  }
0x122: {  	s31 =	simm.s32 $0xFA00  }
0x123: {  	[tilespmem:s31], [sflag:$0x1] =	stream.linear.gather [spmem:s10], $0x80, $0x38;
	[tilespmem:$0x1C180] =	vst v63  }
0x124: {  	s10 =	sld [smem:$0x77D];
	_ =	sdelay $0x1  }
0x125: {  	s31 =	simm.s32 $0xFE00  }
0x126: {  	[tilespmem:s31], [sflag:$0x1] =	stream.linear.gather [spmem:s10], $0x80, $0x38;
	[tilespmem:$0x1C180] =	vst v63  }
0x127: {  	_ =	swait.ge [sflag:s8], $0x280  }
0x128: {  	[sflag:s8] =	ssyncset.done $0x0  }
0x129: {  	s31 =	simm.s32 $0xEE80;
	s10 =	rddreg [dreg:$0xf];
	[sflag:s8] =	ssyncadd.s32 $0xFFFFFD80  }
0x12a: {  	[tilespmem:s31], [sflag:$0x1] =	stream.linear.gather [spmem:s10], $0x80, $0x38;
	[tilespmem:$0x1C180] =	vst v63  }
0x12b: {  	s10 =	sld [smem:$0x77E];
	_ =	sdelay $0x1  }
0x12c: {  	s31 =	simm.s32 $0xF280  }
0x12d: {  	[tilespmem:s31], [sflag:$0x1] =	stream.linear.gather [spmem:s10], $0x80, $0x38;
	[tilespmem:$0x1C180] =	vst v63  }
0x12e: {  	s10 =	sld [smem:$0x77F];
	_ =	sdelay $0x1  }
0x12f: {  	s31 =	simm.s32 $0xF680  }
0x130: {  	[tilespmem:s31], [sflag:$0x1] =	stream.linear.gather [spmem:s10], $0x80, $0x38;
	[tilespmem:$0x1C180] =	vst v63  }
0x131: {  	s10 =	sld [smem:$0x780];
	_ =	sdelay $0x1  }
0x132: {  	s31 =	simm.s32 $0xFA80  }
0x133: {  	[tilespmem:s31], [sflag:$0x1] =	stream.linear.gather [spmem:s10], $0x80, $0x38;
	[tilespmem:$0x1C180] =	vst v63  }
0x134: {  	s10 =	sld [smem:$0x781];
	_ =	sdelay $0x1  }
0x135: {  	s31 =	simm.s32 $0xFE80  }
0x136: {  	[tilespmem:s31], [sflag:$0x1] =	stream.linear.gather [spmem:s10], $0x80, $0x38;
	[tilespmem:$0x1C180] =	vst v63  }
0x137: {  	_ =	swait.ge [sflag:s8], $0x280  }
0x138: {  	[sflag:s8] =	ssyncset.done $0x0  }
0x139: {  	s31 =	simm.s32 $0xEF00;
	s10 =	rddreg [dreg:$0x10];
	[sflag:s8] =	ssyncadd.s32 $0xFFFFFD80  }
0x13a: {  	[tilespmem:s31], [sflag:$0x1] =	stream.linear.gather [spmem:s10], $0x80, $0x38;
	[tilespmem:$0x1C180] =	vst v63  }
0x13b: {  	s10 =	sld [smem:$0x782];
	_ =	sdelay $0x1  }
0x13c: {  	s31 =	simm.s32 $0xF300  }
0x13d: {  	[tilespmem:s31], [sflag:$0x1] =	stream.linear.gather [spmem:s10], $0x80, $0x38;
	[tilespmem:$0x1C180] =	vst v63  }
0x13e: {  	s10 =	sld [smem:$0x783];
	_ =	sdelay $0x1  }
0x13f: {  	s31 =	simm.s32 $0xF700  }
0x140: {  	[tilespmem:s31], [sflag:$0x1] =	stream.linear.gather [spmem:s10], $0x80, $0x38;
	[tilespmem:$0x1C180] =	vst v63  }
0x141: {  	s10 =	sld [smem:$0x784];
	_ =	sdelay $0x1  }
0x142: {  	s31 =	simm.s32 $0xFB00  }
0x143: {  	[tilespmem:s31], [sflag:$0x1] =	stream.linear.gather [spmem:s10], $0x80, $0x38;
	[tilespmem:$0x1C180] =	vst v63  }
0x144: {  	s10 =	sld [smem:$0x785];
	_ =	sdelay $0x1  }
0x145: {  	s31 =	simm.s32 $0xFF00  }
0x146: {  	[tilespmem:s31], [sflag:$0x1] =	stream.linear.gather [spmem:s10], $0x80, $0x38;
	[tilespmem:$0x1C180] =	vst v63  }
0x147: {  	_ =	swait.ge [sflag:s8], $0x280  }
0x148: {  	[sflag:s8] =	ssyncset.done $0x0  }
0x149: {  	s31 =	simm.s32 $0xEF80;
	s10 =	rddreg [dreg:$0x11];
	[sflag:s8] =	ssyncadd.s32 $0xFFFFFD80  }
0x14a: {  	[tilespmem:s31], [sflag:$0x1] =	stream.linear.gather [spmem:s10], $0x80, $0x38;
	[tilespmem:$0x1C180] =	vst v63  }
0x14b: {  	s10 =	sld [smem:$0x786];
	_ =	sdelay $0x1  }
0x14c: {  	s31 =	simm.s32 $0xF380  }
0x14d: {  	[tilespmem:s31], [sflag:$0x1] =	stream.linear.gather [spmem:s10], $0x80, $0x38;
	[tilespmem:$0x1C180] =	vst v63  }
0x14e: {  	s10 =	sld [smem:$0x787];
	_ =	sdelay $0x1  }
0x14f: {  	s31 =	simm.s32 $0xF780  }
0x150: {  	[tilespmem:s31], [sflag:$0x1] =	stream.linear.gather [spmem:s10], $0x80, $0x38;
	[tilespmem:$0x1C180] =	vst v63  }
0x151: {  	s10 =	sld [smem:$0x788];
	_ =	sdelay $0x1  }
0x152: {  	s31 =	simm.s32 $0xFB80  }
0x153: {  	[tilespmem:s31], [sflag:$0x1] =	stream.linear.gather [spmem:s10], $0x80, $0x38;
	[tilespmem:$0x1C180] =	vst v63  }
0x154: {  	s10 =	sld [smem:$0x789];
	_ =	sdelay $0x1  }
0x155: {  	s31 =	simm.s32 $0xFF80  }
0x156: {  	[tilespmem:s31], [sflag:$0x1] =	stream.linear.gather [spmem:s10], $0x80, $0x38;
	[tilespmem:$0x1C180] =	vst v63  }
0x157: {  	_ =	swait.ge [sflag:s8], $0x280  }
0x158: {  	[sflag:s8] =	ssyncset.done $0x0  }
0x159: {  	s31 =	simm.s32 $0xF000;
	s10 =	rddreg [dreg:$0x12];
	[sflag:s8] =	ssyncadd.s32 $0xFFFFFD80  }
0x15a: {  	[tilespmem:s31], [sflag:$0x1] =	stream.linear.gather [spmem:s10], $0x80, $0x38;
	[tilespmem:$0x1C180] =	vst v63  }
0x15b: {  	s10 =	sld [smem:$0x78A];
	_ =	sdelay $0x1  }
0x15c: {  	s31 =	simm.s32 $0xF400  }
0x15d: {  	[tilespmem:s31], [sflag:$0x1] =	stream.linear.gather [spmem:s10], $0x80, $0x38;
	[tilespmem:$0x1C180] =	vst v63  }
0x15e: {  	s10 =	sld [smem:$0x78B];
	_ =	sdelay $0x1  }
0x15f: {  	s31 =	simm.s32 $0xF800  }
0x160: {  	[tilespmem:s31], [sflag:$0x1] =	stream.linear.gather [spmem:s10], $0x80, $0x38;
	[tilespmem:$0x1C180] =	vst v63  }
0x161: {  	s10 =	sld [smem:$0x78C];
	_ =	sdelay $0x1  }
0x162: {  	s31 =	simm.s32 $0xFC00  }
0x163: {  	[tilespmem:s31], [sflag:$0x1] =	stream.linear.gather [spmem:s10], $0x80, $0x38;
	[tilespmem:$0x1C180] =	vst v63  }
0x164: {  	s10 =	sld [smem:$0x78D];
	_ =	sdelay $0x1  }
0x165: {  	s31 =	simm.s32 $0x10000  }
0x166: {  	[tilespmem:s31], [sflag:$0x1] =	stream.linear.gather [spmem:s10], $0x80, $0x38;
	[tilespmem:$0x1C180] =	vst v63  }
0x167: {  	_ =	swait.ge [sflag:s8], $0x280  }
0x168: {  	[sflag:s8] =	ssyncset.done $0x0  }
0x169: {  	s31 =	simm.s32 $0xF080;
	s10 =	rddreg [dreg:$0x13];
	[sflag:s8] =	ssyncadd.s32 $0xFFFFFD80  }
0x16a: {  	[tilespmem:s31], [sflag:$0x1] =	stream.linear.gather [spmem:s10], $0x80, $0x38;
	[tilespmem:$0x1C180] =	vst v63  }
0x16b: {  	s10 =	sld [smem:$0x78E];
	_ =	sdelay $0x1  }
0x16c: {  	s31 =	simm.s32 $0xF480  }
0x16d: {  	[tilespmem:s31], [sflag:$0x1] =	stream.linear.gather [spmem:s10], $0x80, $0x38;
	[tilespmem:$0x1C180] =	vst v63  }
0x16e: {  	s10 =	sld [smem:$0x78F];
	_ =	sdelay $0x1  }
0x16f: {  	s31 =	simm.s32 $0xF880  }
0x170: {  	[tilespmem:s31], [sflag:$0x1] =	stream.linear.gather [spmem:s10], $0x80, $0x38;
	[tilespmem:$0x1C180] =	vst v63  }
0x171: {  	s10 =	sld [smem:$0x790];
	_ =	sdelay $0x1  }
0x172: {  	s31 =	simm.s32 $0xFC80  }
0x173: {  	[tilespmem:s31], [sflag:$0x1] =	stream.linear.gather [spmem:s10], $0x80, $0x38;
	[tilespmem:$0x1C180] =	vst v63  }
0x174: {  	s10 =	sld [smem:$0x791];
	_ =	sdelay $0x1  }
0x175: {  	s31 =	simm.s32 $0x10080  }
0x176: {  	[tilespmem:s31], [sflag:$0x1] =	stream.linear.gather [spmem:s10], $0x80, $0x38;
	[tilespmem:$0x1C180] =	vst v63  }
0x177: {  	_ =	swait.ge [sflag:s8], $0x280  }
0x178: {  	[sflag:s8] =	ssyncset.done $0x0  }
0x179: {  	s31 =	simm.s32 $0x10100;
	s10 =	rddreg [dreg:$0x14];
	[sflag:s8] =	ssyncadd.s32 $0xFFFFFD80  }
0x17a: {  	[tilespmem:s31], [sflag:$0x1] =	stream.linear.gather [spmem:s10], $0x80, $0x38;
	[tilespmem:$0x1C180] =	vst v63  }
0x17b: {  	s10 =	sld [smem:$0x792];
	_ =	sdelay $0x1  }
0x17c: {  	s31 =	simm.s32 $0x10500  }
0x17d: {  	[tilespmem:s31], [sflag:$0x1] =	stream.linear.gather [spmem:s10], $0x80, $0x38;
	[tilespmem:$0x1C180] =	vst v63  }
0x17e: {  	s10 =	sld [smem:$0x793];
	_ =	sdelay $0x1  }
0x17f: {  	s31 =	simm.s32 $0x10900  }
0x180: {  	[tilespmem:s31], [sflag:$0x1] =	stream.linear.gather [spmem:s10], $0x80, $0x38;
	[tilespmem:$0x1C180] =	vst v63  }
0x181: {  	s10 =	sld [smem:$0x794];
	_ =	sdelay $0x1  }
0x182: {  	s31 =	simm.s32 $0x10D00  }
0x183: {  	[tilespmem:s31], [sflag:$0x1] =	stream.linear.gather [spmem:s10], $0x80, $0x38;
	[tilespmem:$0x1C180] =	vst v63  }
0x184: {  	s10 =	sld [smem:$0x795];
	_ =	sdelay $0x1  }
0x185: {  	s31 =	simm.s32 $0x11100  }
0x186: {  	[tilespmem:s31], [sflag:$0x1] =	stream.linear.gather [spmem:s10], $0x80, $0x38;
	[tilespmem:$0x1C180] =	vst v63  }
0x187: {  	_ =	swait.ge [sflag:s8], $0x280  }
0x188: {  	[sflag:s8] =	ssyncset.done $0x0  }
0x189: {  	s31 =	simm.s32 $0x10180;
	s10 =	rddreg [dreg:$0x15];
	[sflag:s8] =	ssyncadd.s32 $0xFFFFFD80  }
0x18a: {  	[tilespmem:s31], [sflag:$0x1] =	stream.linear.gather [spmem:s10], $0x80, $0x38;
	[tilespmem:$0x1C180] =	vst v63  }
0x18b: {  	s10 =	sld [smem:$0x796];
	_ =	sdelay $0x1  }
0x18c: {  	s31 =	simm.s32 $0x10580  }
0x18d: {  	[tilespmem:s31], [sflag:$0x1] =	stream.linear.gather [spmem:s10], $0x80, $0x38;
	[tilespmem:$0x1C180] =	vst v63  }
0x18e: {  	s10 =	sld [smem:$0x797];
	_ =	sdelay $0x1  }
0x18f: {  	s31 =	simm.s32 $0x10980  }
0x190: {  	[tilespmem:s31], [sflag:$0x1] =	stream.linear.gather [spmem:s10], $0x80, $0x38;
	[tilespmem:$0x1C180] =	vst v63  }
0x191: {  	s10 =	sld [smem:$0x798];
	_ =	sdelay $0x1  }
0x192: {  	s31 =	simm.s32 $0x10D80  }
0x193: {  	[tilespmem:s31], [sflag:$0x1] =	stream.linear.gather [spmem:s10], $0x80, $0x38;
	[tilespmem:$0x1C180] =	vst v63  }
0x194: {  	s10 =	sld [smem:$0x799];
	_ =	sdelay $0x1  }
0x195: {  	s31 =	simm.s32 $0x11180  }
0x196: {  	[tilespmem:s31], [sflag:$0x1] =	stream.linear.gather [spmem:s10], $0x80, $0x38;
	[tilespmem:$0x1C180] =	vst v63  }
0x197: {  	_ =	swait.ge [sflag:s8], $0x280  }
0x198: {  	[sflag:s8] =	ssyncset.done $0x0  }
0x199: {  	s31 =	simm.s32 $0x10200;
	s10 =	rddreg [dreg:$0x16];
	[sflag:s8] =	ssyncadd.s32 $0xFFFFFD80  }
0x19a: {  	[tilespmem:s31], [sflag:$0x1] =	stream.linear.gather [spmem:s10], $0x80, $0x38;
	[tilespmem:$0x1C180] =	vst v63  }
0x19b: {  	s10 =	sld [smem:$0x79A];
	_ =	sdelay $0x1  }
0x19c: {  	s31 =	simm.s32 $0x10600  }
0x19d: {  	[tilespmem:s31], [sflag:$0x1] =	stream.linear.gather [spmem:s10], $0x80, $0x38;
	[tilespmem:$0x1C180] =	vst v63  }
0x19e: {  	s10 =	sld [smem:$0x79B];
	_ =	sdelay $0x1  }
0x19f: {  	s31 =	simm.s32 $0x10A00  }
0x1a0: {  	[tilespmem:s31], [sflag:$0x1] =	stream.linear.gather [spmem:s10], $0x80, $0x38;
	[tilespmem:$0x1C180] =	vst v63  }
0x1a1: {  	s10 =	sld [smem:$0x79C];
	_ =	sdelay $0x1  }
0x1a2: {  	s31 =	simm.s32 $0x10E00  }
0x1a3: {  	[tilespmem:s31], [sflag:$0x1] =	stream.linear.gather [spmem:s10], $0x80, $0x38;
	[tilespmem:$0x1C180] =	vst v63  }
0x1a4: {  	s10 =	sld [smem:$0x79D];
	_ =	sdelay $0x1  }
0x1a5: {  	s31 =	simm.s32 $0x11200  }
0x1a6: {  	[tilespmem:s31], [sflag:$0x1] =	stream.linear.gather [spmem:s10], $0x80, $0x38;
	[tilespmem:$0x1C180] =	vst v63  }
0x1a7: {  	_ =	swait.ge [sflag:s8], $0x280  }
0x1a8: {  	[sflag:s8] =	ssyncset.done $0x0  }
0x1a9: {  	s31 =	simm.s32 $0x10280;
	s10 =	rddreg [dreg:$0x17];
	[sflag:s8] =	ssyncadd.s32 $0xFFFFFD80  }
0x1aa: {  	[tilespmem:s31], [sflag:$0x1] =	stream.linear.gather [spmem:s10], $0x80, $0x38;
	[tilespmem:$0x1C180] =	vst v63  }
0x1ab: {  	s10 =	sld [smem:$0x79E];
	_ =	sdelay $0x1  }
0x1ac: {  	s31 =	simm.s32 $0x10680  }
0x1ad: {  	[tilespmem:s31], [sflag:$0x1] =	stream.linear.gather [spmem:s10], $0x80, $0x38;
	[tilespmem:$0x1C180] =	vst v63  }
0x1ae: {  	s10 =	sld [smem:$0x79F];
	_ =	sdelay $0x1  }
0x1af: {  	s31 =	simm.s32 $0x10A80  }
0x1b0: {  	[tilespmem:s31], [sflag:$0x1] =	stream.linear.gather [spmem:s10], $0x80, $0x38;
	[tilespmem:$0x1C180] =	vst v63  }
0x1b1: {  	s10 =	sld [smem:$0x7A0];
	_ =	sdelay $0x1  }
0x1b2: {  	s31 =	simm.s32 $0x10E80  }
0x1b3: {  	[tilespmem:s31], [sflag:$0x1] =	stream.linear.gather [spmem:s10], $0x80, $0x38;
	[tilespmem:$0x1C180] =	vst v63  }
0x1b4: {  	s10 =	sld [smem:$0x7A1];
	_ =	sdelay $0x1  }
0x1b5: {  	s31 =	simm.s32 $0x11280  }
0x1b6: {  	[tilespmem:s31], [sflag:$0x1] =	stream.linear.gather [spmem:s10], $0x80, $0x38;
	[tilespmem:$0x1C180] =	vst v63  }
0x1b7: {  	_ =	swait.ge [sflag:s8], $0x280  }
0x1b8: {  	[sflag:s8] =	ssyncset.done $0x0;
	s10 =	rddreg [dreg:$0x18]  }
0x1b9: {  	s31 =	sld [smem:$0x7A2];
	[sflag:s8] =	ssyncadd.s32 $0xFFFFFD80  }
0x1ba: {  	[tilespmem:s15], [sflag:$0x1] =	stream.linear.gather [spmem:s10], $0x80, $0x38;
	[tilespmem:$0x1C180] =	vst v63  }
0x1bb: {  	s10 =	sld [smem:$0x7A3]  }
0x1bc: {  	[tilespmem:s0], [sflag:$0x1] =	stream.linear.gather [spmem:s31], $0x80, $0x38;
	[tilespmem:$0x1C180] =	vst v63  }
0x1bd: {  	s31 =	sld [smem:$0x7A4]  }
0x1be: {  	[tilespmem:s19], [sflag:$0x1] =	stream.linear.gather [spmem:s10], $0x80, $0x38;
	[tilespmem:$0x1C180] =	vst v63  }
0x1bf: {  	s10 =	sld [smem:$0x7A5]  }
0x1c0: {  	[tilespmem:s20], [sflag:$0x1] =	stream.linear.gather [spmem:s31], $0x80, $0x38;
	[tilespmem:$0x1C180] =	vst v63  }
0x1c1: {  	_ = 	snop  }
0x1c2: {  	[tilespmem:s2], [sflag:$0x1] =	stream.linear.gather [spmem:s10], $0x80, $0x38;
	[tilespmem:$0x1C180] =	vst v63  }
0x1c3: {  	_ =	swait.ge [sflag:s8], $0x280  }
0x1c4: {  	[sflag:s8] =	ssyncset.done $0x0;
	s31 =	rddreg [dreg:$0x19]  }
0x1c5: {  	s10 =	sld [smem:$0x7A6];
	[sflag:s8] =	ssyncadd.s32 $0xFFFFFD80  }
0x1c6: {  	[tilespmem:s11], [sflag:$0x1] =	stream.linear.gather [spmem:s31], $0x80, $0x38;
	[tilespmem:$0x1C180] =	vst v63  }
0x1c7: {  	s31 =	sld [smem:$0x7A7]  }
0x1c8: {  	[tilespmem:s3], [sflag:$0x1] =	stream.linear.gather [spmem:s10], $0x80, $0x38;
	[tilespmem:$0x1C180] =	vst v63  }
0x1c9: {  	s10 =	sld [smem:$0x7A8]  }
0x1ca: {  	[tilespmem:s9], [sflag:$0x1] =	stream.linear.gather [spmem:s31], $0x80, $0x38;
	[tilespmem:$0x1C180] =	vst v63  }
0x1cb: {  	s31 =	sld [smem:$0x7A9]  }
0x1cc: {  	[tilespmem:s1], [sflag:$0x1] =	stream.linear.gather [spmem:s10], $0x80, $0x38;
	[tilespmem:$0x1C180] =	vst v63  }
0x1cd: {  	_ = 	snop  }
0x1ce: {  	[tilespmem:s4], [sflag:$0x1] =	stream.linear.gather [spmem:s31], $0x80, $0x38;
	[tilespmem:$0x1C180] =	vst v63  }
0x1cf: {  	_ =	swait.ge [sflag:s8], $0x280  }
0x1d0: {  	[sflag:s8] =	ssyncset.done $0x0;
	s10 =	rddreg [dreg:$0x1a]  }
0x1d1: {  	s31 =	sld [smem:$0x7AA];
	[sflag:s8] =	ssyncadd.s32 $0xFFFFFD80  }
0x1d2: {  	[tilespmem:s16], [sflag:$0x1] =	stream.linear.gather [spmem:s10], $0x80, $0x38;
	[tilespmem:$0x1C180] =	vst v63  }
0x1d3: {  	s10 =	sld [smem:$0x7AB]  }
0x1d4: {  	[tilespmem:s26], [sflag:$0x1] =	stream.linear.gather [spmem:s31], $0x80, $0x38;
	[tilespmem:$0x1C180] =	vst v63  }
0x1d5: {  	s31 =	sld [smem:$0x7AC]  }
0x1d6: {  	[tilespmem:s22], [sflag:$0x1] =	stream.linear.gather [spmem:s10], $0x80, $0x38;
	[tilespmem:$0x1C180] =	vst v63  }
0x1d7: {  	s10 =	sld [smem:$0x7AD]  }
0x1d8: {  	[tilespmem:s18], [sflag:$0x1] =	stream.linear.gather [spmem:s31], $0x80, $0x38;
	[tilespmem:$0x1C180] =	vst v63  }
0x1d9: {  	_ = 	snop  }
0x1da: {  	[tilespmem:s5], [sflag:$0x1] =	stream.linear.gather [spmem:s10], $0x80, $0x38;
	[tilespmem:$0x1C180] =	vst v63  }
0x1db: {  	_ =	swait.ge [sflag:s8], $0x280  }
0x1dc: {  	[sflag:s8] =	ssyncset.done $0x0;
	s31 =	rddreg [dreg:$0x1b]  }
0x1dd: {  	s10 =	sld [smem:$0x7AE];
	[sflag:s8] =	ssyncadd.s32 $0xFFFFFD80  }
0x1de: {  	[tilespmem:s13], [sflag:$0x1] =	stream.linear.gather [spmem:s31], $0x80, $0x38;
	[tilespmem:$0x1C180] =	vst v63  }
0x1df: {  	s31 =	sld [smem:$0x7AF]  }
0x1e0: {  	[tilespmem:s23], [sflag:$0x1] =	stream.linear.gather [spmem:s10], $0x80, $0x38;
	[tilespmem:$0x1C180] =	vst v63  }
0x1e1: {  	s10 =	sld [smem:$0x7B0]  }
0x1e2: {  	[tilespmem:s28], [sflag:$0x1] =	stream.linear.gather [spmem:s31], $0x80, $0x38;
	[tilespmem:$0x1C180] =	vst v63  }
0x1e3: {  	s31 =	sld [smem:$0x7B1]  }
0x1e4: {  	[tilespmem:s17], [sflag:$0x1] =	stream.linear.gather [spmem:s10], $0x80, $0x38;
	[tilespmem:$0x1C180] =	vst v63  }
0x1e5: {  	_ = 	snop  }
0x1e6: {  	[tilespmem:s12], [sflag:$0x1] =	stream.linear.gather [spmem:s31], $0x80, $0x38;
	[tilespmem:$0x1C180] =	vst v63  }
0x1e7: {  	_ =	swait.ge [sflag:s8], $0x280  }
0x1e8: {  	s10 =	sand.u32 $0x70, s24;
	s24 =	sand.u32 $0x1C00, s24;
	[sflag:s8] =	ssyncset.done $0x0  }
0x1e9: {  	s7 =	sor.u32 s10, s24;
	[sflag:s8] =	ssyncadd.s32 $0xFFFFFD80  }
0x1ea: {  	v4 =	vld [tilespmem:s7+$0xED80]  }
0x1eb: {  	v5 =	vld [tilespmem:s7+$0xED00];
	_ =	sdelay $0x1  }
0x1ec: {  	v6 =	vld [tilespmem:s7+$0xEE00];
	_ =	sdelay $0x1  }
0x1ed: {  	v7 =	vld [tilespmem:s7+$0xEE80]  }
0x1ee: {  	v4 =	vadd.f32 v4, v5  }
0x1ef: {  	v5 =	vld [tilespmem:s7+$0xEF00]  }
0x1f0: {  	v4 =	vadd.f32 v6, v4  }
0x1f1: {  	v56 =	vld [tilespmem:s7+$0xEF80]  }
0x1f2: {  	v4 =	vadd.f32 v7, v4  }
0x1f3: {  	v57 =	vld [tilespmem:s7+$0xF000]  }
0x1f4: {  	v4 =	vadd.f32 v5, v4  }
0x1f5: {  	v5 =	vld [tilespmem:s7+$0xF080]  }
0x1f6: {  	v4 =	vadd.f32 v56, v4  }
0x1f7: {  	v58 =	vld [tilespmem:s7+$0x10100]  }
0x1f8: {  	v4 =	vadd.f32 v57, v4  }
0x1f9: {  	v59 =	vld [tilespmem:s7+$0x10180]  }
0x1fa: {  	v4 =	vadd.f32 v5, v4  }
0x1fb: {  	v5 =	vld [tilespmem:s7+$0x10200]  }
0x1fc: {  	v4 =	vadd.f32 v58, v4  }
0x1fd: {  	v60 =	vld [tilespmem:s7+$0x10280]  }
0x1fe: {  	v4 =	vadd.f32 v59, v4  }
0x1ff: {  	v61 =	vld [tilespmem:s7+$0x10300]  }
0x200: {  	v4 =	vadd.f32 v5, v4  }
0x201: {  	v5 =	vld [tilespmem:s7+$0x10380]  }
0x202: {  	v4 =	vadd.f32 v60, v4  }
0x203: {  	v62 =	vld [tilespmem:s7+$0x10400]  }
0x204: {  	v4 =	vadd.f32 v61, v4  }
0x205: {  	v63 =	vld [tilespmem:s7+$0x10480]  }
0x206: {  	v4 =	vadd.f32 v5, v4;
	_ =	sdelay $0x1  }
0x207: {  	v4 =	vadd.f32 v62, v4;
	_ =	sdelay $0x1  }
0x208: {  	s31 =	simm.s32 $0x10;
	s7 =	simm.s32 $0x80;
	v4 =	vadd.f32 v63, v4  }
0x209: {  	s24 =	simm.s32 $0x11500;
	s10 =	sand.u32 $0x70, s31;
	s30 =	sand.u32 $0x1C00, s7  }
0x20a: {  	s30 =	sor.u32 s10, s30;
	s10 =	simm.s32 $0x20;
	[tilespmem:s24+$0x0] =	vst v4  }
.LBB2_6:
0x20b: {  	p0 =	sne.s32 s10, $0x270;
	v4 =	vld [tilespmem:s30+$0xED80]  }
0x20c: {  	v5 =	vld [tilespmem:s30+$0xED00];
	_ =	sdelay $0x1  }
0x20d: {  	v6 =	vld [tilespmem:s30+$0xEE00];
	_ =	sdelay $0x1  }
0x20e: {  	v7 =	vld [tilespmem:s30+$0xEE80]  }
0x20f: {  	v4 =	vadd.f32 v4, v5  }
0x210: {  	v5 =	vld [tilespmem:s30+$0xEF00]  }
0x211: {  	v4 =	vadd.f32 v6, v4  }
0x212: {  	v6 =	vld [tilespmem:s30+$0xEF80]  }
0x213: {  	v4 =	vadd.f32 v7, v4  }
0x214: {  	v7 =	vld [tilespmem:s30+$0xF000]  }
0x215: {  	v4 =	vadd.f32 v5, v4  }
0x216: {  	v5 =	vld [tilespmem:s30+$0xF080]  }
0x217: {  	v4 =	vadd.f32 v6, v4  }
0x218: {  	v6 =	vld [tilespmem:s30+$0x10100]  }
0x219: {  	v4 =	vadd.f32 v7, v4  }
0x21a: {  	v7 =	vld [tilespmem:s30+$0x10180]  }
0x21b: {  	v4 =	vadd.f32 v5, v4  }
0x21c: {  	v5 =	vld [tilespmem:s30+$0x10200]  }
0x21d: {  	v4 =	vadd.f32 v6, v4  }
0x21e: {  	v6 =	vld [tilespmem:s30+$0x10280]  }
0x21f: {  	v4 =	vadd.f32 v7, v4  }
0x220: {  	v7 =	vld [tilespmem:s30+$0x10300]  }
0x221: {  	v4 =	vadd.f32 v5, v4  }
0x222: {  	v5 =	vld [tilespmem:s30+$0x10380]  }
0x223: {  	v4 =	vadd.f32 v6, v4  }
0x224: {  	v6 =	vld [tilespmem:s30+$0x10400]  }
0x225: {  	v4 =	vadd.f32 v7, v4  }
0x226: {  	v7 =	vld [tilespmem:s30+$0x10480]  }
0x227: {  	v4 =	vadd.f32 v5, v4;
	_ =	sdelay $0x1  }
.Ltmp2:
0x228: {  	v4 =	vadd.f32 v6, v4;
	(pc) =	sbr.rel @p0 .LBB2_6-.Ltmp2, $4  }
0x229: {  	_ = 	snop  }
0x22a: {  	s7 =	sadd.s32 $0x80, s7;
	v4 =	vadd.f32 v7, v4  }
0x22b: {  	s24 =	sadd.s32 $0x10, s24;
	s31 =	sand.u32 $0x1C00, s7;
	s30 =	sand.u32 $0x70, s10  }
0x22c: {  	s10 =	sadd.s32 $0x10, s10;
	s30 =	sor.u32 s30, s31;
	[tilespmem:s24+$0x0] =	vst v4  }
0x22d: {  	v4 =	vld [tilespmem:s30+$0xED80]  }
0x22e: {  	v5 =	vld [tilespmem:s30+$0xED00];
	_ =	sdelay $0x1  }
0x22f: {  	v6 =	vld [tilespmem:s30+$0xEE00];
	_ =	sdelay $0x1  }
0x230: {  	v7 =	vld [tilespmem:s30+$0xEE80]  }
0x231: {  	v4 =	vadd.f32 v4, v5  }
0x232: {  	v5 =	vld [tilespmem:s30+$0xEF00]  }
0x233: {  	v4 =	vadd.f32 v6, v4  }
0x234: {  	v46 =	vld [tilespmem:s30+$0xEF80]  }
0x235: {  	v4 =	vadd.f32 v7, v4  }
0x236: {  	v47 =	vld [tilespmem:s30+$0xF000]  }
0x237: {  	v4 =	vadd.f32 v5, v4  }
0x238: {  	v5 =	vld [tilespmem:s30+$0xF080]  }
0x239: {  	v4 =	vadd.f32 v46, v4  }
0x23a: {  	v48 =	vld [tilespmem:s30+$0x10100]  }
0x23b: {  	v4 =	vadd.f32 v47, v4  }
0x23c: {  	v49 =	vld [tilespmem:s30+$0x10180]  }
0x23d: {  	v4 =	vadd.f32 v5, v4  }
0x23e: {  	v5 =	vld [tilespmem:s30+$0x10200]  }
0x23f: {  	v4 =	vadd.f32 v48, v4  }
0x240: {  	v50 =	vld [tilespmem:s30+$0x10280]  }
0x241: {  	v4 =	vadd.f32 v49, v4  }
0x242: {  	v51 =	vld [tilespmem:s30+$0x10300]  }
0x243: {  	v4 =	vadd.f32 v5, v4  }
0x244: {  	v5 =	vld [tilespmem:s30+$0x10380]  }
0x245: {  	v4 =	vadd.f32 v50, v4  }
0x246: {  	v52 =	vld [tilespmem:s30+$0x10400]  }
0x247: {  	v4 =	vadd.f32 v51, v4  }
0x248: {  	v53 =	vld [tilespmem:s30+$0x10480]  }
0x249: {  	v4 =	vadd.f32 v5, v4;
	_ =	sdelay $0x1  }
0x24a: {  	v4 =	vadd.f32 v52, v4;
	_ =	sdelay $0x1  }
0x24b: {  	v4 =	vadd.f32 v53, v4  }
0x24c: {  	s7 =	sadd.s32 $0x10, s24;
	s31 =	rddreg [dreg:$0x1c]  }
0x24d: {  	s10 =	simm.s32 $0xED00;
	s24 =	sld [smem:$0x7B2];
	[tilespmem:s7+$0x0] =	vst v4  }
0x24e: {  	[tilespmem:s10], [sflag:$0x1] =	stream.linear.gather [spmem:s31], $0x80, $0x38;
	[tilespmem:$0x1C180] =	vst v63  }
0x24f: {  	s31 =	simm.s32 $0xF100  }
0x250: {  	[tilespmem:s31], [sflag:$0x1] =	stream.linear.gather [spmem:s24], $0x80, $0x38;
	[tilespmem:$0x1C180] =	vst v63  }
0x251: {  	s24 =	sld [smem:$0x7B3];
	_ =	sdelay $0x1  }
0x252: {  	s31 =	simm.s32 $0xF500  }
0x253: {  	[tilespmem:s31], [sflag:$0x1] =	stream.linear.gather [spmem:s24], $0x80, $0x38;
	[tilespmem:$0x1C180] =	vst v63  }
0x254: {  	s24 =	sld [smem:$0x7B4];
	_ =	sdelay $0x1  }
0x255: {  	s31 =	simm.s32 $0xF900  }
0x256: {  	[tilespmem:s31], [sflag:$0x1] =	stream.linear.gather [spmem:s24], $0x80, $0x38;
	[tilespmem:$0x1C180] =	vst v63  }
0x257: {  	s24 =	sld [smem:$0x7B5];
	_ =	sdelay $0x1  }
0x258: {  	s31 =	simm.s32 $0xFD00  }
0x259: {  	[tilespmem:s31], [sflag:$0x1] =	stream.linear.gather [spmem:s24], $0x80, $0x38;
	[tilespmem:$0x1C180] =	vst v63  }
0x25a: {  	_ =	swait.ge [sflag:s8], $0x280  }
0x25b: {  	[sflag:s8] =	ssyncset.done $0x0  }
0x25c: {  	s31 =	simm.s32 $0xED80;
	s24 =	rddreg [dreg:$0x1d];
	[sflag:s8] =	ssyncadd.s32 $0xFFFFFD80  }
0x25d: {  	[tilespmem:s31], [sflag:$0x1] =	stream.linear.gather [spmem:s24], $0x80, $0x38;
	[tilespmem:$0x1C180] =	vst v63  }
0x25e: {  	s24 =	sld [smem:$0x7B6];
	_ =	sdelay $0x1  }
0x25f: {  	s31 =	simm.s32 $0xF180  }
0x260: {  	[tilespmem:s31], [sflag:$0x1] =	stream.linear.gather [spmem:s24], $0x80, $0x38;
	[tilespmem:$0x1C180] =	vst v63  }
0x261: {  	s24 =	sld [smem:$0x7B7];
	_ =	sdelay $0x1  }
0x262: {  	s31 =	simm.s32 $0xF580  }
0x263: {  	[tilespmem:s31], [sflag:$0x1] =	stream.linear.gather [spmem:s24], $0x80, $0x38;
	[tilespmem:$0x1C180] =	vst v63  }
0x264: {  	s24 =	sld [smem:$0x7B8];
	_ =	sdelay $0x1  }
0x265: {  	s31 =	simm.s32 $0xF980  }
0x266: {  	[tilespmem:s31], [sflag:$0x1] =	stream.linear.gather [spmem:s24], $0x80, $0x38;
	[tilespmem:$0x1C180] =	vst v63  }
0x267: {  	s24 =	sld [smem:$0x7B9];
	_ =	sdelay $0x1  }
0x268: {  	s31 =	simm.s32 $0xFD80  }
0x269: {  	[tilespmem:s31], [sflag:$0x1] =	stream.linear.gather [spmem:s24], $0x80, $0x38;
	[tilespmem:$0x1C180] =	vst v63  }
0x26a: {  	_ =	swait.ge [sflag:s8], $0x280  }
0x26b: {  	[sflag:s8] =	ssyncset.done $0x0  }
0x26c: {  	s31 =	simm.s32 $0xEE00;
	s24 =	rddreg [dreg:$0x1e];
	[sflag:s8] =	ssyncadd.s32 $0xFFFFFD80  }
0x26d: {  	[tilespmem:s31], [sflag:$0x1] =	stream.linear.gather [spmem:s24], $0x80, $0x38;
	[tilespmem:$0x1C180] =	vst v63  }
0x26e: {  	s24 =	sld [smem:$0x7BA];
	_ =	sdelay $0x1  }
0x26f: {  	s31 =	simm.s32 $0xF200  }
0x270: {  	[tilespmem:s31], [sflag:$0x1] =	stream.linear.gather [spmem:s24], $0x80, $0x38;
	[tilespmem:$0x1C180] =	vst v63  }
0x271: {  	s24 =	sld [smem:$0x7BB];
	_ =	sdelay $0x1  }
0x272: {  	s31 =	simm.s32 $0xF600  }
0x273: {  	[tilespmem:s31], [sflag:$0x1] =	stream.linear.gather [spmem:s24], $0x80, $0x38;
	[tilespmem:$0x1C180] =	vst v63  }
0x274: {  	s24 =	sld [smem:$0x7BC];
	_ =	sdelay $0x1  }
0x275: {  	s31 =	simm.s32 $0xFA00  }
0x276: {  	[tilespmem:s31], [sflag:$0x1] =	stream.linear.gather [spmem:s24], $0x80, $0x38;
	[tilespmem:$0x1C180] =	vst v63  }
0x277: {  	s24 =	sld [smem:$0x7BD];
	_ =	sdelay $0x1  }
0x278: {  	s31 =	simm.s32 $0xFE00  }
0x279: {  	[tilespmem:s31], [sflag:$0x1] =	stream.linear.gather [spmem:s24], $0x80, $0x38;
	[tilespmem:$0x1C180] =	vst v63  }
0x27a: {  	_ =	swait.ge [sflag:s8], $0x280  }
0x27b: {  	[sflag:s8] =	ssyncset.done $0x0  }
0x27c: {  	s31 =	simm.s32 $0xEE80;
	s24 =	rddreg [dreg:$0x1f];
	[sflag:s8] =	ssyncadd.s32 $0xFFFFFD80  }
0x27d: {  	[tilespmem:s31], [sflag:$0x1] =	stream.linear.gather [spmem:s24], $0x80, $0x38;
	[tilespmem:$0x1C180] =	vst v63  }
0x27e: {  	s24 =	sld [smem:$0x7BE];
	_ =	sdelay $0x1  }
0x27f: {  	s31 =	simm.s32 $0xF280  }
0x280: {  	[tilespmem:s31], [sflag:$0x1] =	stream.linear.gather [spmem:s24], $0x80, $0x38;
	[tilespmem:$0x1C180] =	vst v63  }
0x281: {  	s24 =	sld [smem:$0x7BF];
	_ =	sdelay $0x1  }
0x282: {  	s31 =	simm.s32 $0xF680  }
0x283: {  	[tilespmem:s31], [sflag:$0x1] =	stream.linear.gather [spmem:s24], $0x80, $0x38;
	[tilespmem:$0x1C180] =	vst v63  }
0x284: {  	s24 =	sld [smem:$0x7C0];
	_ =	sdelay $0x1  }
0x285: {  	s31 =	simm.s32 $0xFA80  }
0x286: {  	[tilespmem:s31], [sflag:$0x1] =	stream.linear.gather [spmem:s24], $0x80, $0x38;
	[tilespmem:$0x1C180] =	vst v63  }
0x287: {  	s24 =	sld [smem:$0x7C1];
	_ =	sdelay $0x1  }
0x288: {  	s31 =	simm.s32 $0xFE80  }
0x289: {  	[tilespmem:s31], [sflag:$0x1] =	stream.linear.gather [spmem:s24], $0x80, $0x38;
	[tilespmem:$0x1C180] =	vst v63  }
0x28a: {  	_ =	swait.ge [sflag:s8], $0x280  }
0x28b: {  	s24 =	sld [smem:$0x7C2]  }
0x28c: {  	[sflag:s8] =	ssyncset.done $0x0  }
0x28d: {  	s31 =	simm.s32 $0xEF00;
	[sflag:s8] =	ssyncadd.s32 $0xFFFFFD80  }
0x28e: {  	[tilespmem:s31], [sflag:$0x1] =	stream.linear.gather [spmem:s24], $0x80, $0x38;
	[tilespmem:$0x1C180] =	vst v63  }
0x28f: {  	s24 =	sld [smem:$0x7C3];
	_ =	sdelay $0x1  }
0x290: {  	s31 =	simm.s32 $0xF300  }
0x291: {  	[tilespmem:s31], [sflag:$0x1] =	stream.linear.gather [spmem:s24], $0x80, $0x38;
	[tilespmem:$0x1C180] =	vst v63  }
0x292: {  	s24 =	sld [smem:$0x7C4];
	_ =	sdelay $0x1  }
0x293: {  	s31 =	simm.s32 $0xF700  }
0x294: {  	[tilespmem:s31], [sflag:$0x1] =	stream.linear.gather [spmem:s24], $0x80, $0x38;
	[tilespmem:$0x1C180] =	vst v63  }
0x295: {  	s24 =	sld [smem:$0x7C5];
	_ =	sdelay $0x1  }
0x296: {  	s31 =	simm.s32 $0xFB00  }
0x297: {  	[tilespmem:s31], [sflag:$0x1] =	stream.linear.gather [spmem:s24], $0x80, $0x38;
	[tilespmem:$0x1C180] =	vst v63  }
0x298: {  	s24 =	sld [smem:$0x7C6];
	_ =	sdelay $0x1  }
0x299: {  	s31 =	simm.s32 $0xFF00  }
0x29a: {  	[tilespmem:s31], [sflag:$0x1] =	stream.linear.gather [spmem:s24], $0x80, $0x38;
	[tilespmem:$0x1C180] =	vst v63  }
0x29b: {  	_ =	swait.ge [sflag:s8], $0x280  }
0x29c: {  	s24 =	sld [smem:$0x7CA]  }
0x29d: {  	[sflag:s8] =	ssyncset.done $0x0  }
0x29e: {  	s31 =	simm.s32 $0xEF80;
	[sflag:s8] =	ssyncadd.s32 $0xFFFFFD80  }
0x29f: {  	[tilespmem:s31], [sflag:$0x1] =	stream.linear.gather [spmem:s24], $0x80, $0x38;
	[tilespmem:$0x1C180] =	vst v63  }
0x2a0: {  	s24 =	sld [smem:$0x7C7];
	_ =	sdelay $0x1  }
0x2a1: {  	s31 =	simm.s32 $0xF380  }
0x2a2: {  	[tilespmem:s31], [sflag:$0x1] =	stream.linear.gather [spmem:s24], $0x80, $0x38;
	[tilespmem:$0x1C180] =	vst v63  }
0x2a3: {  	s24 =	sld [smem:$0x7C8];
	_ =	sdelay $0x1  }
0x2a4: {  	s31 =	simm.s32 $0xF780  }
0x2a5: {  	[tilespmem:s31], [sflag:$0x1] =	stream.linear.gather [spmem:s24], $0x80, $0x38;
	[tilespmem:$0x1C180] =	vst v63  }
0x2a6: {  	s24 =	sld [smem:$0x7C9];
	_ =	sdelay $0x1  }
0x2a7: {  	s31 =	simm.s32 $0xFB80  }
0x2a8: {  	[tilespmem:s31], [sflag:$0x1] =	stream.linear.gather [spmem:s24], $0x80, $0x38;
	[tilespmem:$0x1C180] =	vst v63  }
0x2a9: {  	s24 =	sld [smem:$0x7CB];
	_ =	sdelay $0x1  }
0x2aa: {  	s31 =	simm.s32 $0xFF80  }
0x2ab: {  	[tilespmem:s31], [sflag:$0x1] =	stream.linear.gather [spmem:s24], $0x80, $0x38;
	[tilespmem:$0x1C180] =	vst v63  }
0x2ac: {  	_ =	swait.ge [sflag:s8], $0x280  }
0x2ad: {  	s24 =	sld [smem:$0x7CF]  }
0x2ae: {  	[sflag:s8] =	ssyncset.done $0x0  }
0x2af: {  	s31 =	simm.s32 $0xF000;
	[sflag:s8] =	ssyncadd.s32 $0xFFFFFD80  }
0x2b0: {  	[tilespmem:s31], [sflag:$0x1] =	stream.linear.gather [spmem:s24], $0x80, $0x38;
	[tilespmem:$0x1C180] =	vst v63  }
0x2b1: {  	s24 =	sld [smem:$0x7CC];
	_ =	sdelay $0x1  }
0x2b2: {  	s31 =	simm.s32 $0xF400  }
0x2b3: {  	[tilespmem:s31], [sflag:$0x1] =	stream.linear.gather [spmem:s24], $0x80, $0x38;
	[tilespmem:$0x1C180] =	vst v63  }
0x2b4: {  	s24 =	sld [smem:$0x7CD];
	_ =	sdelay $0x1  }
0x2b5: {  	s31 =	simm.s32 $0xF800  }
0x2b6: {  	[tilespmem:s31], [sflag:$0x1] =	stream.linear.gather [spmem:s24], $0x80, $0x38;
	[tilespmem:$0x1C180] =	vst v63  }
0x2b7: {  	s24 =	sld [smem:$0x7CE];
	_ =	sdelay $0x1  }
0x2b8: {  	s31 =	simm.s32 $0xFC00  }
0x2b9: {  	[tilespmem:s31], [sflag:$0x1] =	stream.linear.gather [spmem:s24], $0x80, $0x38;
	[tilespmem:$0x1C180] =	vst v63  }
0x2ba: {  	s24 =	sld [smem:$0x7D0];
	_ =	sdelay $0x1  }
0x2bb: {  	s31 =	simm.s32 $0x10000  }
0x2bc: {  	[tilespmem:s31], [sflag:$0x1] =	stream.linear.gather [spmem:s24], $0x80, $0x38;
	[tilespmem:$0x1C180] =	vst v63  }
0x2bd: {  	_ =	swait.ge [sflag:s8], $0x280  }
0x2be: {  	s24 =	sld [smem:$0x7D4]  }
0x2bf: {  	[sflag:s8] =	ssyncset.done $0x0  }
0x2c0: {  	s31 =	simm.s32 $0xF080;
	[sflag:s8] =	ssyncadd.s32 $0xFFFFFD80  }
0x2c1: {  	[tilespmem:s31], [sflag:$0x1] =	stream.linear.gather [spmem:s24], $0x80, $0x38;
	[tilespmem:$0x1C180] =	vst v63  }
0x2c2: {  	s24 =	sld [smem:$0x7D1];
	_ =	sdelay $0x1  }
0x2c3: {  	s31 =	simm.s32 $0xF480  }
0x2c4: {  	[tilespmem:s31], [sflag:$0x1] =	stream.linear.gather [spmem:s24], $0x80, $0x38;
	[tilespmem:$0x1C180] =	vst v63  }
0x2c5: {  	s24 =	sld [smem:$0x7D2];
	_ =	sdelay $0x1  }
0x2c6: {  	s31 =	simm.s32 $0xF880  }
0x2c7: {  	[tilespmem:s31], [sflag:$0x1] =	stream.linear.gather [spmem:s24], $0x80, $0x38;
	[tilespmem:$0x1C180] =	vst v63  }
0x2c8: {  	s24 =	sld [smem:$0x7D3];
	_ =	sdelay $0x1  }
0x2c9: {  	s31 =	simm.s32 $0xFC80  }
0x2ca: {  	[tilespmem:s31], [sflag:$0x1] =	stream.linear.gather [spmem:s24], $0x80, $0x38;
	[tilespmem:$0x1C180] =	vst v63  }
0x2cb: {  	s24 =	sld [smem:$0x7D5];
	_ =	sdelay $0x1  }
0x2cc: {  	s31 =	simm.s32 $0x10080  }
0x2cd: {  	[tilespmem:s31], [sflag:$0x1] =	stream.linear.gather [spmem:s24], $0x80, $0x38;
	[tilespmem:$0x1C180] =	vst v63  }
0x2ce: {  	_ =	swait.ge [sflag:s8], $0x280  }
0x2cf: {  	s24 =	sld [smem:$0x7D9]  }
0x2d0: {  	[sflag:s8] =	ssyncset.done $0x0  }
0x2d1: {  	s31 =	simm.s32 $0x10100;
	[sflag:s8] =	ssyncadd.s32 $0xFFFFFD80  }
0x2d2: {  	[tilespmem:s31], [sflag:$0x1] =	stream.linear.gather [spmem:s24], $0x80, $0x38;
	[tilespmem:$0x1C180] =	vst v63  }
0x2d3: {  	s24 =	sld [smem:$0x7D6];
	_ =	sdelay $0x1  }
0x2d4: {  	s31 =	simm.s32 $0x10500  }
0x2d5: {  	[tilespmem:s31], [sflag:$0x1] =	stream.linear.gather [spmem:s24], $0x80, $0x38;
	[tilespmem:$0x1C180] =	vst v63  }
0x2d6: {  	s24 =	sld [smem:$0x7D7];
	_ =	sdelay $0x1  }
0x2d7: {  	s31 =	simm.s32 $0x10900  }
0x2d8: {  	[tilespmem:s31], [sflag:$0x1] =	stream.linear.gather [spmem:s24], $0x80, $0x38;
	[tilespmem:$0x1C180] =	vst v63  }
0x2d9: {  	s24 =	sld [smem:$0x7D8];
	_ =	sdelay $0x1  }
0x2da: {  	s31 =	simm.s32 $0x10D00  }
0x2db: {  	[tilespmem:s31], [sflag:$0x1] =	stream.linear.gather [spmem:s24], $0x80, $0x38;
	[tilespmem:$0x1C180] =	vst v63  }
0x2dc: {  	s24 =	sld [smem:$0x7DA];
	_ =	sdelay $0x1  }
0x2dd: {  	s31 =	simm.s32 $0x11100  }
0x2de: {  	[tilespmem:s31], [sflag:$0x1] =	stream.linear.gather [spmem:s24], $0x80, $0x38;
	[tilespmem:$0x1C180] =	vst v63  }
0x2df: {  	_ =	swait.ge [sflag:s8], $0x280  }
0x2e0: {  	s24 =	sld [smem:$0x7DE]  }
0x2e1: {  	[sflag:s8] =	ssyncset.done $0x0  }
0x2e2: {  	s31 =	simm.s32 $0x10180;
	[sflag:s8] =	ssyncadd.s32 $0xFFFFFD80  }
0x2e3: {  	[tilespmem:s31], [sflag:$0x1] =	stream.linear.gather [spmem:s24], $0x80, $0x38;
	[tilespmem:$0x1C180] =	vst v63  }
0x2e4: {  	s24 =	sld [smem:$0x7DB];
	_ =	sdelay $0x1  }
0x2e5: {  	s31 =	simm.s32 $0x10580  }
0x2e6: {  	[tilespmem:s31], [sflag:$0x1] =	stream.linear.gather [spmem:s24], $0x80, $0x38;
	[tilespmem:$0x1C180] =	vst v63  }
0x2e7: {  	s24 =	sld [smem:$0x7DC];
	_ =	sdelay $0x1  }
0x2e8: {  	s31 =	simm.s32 $0x10980  }
0x2e9: {  	[tilespmem:s31], [sflag:$0x1] =	stream.linear.gather [spmem:s24], $0x80, $0x38;
	[tilespmem:$0x1C180] =	vst v63  }
0x2ea: {  	s24 =	sld [smem:$0x7DD];
	_ =	sdelay $0x1  }
0x2eb: {  	s31 =	simm.s32 $0x10D80  }
0x2ec: {  	[tilespmem:s31], [sflag:$0x1] =	stream.linear.gather [spmem:s24], $0x80, $0x38;
	[tilespmem:$0x1C180] =	vst v63  }
0x2ed: {  	s24 =	sld [smem:$0x7DF];
	_ =	sdelay $0x1  }
0x2ee: {  	s31 =	simm.s32 $0x11180  }
0x2ef: {  	[tilespmem:s31], [sflag:$0x1] =	stream.linear.gather [spmem:s24], $0x80, $0x38;
	[tilespmem:$0x1C180] =	vst v63  }
0x2f0: {  	_ =	swait.ge [sflag:s8], $0x280  }
0x2f1: {  	s24 =	sld [smem:$0x7E3]  }
0x2f2: {  	[sflag:s8] =	ssyncset.done $0x0  }
0x2f3: {  	s31 =	simm.s32 $0x10200;
	[sflag:s8] =	ssyncadd.s32 $0xFFFFFD80  }
0x2f4: {  	[tilespmem:s31], [sflag:$0x1] =	stream.linear.gather [spmem:s24], $0x80, $0x38;
	[tilespmem:$0x1C180] =	vst v63  }
0x2f5: {  	s24 =	sld [smem:$0x7E0];
	_ =	sdelay $0x1  }
0x2f6: {  	s31 =	simm.s32 $0x10600  }
0x2f7: {  	[tilespmem:s31], [sflag:$0x1] =	stream.linear.gather [spmem:s24], $0x80, $0x38;
	[tilespmem:$0x1C180] =	vst v63  }
0x2f8: {  	s24 =	sld [smem:$0x7E1];
	_ =	sdelay $0x1  }
0x2f9: {  	s31 =	simm.s32 $0x10A00  }
0x2fa: {  	[tilespmem:s31], [sflag:$0x1] =	stream.linear.gather [spmem:s24], $0x80, $0x38;
	[tilespmem:$0x1C180] =	vst v63  }
0x2fb: {  	s24 =	sld [smem:$0x7E2];
	_ =	sdelay $0x1  }
0x2fc: {  	s31 =	simm.s32 $0x10E00  }
0x2fd: {  	[tilespmem:s31], [sflag:$0x1] =	stream.linear.gather [spmem:s24], $0x80, $0x38;
	[tilespmem:$0x1C180] =	vst v63  }
0x2fe: {  	s24 =	sld [smem:$0x7E4];
	_ =	sdelay $0x1  }
0x2ff: {  	s31 =	simm.s32 $0x11200  }
0x300: {  	[tilespmem:s31], [sflag:$0x1] =	stream.linear.gather [spmem:s24], $0x80, $0x38;
	[tilespmem:$0x1C180] =	vst v63  }
0x301: {  	_ =	swait.ge [sflag:s8], $0x280  }
0x302: {  	s24 =	sld [smem:$0x7E5]  }
0x303: {  	[sflag:s8] =	ssyncset.done $0x0  }
0x304: {  	s31 =	simm.s32 $0x10280;
	[sflag:s8] =	ssyncadd.s32 $0xFFFFFD80  }
0x305: {  	[tilespmem:s31], [sflag:$0x1] =	stream.linear.gather [spmem:s24], $0x80, $0x38;
	[tilespmem:$0x1C180] =	vst v63  }
0x306: {  	s24 =	sld [smem:$0x7E6];
	_ =	sdelay $0x1  }
0x307: {  	s31 =	simm.s32 $0x10680  }
0x308: {  	[tilespmem:s31], [sflag:$0x1] =	stream.linear.gather [spmem:s24], $0x80, $0x38;
	[tilespmem:$0x1C180] =	vst v63  }
0x309: {  	s24 =	sld [smem:$0x7E7];
	_ =	sdelay $0x1  }
0x30a: {  	s31 =	simm.s32 $0x10A80  }
0x30b: {  	[tilespmem:s31], [sflag:$0x1] =	stream.linear.gather [spmem:s24], $0x80, $0x38;
	[tilespmem:$0x1C180] =	vst v63  }
0x30c: {  	s24 =	sld [smem:$0x7E8];
	_ =	sdelay $0x1  }
0x30d: {  	s31 =	simm.s32 $0x10E80  }
0x30e: {  	[tilespmem:s31], [sflag:$0x1] =	stream.linear.gather [spmem:s24], $0x80, $0x38;
	[tilespmem:$0x1C180] =	vst v63  }
0x30f: {  	s24 =	sld [smem:$0x7E9];
	_ =	sdelay $0x1  }
0x310: {  	s31 =	simm.s32 $0x11280  }
0x311: {  	[tilespmem:s31], [sflag:$0x1] =	stream.linear.gather [spmem:s24], $0x80, $0x38;
	[tilespmem:$0x1C180] =	vst v63  }
0x312: {  	_ =	swait.ge [sflag:s8], $0x280  }
0x313: {  	s24 =	sld [smem:$0x7ED]  }
0x314: {  	[sflag:s8] =	ssyncset.done $0x0  }
0x315: {  	s31 =	sld [smem:$0x7EA];
	[sflag:s8] =	ssyncadd.s32 $0xFFFFFD80  }
0x316: {  	[tilespmem:s15], [sflag:$0x1] =	stream.linear.gather [spmem:s24], $0x80, $0x38;
	[tilespmem:$0x1C180] =	vst v63  }
0x317: {  	s10 =	sld [smem:$0x7EB]  }
0x318: {  	[tilespmem:s0], [sflag:$0x1] =	stream.linear.gather [spmem:s31], $0x80, $0x38;
	[tilespmem:$0x1C180] =	vst v63  }
0x319: {  	s24 =	sld [smem:$0x7EC]  }
0x31a: {  	[tilespmem:s19], [sflag:$0x1] =	stream.linear.gather [spmem:s10], $0x80, $0x38;
	[tilespmem:$0x1C180] =	vst v63  }
0x31b: {  	s31 =	sld [smem:$0x7EE]  }
0x31c: {  	[tilespmem:s20], [sflag:$0x1] =	stream.linear.gather [spmem:s24], $0x80, $0x38;
	[tilespmem:$0x1C180] =	vst v63  }
0x31d: {  	_ = 	snop  }
0x31e: {  	[tilespmem:s2], [sflag:$0x1] =	stream.linear.gather [spmem:s31], $0x80, $0x38;
	[tilespmem:$0x1C180] =	vst v63  }
0x31f: {  	_ =	swait.ge [sflag:s8], $0x280  }
0x320: {  	s10 =	sld [smem:$0x7F2]  }
0x321: {  	[sflag:s8] =	ssyncset.done $0x0  }
0x322: {  	s24 =	sld [smem:$0x7EF];
	[sflag:s8] =	ssyncadd.s32 $0xFFFFFD80  }
0x323: {  	[tilespmem:s11], [sflag:$0x1] =	stream.linear.gather [spmem:s10], $0x80, $0x38;
	[tilespmem:$0x1C180] =	vst v63  }
0x324: {  	s31 =	sld [smem:$0x7F0]  }
0x325: {  	[tilespmem:s3], [sflag:$0x1] =	stream.linear.gather [spmem:s24], $0x80, $0x38;
	[tilespmem:$0x1C180] =	vst v63  }
0x326: {  	s10 =	sld [smem:$0x7F1]  }
0x327: {  	[tilespmem:s9], [sflag:$0x1] =	stream.linear.gather [spmem:s31], $0x80, $0x38;
	[tilespmem:$0x1C180] =	vst v63  }
0x328: {  	s24 =	sld [smem:$0x7F3]  }
0x329: {  	[tilespmem:s1], [sflag:$0x1] =	stream.linear.gather [spmem:s10], $0x80, $0x38;
	[tilespmem:$0x1C180] =	vst v63  }
0x32a: {  	_ = 	snop  }
0x32b: {  	[tilespmem:s4], [sflag:$0x1] =	stream.linear.gather [spmem:s24], $0x80, $0x38;
	[tilespmem:$0x1C180] =	vst v63  }
0x32c: {  	_ =	swait.ge [sflag:s8], $0x280  }
0x32d: {  	s31 =	sld [smem:$0x7F7]  }
0x32e: {  	[sflag:s8] =	ssyncset.done $0x0  }
0x32f: {  	s10 =	sld [smem:$0x7F4];
	[sflag:s8] =	ssyncadd.s32 $0xFFFFFD80  }
0x330: {  	[tilespmem:s16], [sflag:$0x1] =	stream.linear.gather [spmem:s31], $0x80, $0x38;
	[tilespmem:$0x1C180] =	vst v63  }
0x331: {  	s24 =	sld [smem:$0x7F5]  }
0x332: {  	[tilespmem:s26], [sflag:$0x1] =	stream.linear.gather [spmem:s10], $0x80, $0x38;
	[tilespmem:$0x1C180] =	vst v63  }
0x333: {  	s31 =	sld [smem:$0x7F6]  }
0x334: {  	[tilespmem:s22], [sflag:$0x1] =	stream.linear.gather [spmem:s24], $0x80, $0x38;
	[tilespmem:$0x1C180] =	vst v63  }
0x335: {  	s10 =	sld [smem:$0x7F8]  }
0x336: {  	[tilespmem:s18], [sflag:$0x1] =	stream.linear.gather [spmem:s31], $0x80, $0x38;
	[tilespmem:$0x1C180] =	vst v63  }
0x337: {  	_ = 	snop  }
0x338: {  	[tilespmem:s5], [sflag:$0x1] =	stream.linear.gather [spmem:s10], $0x80, $0x38;
	[tilespmem:$0x1C180] =	vst v63  }
0x339: {  	_ =	swait.ge [sflag:s8], $0x280  }
0x33a: {  	s24 =	sld [smem:$0x7FC]  }
0x33b: {  	[sflag:s8] =	ssyncset.done $0x0  }
0x33c: {  	s31 =	sld [smem:$0x7F9];
	[sflag:s8] =	ssyncadd.s32 $0xFFFFFD80  }
0x33d: {  	[tilespmem:s13], [sflag:$0x1] =	stream.linear.gather [spmem:s24], $0x80, $0x38;
	[tilespmem:$0x1C180] =	vst v63  }
0x33e: {  	s10 =	sld [smem:$0x7FA]  }
0x33f: {  	[tilespmem:s23], [sflag:$0x1] =	stream.linear.gather [spmem:s31], $0x80, $0x38;
	[tilespmem:$0x1C180] =	vst v63  }
0x340: {  	s24 =	sld [smem:$0x7FB]  }
0x341: {  	[tilespmem:s28], [sflag:$0x1] =	stream.linear.gather [spmem:s10], $0x80, $0x38;
	[tilespmem:$0x1C180] =	vst v63  }
0x342: {  	s31 =	sld [smem:$0x7FD]  }
0x343: {  	[tilespmem:s17], [sflag:$0x1] =	stream.linear.gather [spmem:s24], $0x80, $0x38;
	[tilespmem:$0x1C180] =	vst v63  }
0x344: {  	_ = 	snop  }
0x345: {  	[tilespmem:s12], [sflag:$0x1] =	stream.linear.gather [spmem:s31], $0x80, $0x38;
	[tilespmem:$0x1C180] =	vst v63  }
0x346: {  	s10 =	simm.s32 $0x0;
	_ =	swait.ge [sflag:s8], $0x280  }
0x347: {  	s7 =	sand.u32 $0x1C00, s10;
	s24 =	sand.u32 $0x70, s10;
	[sflag:s8] =	ssyncset.done $0x0  }
0x348: {  	s7 =	sor.u32 s24, s7;
	[sflag:s8] =	ssyncadd.s32 $0xFFFFFD80  }
0x349: {  	v4 =	vld [tilespmem:s7+$0xED80]  }
0x34a: {  	v5 =	vld [tilespmem:s7+$0xED00];
	_ =	sdelay $0x1  }
0x34b: {  	v54 =	vld [tilespmem:s7+$0xEE00];
	_ =	sdelay $0x1  }
0x34c: {  	v55 =	vld [tilespmem:s7+$0xEE80]  }
0x34d: {  	v4 =	vadd.f32 v4, v5  }
0x34e: {  	v5 =	vld [tilespmem:s7+$0xEF00]  }
0x34f: {  	v4 =	vadd.f32 v54, v4  }
0x350: {  	v56 =	vld [tilespmem:s7+$0xEF80]  }
0x351: {  	v4 =	vadd.f32 v55, v4  }
0x352: {  	v57 =	vld [tilespmem:s7+$0xF000]  }
0x353: {  	v4 =	vadd.f32 v5, v4  }
0x354: {  	v5 =	vld [tilespmem:s7+$0xF080]  }
0x355: {  	v4 =	vadd.f32 v56, v4  }
0x356: {  	v58 =	vld [tilespmem:s7+$0x10100]  }
0x357: {  	v4 =	vadd.f32 v57, v4  }
0x358: {  	v59 =	vld [tilespmem:s7+$0x10180]  }
0x359: {  	v4 =	vadd.f32 v5, v4  }
0x35a: {  	v5 =	vld [tilespmem:s7+$0x10200]  }
0x35b: {  	v4 =	vadd.f32 v58, v4  }
0x35c: {  	v60 =	vld [tilespmem:s7+$0x10280]  }
0x35d: {  	v4 =	vadd.f32 v59, v4  }
0x35e: {  	v61 =	vld [tilespmem:s7+$0x10300]  }
0x35f: {  	v4 =	vadd.f32 v5, v4  }
0x360: {  	v5 =	vld [tilespmem:s7+$0x10380]  }
0x361: {  	v4 =	vadd.f32 v60, v4  }
0x362: {  	v62 =	vld [tilespmem:s7+$0x10400]  }
0x363: {  	v4 =	vadd.f32 v61, v4  }
0x364: {  	v63 =	vld [tilespmem:s7+$0x10480]  }
0x365: {  	v4 =	vadd.f32 v5, v4;
	_ =	sdelay $0x1  }
0x366: {  	v4 =	vadd.f32 v62, v4;
	_ =	sdelay $0x1  }
0x367: {  	s31 =	simm.s32 $0x10;
	s7 =	simm.s32 $0x80;
	v4 =	vadd.f32 v63, v4  }
0x368: {  	s24 =	simm.s32 $0x11780;
	s10 =	sand.u32 $0x70, s31;
	s30 =	sand.u32 $0x1C00, s7  }
0x369: {  	s30 =	sor.u32 s10, s30;
	s10 =	simm.s32 $0x20;
	[tilespmem:s24+$0x0] =	vst v4  }
.LBB2_8:
0x36a: {  	p0 =	sne.s32 s10, $0x270;
	v4 =	vld [tilespmem:s30+$0xED80]  }
0x36b: {  	v5 =	vld [tilespmem:s30+$0xED00];
	_ =	sdelay $0x1  }
0x36c: {  	v6 =	vld [tilespmem:s30+$0xEE00];
	_ =	sdelay $0x1  }
0x36d: {  	v7 =	vld [tilespmem:s30+$0xEE80]  }
0x36e: {  	v4 =	vadd.f32 v4, v5  }
0x36f: {  	v5 =	vld [tilespmem:s30+$0xEF00]  }
0x370: {  	v4 =	vadd.f32 v6, v4  }
0x371: {  	v6 =	vld [tilespmem:s30+$0xEF80]  }
0x372: {  	v4 =	vadd.f32 v7, v4  }
0x373: {  	v7 =	vld [tilespmem:s30+$0xF000]  }
0x374: {  	v4 =	vadd.f32 v5, v4  }
0x375: {  	v5 =	vld [tilespmem:s30+$0xF080]  }
0x376: {  	v4 =	vadd.f32 v6, v4  }
0x377: {  	v6 =	vld [tilespmem:s30+$0x10100]  }
0x378: {  	v4 =	vadd.f32 v7, v4  }
0x379: {  	v7 =	vld [tilespmem:s30+$0x10180]  }
0x37a: {  	v4 =	vadd.f32 v5, v4  }
0x37b: {  	v5 =	vld [tilespmem:s30+$0x10200]  }
0x37c: {  	v4 =	vadd.f32 v6, v4  }
0x37d: {  	v6 =	vld [tilespmem:s30+$0x10280]  }
0x37e: {  	v4 =	vadd.f32 v7, v4  }
0x37f: {  	v7 =	vld [tilespmem:s30+$0x10300]  }
0x380: {  	v4 =	vadd.f32 v5, v4  }
0x381: {  	v5 =	vld [tilespmem:s30+$0x10380]  }
0x382: {  	v4 =	vadd.f32 v6, v4  }
0x383: {  	v6 =	vld [tilespmem:s30+$0x10400]  }
0x384: {  	v4 =	vadd.f32 v7, v4  }
0x385: {  	v7 =	vld [tilespmem:s30+$0x10480]  }
0x386: {  	v4 =	vadd.f32 v5, v4;
	_ =	sdelay $0x1  }
.Ltmp3:
0x387: {  	v4 =	vadd.f32 v6, v4;
	(pc) =	sbr.rel @p0 .LBB2_8-.Ltmp3, $4  }
0x388: {  	_ = 	snop  }
0x389: {  	s7 =	sadd.s32 $0x80, s7;
	v4 =	vadd.f32 v7, v4  }
0x38a: {  	s24 =	sadd.s32 $0x10, s24;
	s31 =	sand.u32 $0x1C00, s7;
	s30 =	sand.u32 $0x70, s10  }
0x38b: {  	s10 =	sadd.s32 $0x10, s10;
	s30 =	sor.u32 s30, s31;
	[tilespmem:s24+$0x0] =	vst v4  }
0x38c: {  	v4 =	vld [tilespmem:s30+$0xED80]  }
0x38d: {  	v5 =	vld [tilespmem:s30+$0xED00];
	_ =	sdelay $0x1  }
0x38e: {  	v6 =	vld [tilespmem:s30+$0xEE00];
	_ =	sdelay $0x1  }
0x38f: {  	v7 =	vld [tilespmem:s30+$0xEE80]  }
0x390: {  	v4 =	vadd.f32 v4, v5  }
0x391: {  	v5 =	vld [tilespmem:s30+$0xEF00]  }
0x392: {  	v4 =	vadd.f32 v6, v4  }
0x393: {  	v6 =	vld [tilespmem:s30+$0xEF80]  }
0x394: {  	v4 =	vadd.f32 v7, v4  }
0x395: {  	v7 =	vld [tilespmem:s30+$0xF000]  }
0x396: {  	v4 =	vadd.f32 v5, v4  }
0x397: {  	v5 =	vld [tilespmem:s30+$0xF080]  }
0x398: {  	v4 =	vadd.f32 v6, v4  }
0x399: {  	v6 =	vld [tilespmem:s30+$0x10100]  }
0x39a: {  	v4 =	vadd.f32 v7, v4  }
0x39b: {  	v7 =	vld [tilespmem:s30+$0x10180]  }
0x39c: {  	v4 =	vadd.f32 v5, v4  }
0x39d: {  	v5 =	vld [tilespmem:s30+$0x10200]  }
0x39e: {  	v4 =	vadd.f32 v6, v4  }
0x39f: {  	v6 =	vld [tilespmem:s30+$0x10280]  }
0x3a0: {  	v4 =	vadd.f32 v7, v4  }
0x3a1: {  	v7 =	vld [tilespmem:s30+$0x10300]  }
0x3a2: {  	v4 =	vadd.f32 v5, v4  }
0x3a3: {  	v5 =	vld [tilespmem:s30+$0x10380]  }
0x3a4: {  	v4 =	vadd.f32 v6, v4  }
0x3a5: {  	v6 =	vld [tilespmem:s30+$0x10400]  }
0x3a6: {  	v4 =	vadd.f32 v7, v4  }
0x3a7: {  	v7 =	vld [tilespmem:s30+$0x10480]  }
0x3a8: {  	v4 =	vadd.f32 v5, v4;
	_ =	sdelay $0x1  }
0x3a9: {  	v4 =	vadd.f32 v6, v4;
	_ =	sdelay $0x1  }
0x3aa: {  	v4 =	vadd.f32 v7, v4  }
0x3ab: {  	s7 =	sadd.s32 $0x10, s24  }
0x3ac: {  	s10 =	simm.s32 $0x0;
	[tilespmem:s7+$0x0] =	vst v4  }
0x3ad: {  	v4 =	vld [tilespmem:s10+$0x11780];
	_ =	sdelay $0x4  }
0x3ae: {  	v4 =	vmax.f32 v4, $1.000000000e+00  }
0x3af: {  	(erf) = vrcp.f32 v4;
	_ =	sdelay $0x1  }
0x3b0: {  	v5 =	vld [tilespmem:s10+$0x11A00]  }
0x3b1: {  	s7 =	simm.s32 $0x10;
	v6 =	vld [tilespmem:$0x11F00]  }
0x3b2: {  	v7 =	vld [tilespmem:s7+$0x11780]  }
0x3b3: {  	v4 =	vld [tilespmem:s10+$0x11500];
	_ =	sdelay $0x3  }
0x3b4: {  	v7 =	vmax.f32 v7, $1.000000000e+00;
	v8 =	vpop (erf)  }
0x3b5: {  	v5 =	vadd.f32 v6, v5;
	(erf) = vrcp.f32 v7;
	v6 =	vmul.f32 v8, v4;
	_ =	sdelay $0x1  }
0x3b6: {  	v4 =	vld [tilespmem:s7+$0x11500];
	v6 =	vsub.f32 v5, v6  }
0x3b7: {  	s24 =	simm.s32 $0x20;
	s30 =	simm.s32 $0xC0;
	v5 =	vld [tilespmem:s7+$0x11A00]  }
.LBB2_10:
0x3b8: {  	p0 =	sne.s32 s30, $0x9C0;
	v7 =	vld [tilespmem:s24+$0x11780];
	[tilespmem:s10+$0x11C80] =	vst v6;
	s10 =	smov.u32 s7;
	s7 =	smov.u32 s24  }
0x3b9: {  	v6 =	vld [tilespmem:$0x11F00];
	_ =	sdelay $0x3  }
.Ltmp4:
0x3ba: {  	v7 =	vmax.f32 v7, $1.000000000e+00;
	v8 =	vpop (erf);
	(pc) =	sbr.rel @p0 .LBB2_10-.Ltmp4, $3  }
0x3bb: {  	(erf) = vrcp.f32 v7;
	v5 =	vadd.f32 v6, v5;
	v6 =	vmul.f32 v8, v4;
	_ =	sdelay $0x1  }
0x3bc: {  	v4 =	vld [tilespmem:s7+$0x11500];
	v6 =	vsub.f32 v5, v6  }
0x3bd: {  	s24 =	sshra.s32 s30, $0x2;
	s30 =	sadd.s32 $0x40, s30;
	v5 =	vld [tilespmem:s7+$0x11A00]  }
0x3be: {  	v7 =	vld [tilespmem:s24+$0x11780];
	[tilespmem:s10+$0x11C80] =	vst v6  }
0x3bf: {  	v6 =	vld [tilespmem:$0x11F00];
	_ =	sdelay $0x3  }
0x3c0: {  	v7 =	vmax.f32 v7, $1.000000000e+00;
	v8 =	vpop (erf)  }
0x3c1: {  	(erf) = vrcp.f32 v7;
	v5 =	vadd.f32 v6, v5;
	v4 =	vmul.f32 v8, v4;
	_ =	sdelay $0x1  }
0x3c2: {  	v4 =	vsub.f32 v5, v4  }
0x3c3: {  	v63 =	vld [tilespmem:s24+$0x11500]  }
0x3c4: {  	v5 =	vld [tilespmem:s24+$0x11A00];
	[tilespmem:s7+$0x11C80] =	vst v4  }
0x3c5: {  	v4 =	vld [tilespmem:$0x11F00];
	_ =	sdelay $0x3  }
0x3c6: {  	v7 =	vpop (erf)  }
0x3c7: {  	v4 =	vadd.f32 v4, v5;
	v5 =	vmul.f32 v7, v63;
	_ =	sdelay $0x1  }
0x3c8: {  	v4 =	vsub.f32 v4, v5;
	_ =	sdelay $0x1  }
0x3c9: {  	[tilespmem:s24+$0x11C80] =	vst v4;
	s24 =	sld [smem:$0x76F];
	_ =	sdelay $0x1  }
0x3ca: {  	s30 =	simm.s32 $0x11C80  }
0x3cb: {  	[spmem:s24] =	stream.linear.scatter [tilespmem:s30], [sflag:$0x1], $0x280, $0x38;
	[tilespmem:$0x1C180] =	vst v63  }
0x3cc: {  	_ =	swait.ge [sflag:s8], $0x280  }
0x3cd: {  	[sflag:s8] =	ssyncset.done $0x0  }
0x3ce: {  	[sflag:s8] =	ssyncadd.s32 $0xFFFFFD80  }
0x3cf: {  	[bflag:$0x0] =	sbarrier.arrive $0xFFFF  }
0x3d0: {  	s31 =	rddreg [dreg:$0x6]  }
0x3d1: {  	[tilespmem:s6], [sflag:$0x1] =	stream.linear.gather [spmem:s31], $0x2800, $0x38;
	[tilespmem:$0x1C180] =	vst v63  }
0x3d2: {  	_ =	swait.ge [sflag:s8], $0x2800  }
0x3d3: {  	[sflag:s8] =	ssyncset.done $0x0  }
0x3d4: {  	s10 =	simm.s32 $0x40;
	s7 =	simm.s32 $0x0;
	[sflag:s8] =	ssyncadd.s32 $0xFFFFD800  }
.LBB2_12:
0x3d5: {  	p0 =	sne.s32 s10, $0x9C00;
	v4 =	vld.idx.msk [tilespmem:v0+s7+$0x0 ss:$0x1], $0xffff;
	_ =	sdelay $0x6  }
0x3d6: {  	v5 =	vld.idx.msk [tilespmem:v1+s7+$0x0 ss:$0x1], $0xffff  }
0x3d7: {  	v4 =	vld.idx.msk [tilespmem:v4+s6+$0x0], $0xffff;
	_ =	sdelay $0x3  }
.Ltmp5:
0x3d8: {  	(pc) =	sbr.rel @p0 .LBB2_12-.Ltmp5, $3  }
0x3d9: {  	_ = 	snop  }
0x3da: {  	v4 =	vadd.f32 v4, v5;
	_ =	sdelay $0x1  }
0x3db: {  	[tilespmem:s7+$0x14780] =	vst v4;
	s7 =	sshra.s32 s10, $0x2;
	s10 =	sadd.s32 $0x40, s10  }
0x3dc: {  	_ =	sdelay $0x3  }
0x3dd: {  	v4 =	vld.idx.msk [tilespmem:v0+s7+$0x0 ss:$0x1], $0xffff;
	_ =	sdelay $0x6  }
0x3de: {  	v5 =	vld.idx.msk [tilespmem:v1+s7+$0x0 ss:$0x1], $0xffff  }
0x3df: {  	v4 =	vld.idx.msk [tilespmem:v4+s6+$0x0], $0xffff;
	_ =	sdelay $0x4  }
0x3e0: {  	s30 =	sld [smem:$0x76C];
	v4 =	vadd.f32 v4, v5;
	_ =	sdelay $0x1  }
0x3e1: {  	s10 =	simm.s32 $0x14780;
	[tilespmem:s7+$0x14780] =	vst v4  }
0x3e2: {  	[hbm4b:s30+s21] =	stream.linear.scatter [tilespmem:s10], [sflag:$0x1], $0x2710, $0x38;
	[tilespmem:$0x1C180] =	vst v63  }
0x3e3: {  	_ =	swait.ge [sflag:s8], $0x2710  }
0x3e4: {  	s31 =	sld [smem:$0x771];
	_ =	sdelay $0x1  }
0x3e5: {  	s29 =	sadd.s32 $0x1, s29  }
0x3e6: {  	p0 =	sne.s32 s29, s31  }
.Ltmp6:
0x3e7: {  	_ = 	snop;
	(pc) =	sbr.rel @p0 .LBB2_1-.Ltmp6, $3  }
0x3e8: {  	_ =	sdelay $0x1  }
0x3e9: {  	[sflag:s8] =	ssyncset.done $0x0  }
0x3ea: {  	[sflag:s8] =	ssyncadd.s32 $0xFFFFD8F0  }
0x3eb: {  	_ =	sfence.sel $0x180000  }
0x3ec: {  	[bflag:$0x0] =	sbarrier.arrive $0xFFFF  }
0x3ed: {  	_ =	strace $0x90000047  }
0x3ee: {  	s0 =	stileid.u32;
	[bflag:$0x2] =	sbarrier.arrive $0xFFFF  }
0x3ef: {  	p0 =	sne.s32 s0, $0x0;
	s0 =	rddreg [dreg:$0x7]  }
0x3f0: {  	s0 =	sadd.s32 @!p0 $0x100000, s0  }
0x3f1: {  	[sflag:s0] =	ssyncadd.tile.s32 @!p0 $0x1;
	_ =	shalt  }
.Lfunc_end2:
_tile_overlayer_lowered:
.L_overlay_start_2:
0x3f2: {  	(tag) =	ssettag $0x2  }
0x3f3: {  	s0 =	rddreg [dreg:$0x0];
	s2 =	stileid.u32  }
0x3f4: {  	s1 =	rddreg [dreg:$0x1];
	p0 =	sne.s32 s2, $0x0  }
0x3f5: {  	s3 =	rddreg [dreg:$0x2];
	[bflag:$0x3] =	sbarrier.arrive $0xFFFF;
	s2 =	simm.s32 @!p0 $0x1C01  }
0x3f6: {  	[timem:s3], [sflag:s2] =	dma.local @!p0 [hbm:s0], s1  }
0x3f7: {  	s0 =	simm.s32 @!p0 $0x1  }
0x3f8: {  	_ =	swait.ge @!p0 [sflag:s0], s1  }
0x3f9: {  	s1 =	ssub.s32 @!p0 $0x0, s1;
	[sflag:s0] =	ssyncset.done @!p0 $0x0  }
0x3fa: {  	[sflag:s0] =	ssyncadd.s32 @!p0 s1  }
0x3fb: {  	[bflag:$0x3] =	sbarrier.arrive $0xFFFF  }
0x3fc: {  	_ =	shalt  }

</sc_bundles>
